<compile_context>
chip_gen: v7x
topology: tpu7x:2x2x1
jax: 0.10.2.dev20260603
libtpu: 0.0.44.dev20260713+nightly
codegen_flags: <defaults>
</compile_context>

<pallas_src>
import functools

import jax
import jax.numpy as jnp
from jax import lax
from jax.experimental import pallas as pl
from jax.experimental.pallas import tpu as pltpu
from jax.experimental.pallas import tpu_sc as plsc

L = 16
NW = 32
C = 8
N = 64
H = 256
W = 256
NHW = N * H * W
HO = 1024
WO = 1024
NPIX = HO * WO
PPT = NPIX // NW
P = 1024
NCHUNK = PPT // P
IR = P // 128


def _sc_body(table, q_hbm, u_hbm, v_hbm, out_hbm,
             q_v, u_v, v_v, wx_v, wy_v,
             i00, i01, i10, i11, b00, b01, b10, b11, ost, sem):
  wid = lax.axis_index("s") * 2 + lax.axis_index("c")
  tile_base = wid * PPT
  iot = lax.iota(jnp.int32, L)

  def chunk_body(ci, carry):
    g = tile_base + ci * P
    pltpu.sync_copy(q_hbm.at[pl.ds(g, P)], q_v)
    pltpu.sync_copy(u_hbm.at[pl.ds(g, P)], u_v)
    pltpu.sync_copy(v_hbm.at[pl.ds(g, P)], v_v)

    def idx_body(j, carry2):
      s = j * L
      u = u_v[pl.ds(s, L)] * float(W - 1)
      v = v_v[pl.ds(s, L)] * float(H - 1)
      x0 = jnp.minimum(u.astype(jnp.int32), W - 2)
      y0 = jnp.minimum(v.astype(jnp.int32), H - 2)
      wx_v[pl.ds(s, L)] = u - x0.astype(jnp.float32)
      wy_v[pl.ds(s, L)] = v - y0.astype(jnp.float32)
      base = q_v[pl.ds(s, L)] * (H * W) + y0 * W + x0
      r = j // 8
      cc = (j % 8) * L
      i00[r, pl.ds(cc, L)] = base
      i01[r, pl.ds(cc, L)] = base + 1
      i10[r, pl.ds(cc, L)] = base + W
      i11[r, pl.ds(cc, L)] = base + (W + 1)
      return carry2

    lax.fori_loop(0, P // L, idx_body, 0)

    cps = []
    for idx_ref, buf in ((i00, b00), (i01, b01), (i10, b10), (i11, b11)):
      for r in range(IR):
        cps.append(pltpu.async_copy(table.at[idx_ref.at[r]],
                                    buf.at[pl.ds(r * 128, 128), :], sem))
    for cp in cps:
      cp.wait()

    def comb_body(j, carry2):
      s = j * L
      row = s + iot
      wx = wx_v[pl.ds(s, L)]
      wy = wy_v[pl.ds(s, L)]
      for c in range(C):
        col = jnp.full((L,), c, jnp.int32)
        v00 = plsc.load_gather(b00, [row, col])
        v01 = plsc.load_gather(b01, [row, col])
        v10 = plsc.load_gather(b10, [row, col])
        v11 = plsc.load_gather(b11, [row, col])
        top = v00 + wx * (v01 - v00)
        bot = v10 + wx * (v11 - v10)
        ost[c, pl.ds(s, L)] = top + wy * (bot - top)
      return carry2

    lax.fori_loop(0, P // L, comb_body, 0)

    row = g // WO
    for c in range(C):
      pltpu.sync_copy(ost.at[c], out_hbm.at[0, c, row, :])
    return carry

  lax.fori_loop(0, NCHUNK, chunk_body, 0)


def _sc_resample(table, q, u, v):
  return pl.kernel(
      _sc_body,
      out_type=jax.ShapeDtypeStruct((1, C, HO, WO), jnp.float32),
      mesh=plsc.VectorSubcoreMesh(core_axis_name="c", subcore_axis_name="s"),
      compiler_params=pltpu.CompilerParams(
          needs_layout_passes=False, use_tc_tiling_on_sc=False),
      scratch_types=[
          pltpu.VMEM((P,), jnp.int32),
          pltpu.VMEM((P,), jnp.float32),
          pltpu.VMEM((P,), jnp.float32),
          pltpu.VMEM((P,), jnp.float32),
          pltpu.VMEM((P,), jnp.float32),
          pltpu.VMEM((IR, 128), jnp.int32),
          pltpu.VMEM((IR, 128), jnp.int32),
          pltpu.VMEM((IR, 128), jnp.int32),
          pltpu.VMEM((IR, 128), jnp.int32),
          pltpu.VMEM((P, C), jnp.float32),
          pltpu.VMEM((P, C), jnp.float32),
          pltpu.VMEM((P, C), jnp.float32),
          pltpu.VMEM((P, C), jnp.float32),
          pltpu.VMEM((C, P), jnp.float32),
          pltpu.SemaphoreType.DMA,
      ],
  )(table, q, u, v)


@jax.jit
def kernel(x, quad_idx, tex_uv):
  table = jnp.transpose(x[0], (1, 2, 3, 0)).reshape(NHW, C)
  q = quad_idx.reshape(-1).astype(jnp.int32)
  u = tex_uv[..., 0].reshape(-1)
  v = tex_uv[..., 1].reshape(-1)
  return _sc_resample(table, q, u, v)

# --- scband reference (transcript-rebuilt; emitter-appended) ---
"""Pipeline reference for scband-resample-from-uv-56410100465681 (READ-ONLY COPY).

The authoritative reference and input builder live on the scoring server;
editing this copy changes nothing except your own understanding.
"""

import jax, jax.numpy as jnp
import numpy as np


def setup_inputs(seed: int = 0) -> dict:
    key = jax.random.key(seed)
    k1, k2, k3 = jax.random.split(key, 3)
    x = jax.random.normal(k1, (1, 8, 64, 256, 256), dtype=jnp.float32)
    quad_idx = jax.random.randint(k2, (1024, 1024), 0, 64)
    tex_uv = jax.random.uniform(k3, (1024, 1024, 2), dtype=jnp.float32)
    return {"x": x, "quad_idx": quad_idx, "tex_uv": tex_uv}


def reference(x, quad_idx, tex_uv):
    # x: B x C x N x H x W; quad_idx: Ho x Wo (texture index per output pixel);
    # tex_uv: Ho x Wo x 2 in [0,1]. Bilinear interpolation (interp=1).
    B, C, N, H, W = x.shape
    Ho, Wo = quad_idx.shape
    u = tex_uv[..., 0] * (W - 1)
    v = tex_uv[..., 1] * (H - 1)
    x0 = jnp.floor(u)
    y0 = jnp.floor(v)
    wx = u - x0
    wy = v - y0
    x0i = jnp.clip(x0.astype(jnp.int32), 0, W - 1)
    x1i = jnp.clip(x0i + 1, 0, W - 1)
    y0i = jnp.clip(y0.astype(jnp.int32), 0, H - 1)
    y1i = jnp.clip(y0i + 1, 0, H - 1)
    xf = x.reshape(B, C, N * H * W)
    base = quad_idx.astype(jnp.int32) * (H * W)

    def gather(yi, xi):
        idx = (base + yi * W + xi).reshape(-1)
        g = jnp.take(xf, idx, axis=2)
        return g.reshape(B, C, Ho, Wo)

    v00 = gather(y0i, x0i)
    v01 = gather(y0i, x1i)
    v10 = gather(y1i, x0i)
    v11 = gather(y1i, x1i)
    wxb = wx[None, None, :, :]
    wyb = wy[None, None, :, :]
    out = (1.0 - wyb) * ((1.0 - wxb) * v00 + wxb * v01) + wyb * ((1.0 - wxb) * v10 + wxb * v11)
    return out

if __name__ == "__main__":
    import jax
    _d = setup_inputs()
    print(jax.jit(kernel)(*tuple(_d.values())))

</pallas_src>

<mosaic_0001>
#map = affine_map<(d0, d1) -> (0, 0)>
#map1 = affine_map<(d0, d1) -> (0)>
#map2 = affine_map<(d0, d1) -> (0, 0, 0, 0)>
module attributes {stable_mosaic.version = 14 : i64} {
  func.func @_sc_body(%arg0: i32, %arg1: i32, %arg2: memref<4194304x8xf32, #tpu.memory_space<hbm>>, %arg3: memref<1048576xi32, #tpu.memory_space<hbm>>, %arg4: memref<1048576xf32, #tpu.memory_space<hbm>>, %arg5: memref<1048576xf32, #tpu.memory_space<hbm>>, %arg6: memref<1x8x1024x1024xf32, #tpu.memory_space<hbm>>, %arg7: memref<1024xi32, #tpu.memory_space<vmem>>, %arg8: memref<1024xf32, #tpu.memory_space<vmem>>, %arg9: memref<1024xf32, #tpu.memory_space<vmem>>, %arg10: memref<1024xf32, #tpu.memory_space<vmem>>, %arg11: memref<1024xf32, #tpu.memory_space<vmem>>, %arg12: memref<8x128xi32, #tpu.memory_space<vmem>>, %arg13: memref<8x128xi32, #tpu.memory_space<vmem>>, %arg14: memref<8x128xi32, #tpu.memory_space<vmem>>, %arg15: memref<8x128xi32, #tpu.memory_space<vmem>>, %arg16: memref<1024x8xf32, #tpu.memory_space<vmem>>, %arg17: memref<1024x8xf32, #tpu.memory_space<vmem>>, %arg18: memref<1024x8xf32, #tpu.memory_space<vmem>>, %arg19: memref<1024x8xf32, #tpu.memory_space<vmem>>, %arg20: memref<8x1024xf32, #tpu.memory_space<vmem>>, %arg21: memref<!tpu.dma_semaphore, #tpu.memory_space<semaphore_mem>>) attributes {dimension_semantics = [#tpu.dimension_semantics<core_parallel>, #tpu.dimension_semantics<subcore_parallel>], iteration_bounds = array<i64: 2, 16>, scalar_prefetch = 0 : i64, scratch_operands = 15 : i64, tpu.core_type = #tpu.core_type<sc_vector_subcore>, window_params = [{transform_indices = #map}, {transform_indices = #map1}, {transform_indices = #map1}, {transform_indices = #map1}, {transform_indices = #map2}]} {
    %mul3A = arith.constant 2 : i32
    %mul3A_0 = arith.muli %arg1, %mul3A : i32
    %add3A = arith.addi %mul3A_0, %arg0 : i32
    %mul3A_1 = arith.constant 32768 : i32
    %mul3A_2 = arith.muli %add3A, %mul3A_1 : i32
    %iota3A = tpu.iota {dimensions = array<i32: 0>} : vector<16xi32>
    %scan3A = arith.constant 0 : i32
    %scan3A_3 = arith.constant 0 : i32
    %scan3A_4 = arith.constant 32 : i32
    %scan3A_5 = arith.addi %scan3A_3, %scan3A_4 : i32
    %scan3A_6 = arith.constant 1 : i32
    scf.for %scan3A_8 = %scan3A_3 to %scan3A_5 step %scan3A_6  : i32 {
      %mul3A_9 = arith.constant 1024 : i32
      %mul3A_10 = arith.muli %scan3A_8, %mul3A_9 : i32
      %add3A_11 = arith.addi %mul3A_2, %mul3A_10 : i32
      "tpu.region"() ({
        %run_scoped3A_701 = tpu.sem_alloc : memref<!tpu.dma_semaphore, #tpu.memory_space<semaphore_mem>>
        %dma_start3A_702 = tpu.memref_slice %arg3[%add3A_11] : memref<1048576xi32, #tpu.memory_space<hbm>> -> memref<1024xi32, #tpu.memory_space<hbm>>
        %dma_start3A_703 = tpu.memref_slice %arg3[%add3A_11] : memref<1048576xi32, #tpu.memory_space<hbm>> -> memref<1024xi32, #tpu.memory_space<hbm>>
        tpu.enqueue_dma source(%dma_start3A_703 : memref<1024xi32, #tpu.memory_space<hbm>>) target(%arg7 : memref<1024xi32, #tpu.memory_space<vmem>>) target_semaphore(%run_scoped3A_701 : memref<!tpu.dma_semaphore, #tpu.memory_space<semaphore_mem>>)
        %dma_wait3A_704 = tpu.memref_slice %arg3[%add3A_11] : memref<1048576xi32, #tpu.memory_space<hbm>> -> memref<1024xi32, #tpu.memory_space<hbm>>
        %dma_wait3A_705 = tpu.memref_slice %arg3[%add3A_11] : memref<1048576xi32, #tpu.memory_space<hbm>> -> memref<1024xi32, #tpu.memory_space<hbm>>
        tpu.wait_dma2 semaphore(%run_scoped3A_701 : memref<!tpu.dma_semaphore, #tpu.memory_space<semaphore_mem>>) src(%dma_wait3A_705 : memref<1024xi32, #tpu.memory_space<hbm>>) dst(%arg7 : memref<1024xi32, #tpu.memory_space<vmem>>)
        tpu.yield
      }) : () -> ()
      "tpu.region"() ({
        %run_scoped3A_701 = tpu.sem_alloc : memref<!tpu.dma_semaphore, #tpu.memory_space<semaphore_mem>>
        %dma_start3A_702 = tpu.memref_slice %arg4[%add3A_11] : memref<1048576xf32, #tpu.memory_space<hbm>> -> memref<1024xf32, #tpu.memory_space<hbm>>
        %dma_start3A_703 = tpu.memref_slice %arg4[%add3A_11] : memref<1048576xf32, #tpu.memory_space<hbm>> -> memref<1024xf32, #tpu.memory_space<hbm>>
        tpu.enqueue_dma source(%dma_start3A_703 : memref<1024xf32, #tpu.memory_space<hbm>>) target(%arg8 : memref<1024xf32, #tpu.memory_space<vmem>>) target_semaphore(%run_scoped3A_701 : memref<!tpu.dma_semaphore, #tpu.memory_space<semaphore_mem>>)
        %dma_wait3A_704 = tpu.memref_slice %arg4[%add3A_11] : memref<1048576xf32, #tpu.memory_space<hbm>> -> memref<1024xf32, #tpu.memory_space<hbm>>
        %dma_wait3A_705 = tpu.memref_slice %arg4[%add3A_11] : memref<1048576xf32, #tpu.memory_space<hbm>> -> memref<1024xf32, #tpu.memory_space<hbm>>
        tpu.wait_dma2 semaphore(%run_scoped3A_701 : memref<!tpu.dma_semaphore, #tpu.memory_space<semaphore_mem>>) src(%dma_wait3A_705 : memref<1024xf32, #tpu.memory_space<hbm>>) dst(%arg8 : memref<1024xf32, #tpu.memory_space<vmem>>)
        tpu.yield
      }) : () -> ()
      "tpu.region"() ({
        %run_scoped3A_701 = tpu.sem_alloc : memref<!tpu.dma_semaphore, #tpu.memory_space<semaphore_mem>>
        %dma_start3A_702 = tpu.memref_slice %arg5[%add3A_11] : memref<1048576xf32, #tpu.memory_space<hbm>> -> memref<1024xf32, #tpu.memory_space<hbm>>
        %dma_start3A_703 = tpu.memref_slice %arg5[%add3A_11] : memref<1048576xf32, #tpu.memory_space<hbm>> -> memref<1024xf32, #tpu.memory_space<hbm>>
        tpu.enqueue_dma source(%dma_start3A_703 : memref<1024xf32, #tpu.memory_space<hbm>>) target(%arg9 : memref<1024xf32, #tpu.memory_space<vmem>>) target_semaphore(%run_scoped3A_701 : memref<!tpu.dma_semaphore, #tpu.memory_space<semaphore_mem>>)
        %dma_wait3A_704 = tpu.memref_slice %arg5[%add3A_11] : memref<1048576xf32, #tpu.memory_space<hbm>> -> memref<1024xf32, #tpu.memory_space<hbm>>
        %dma_wait3A_705 = tpu.memref_slice %arg5[%add3A_11] : memref<1048576xf32, #tpu.memory_space<hbm>> -> memref<1024xf32, #tpu.memory_space<hbm>>
        tpu.wait_dma2 semaphore(%run_scoped3A_701 : memref<!tpu.dma_semaphore, #tpu.memory_space<semaphore_mem>>) src(%dma_wait3A_705 : memref<1024xf32, #tpu.memory_space<hbm>>) dst(%arg9 : memref<1024xf32, #tpu.memory_space<vmem>>)
        tpu.yield
      }) : () -> ()
      %scan3A_12 = arith.constant 0 : i32
      %scan3A_13 = arith.constant 0 : i32
      %scan3A_14 = arith.constant 64 : i32
      %scan3A_15 = arith.addi %scan3A_13, %scan3A_14 : i32
      %scan3A_16 = arith.constant 1 : i32
      scf.for %scan3A_701 = %scan3A_13 to %scan3A_15 step %scan3A_16  : i32 {
        %mul3A_702 = arith.constant 16 : i32
        %mul3A_703 = arith.muli %scan3A_701, %mul3A_702 : i32
        %get3A = arith.index_cast %mul3A_703 : i32 to index
        %get3A_704 = tpu.vector_load %arg8[%get3A] {strides = array<i32>} : memref<1024xf32, #tpu.memory_space<vmem>>, vector<16xf32>,
        %mul3A_705 = arith.constant 2.550000e+02 : f32
        %mul3A_706 = vector.broadcast %mul3A_705 : f32 to vector<16xf32>
        %mul3A_707 = arith.mulf %get3A_704, %mul3A_706 : vector<16xf32>
        %get3A_708 = arith.index_cast %mul3A_703 : i32 to index
        %get3A_709 = tpu.vector_load %arg9[%get3A_708] {strides = array<i32>} : memref<1024xf32, #tpu.memory_space<vmem>>, vector<16xf32>,
        %mul3A_710 = arith.constant 2.550000e+02 : f32
        %mul3A_711 = vector.broadcast %mul3A_710 : f32 to vector<16xf32>
        %mul3A_712 = arith.mulf %get3A_709, %mul3A_711 : vector<16xf32>
        %convert_element_type3A = arith.fptosi %mul3A_707 : vector<16xf32> to vector<16xi32>
        %min3A = arith.constant 254 : i32
        %min3A_713 = vector.broadcast %min3A : i32 to vector<16xi32>
        %min3A_714 = arith.minsi %convert_element_type3A, %min3A_713 : vector<16xi32>
        %convert_element_type3A_715 = arith.fptosi %mul3A_712 : vector<16xf32> to vector<16xi32>
        %min3A_716 = arith.constant 254 : i32
        %min3A_717 = vector.broadcast %min3A_716 : i32 to vector<16xi32>
        %min3A_718 = arith.minsi %convert_element_type3A_715, %min3A_717 : vector<16xi32>
        %convert_element_type3A_719 = arith.sitofp %min3A_714 : vector<16xi32> to vector<16xf32>
        %sub3A_720 = arith.subf %mul3A_707, %convert_element_type3A_719 : vector<16xf32>
        %swap3A = arith.index_cast %mul3A_703 : i32 to index
        %swap3A_721 = tpu.vector_load %arg10[%swap3A] {strides = array<i32>} : memref<1024xf32, #tpu.memory_space<vmem>>, vector<16xf32>,
        tpu.vector_store %arg10[%swap3A], %sub3A_720 {strides = array<i32>} : memref<1024xf32, #tpu.memory_space<vmem>>, vector<16xf32>,
        %convert_element_type3A_722 = arith.sitofp %min3A_718 : vector<16xi32> to vector<16xf32>
        %sub3A_723 = arith.subf %mul3A_712, %convert_element_type3A_722 : vector<16xf32>
        %swap3A_724 = arith.index_cast %mul3A_703 : i32 to index
        %swap3A_725 = tpu.vector_load %arg11[%swap3A_724] {strides = array<i32>} : memref<1024xf32, #tpu.memory_space<vmem>>, vector<16xf32>,
        tpu.vector_store %arg11[%swap3A_724], %sub3A_723 {strides = array<i32>} : memref<1024xf32, #tpu.memory_space<vmem>>, vector<16xf32>,
        %get3A_726 = arith.index_cast %mul3A_703 : i32 to index
        %get3A_727 = tpu.vector_load %arg7[%get3A_726] {strides = array<i32>} : memref<1024xi32, #tpu.memory_space<vmem>>, vector<16xi32>,
        %mul3A_728 = arith.constant 65536 : i32
        %mul3A_729 = vector.broadcast %mul3A_728 : i32 to vector<16xi32>
        %mul3A_730 = arith.muli %get3A_727, %mul3A_729 : vector<16xi32>
        %mul3A_731 = arith.constant 256 : i32
        %mul3A_732 = vector.broadcast %mul3A_731 : i32 to vector<16xi32>
        %mul3A_733 = arith.muli %min3A_718, %mul3A_732 : vector<16xi32>
        %add3A_734 = arith.addi %mul3A_730, %mul3A_733 : vector<16xi32>
        %add3A_735 = arith.addi %add3A_734, %min3A_714 : vector<16xi32>
        %jit3A_736 = arith.constant 8 : i32
        %div3A_737 = arith.divsi %scan3A_701, %jit3A_736 : i32
        %sign3A_738 = arith.constant 0 : i32
        %sign3A_739 = arith.cmpi sgt, %scan3A_701, %sign3A_738 : i32
        %sign3A_740 = arith.extui %sign3A_739 : i1 to i32
        %sign3A_741 = arith.constant 0 : i32
        %sign3A_742 = arith.cmpi slt, %scan3A_701, %sign3A_741 : i32
        %sign3A_743 = arith.extui %sign3A_742 : i1 to i32
        %sign3A_744 = arith.subi %sign3A_740, %sign3A_743 : i32
        %sign3A_745 = arith.constant 0 : i32
        %sign3A_746 = arith.cmpi sgt, %jit3A_736, %sign3A_745 : i32
        %sign3A_747 = arith.extui %sign3A_746 : i1 to i32
        %sign3A_748 = arith.constant 0 : i32
        %sign3A_749 = arith.cmpi slt, %jit3A_736, %sign3A_748 : i32
        %sign3A_750 = arith.extui %sign3A_749 : i1 to i32
        %sign3A_751 = arith.subi %sign3A_747, %sign3A_750 : i32
        %ne3A_752 = arith.cmpi ne, %sign3A_744, %sign3A_751 : i32
        %rem3A_753 = arith.remsi %scan3A_701, %jit3A_736 : i32
        %ne3A_754 = arith.constant 0 : i32
        %ne3A_755 = arith.cmpi ne, %rem3A_753, %ne3A_754 : i32
        %and3A_756 = arith.andi %ne3A_752, %ne3A_755 : i1
        %sub3A_757 = arith.constant 1 : i32
        %sub3A_758 = arith.subi %div3A_737, %sub3A_757 : i32
        %select_n3A_759 = arith.select %and3A_756, %sub3A_758, %div3A_737 : i32
        %jit3A_760 = arith.constant 8 : i32
        %eq3A = arith.constant 0 : i32
        %eq3A_761 = arith.cmpi eq, %jit3A_760, %eq3A : i32
        %jit3A_762 = arith.constant 1 : i32
        %select_n3A_763 = arith.select %eq3A_761, %jit3A_762, %jit3A_760 : i32
        %rem3A_764 = arith.remsi %scan3A_701, %select_n3A_763 : i32
        %ne3A_765 = arith.constant 0 : i32
        %ne3A_766 = arith.cmpi ne, %rem3A_764, %ne3A_765 : i32
        %lt3A = arith.constant 0 : i32
        %lt3A_767 = arith.cmpi slt, %rem3A_764, %lt3A : i32
        %lt3A_768 = arith.constant 0 : i32
        %lt3A_769 = arith.cmpi slt, %select_n3A_763, %lt3A_768 : i32
        %ne3A_770 = arith.xori %lt3A_767, %lt3A_769 : i1
        %and3A_771 = arith.andi %ne3A_770, %ne3A_766 : i1
        %add3A_772 = arith.addi %rem3A_764, %select_n3A_763 : i32
        %select_n3A_773 = arith.select %and3A_771, %add3A_772, %rem3A_764 : i32
        %mul3A_774 = arith.constant 16 : i32
        %mul3A_775 = arith.muli %select_n3A_773, %mul3A_774 : i32
        %swap3A_776 = arith.index_cast %select_n3A_759 : i32 to index
        %swap3A_777 = arith.index_cast %mul3A_775 : i32 to index
        %swap3A_778 = tpu.vector_load %arg12[%swap3A_776, %swap3A_777] {strides = array<i32>} : memref<8x128xi32, #tpu.memory_space<vmem>>, vector<16xi32>,
        tpu.vector_store %arg12[%swap3A_776, %swap3A_777], %add3A_735 {strides = array<i32>} : memref<8x128xi32, #tpu.memory_space<vmem>>, vector<16xi32>,
        %add3A_779 = arith.constant 1 : i32
        %add3A_780 = vector.broadcast %add3A_779 : i32 to vector<16xi32>
        %add3A_781 = arith.addi %add3A_735, %add3A_780 : vector<16xi32>
        %swap3A_782 = arith.index_cast %select_n3A_759 : i32 to index
        %swap3A_783 = arith.index_cast %mul3A_775 : i32 to index
        %swap3A_784 = tpu.vector_load %arg13[%swap3A_782, %swap3A_783] {strides = array<i32>} : memref<8x128xi32, #tpu.memory_space<vmem>>, vector<16xi32>,
        tpu.vector_store %arg13[%swap3A_782, %swap3A_783], %add3A_781 {strides = array<i32>} : memref<8x128xi32, #tpu.memory_space<vmem>>, vector<16xi32>,
        %add3A_785 = arith.constant 256 : i32
        %add3A_786 = vector.broadcast %add3A_785 : i32 to vector<16xi32>
        %add3A_787 = arith.addi %add3A_735, %add3A_786 : vector<16xi32>
        %swap3A_788 = arith.index_cast %select_n3A_759 : i32 to index
        %swap3A_789 = arith.index_cast %mul3A_775 : i32 to index
        %swap3A_790 = tpu.vector_load %arg14[%swap3A_788, %swap3A_789] {strides = array<i32>} : memref<8x128xi32, #tpu.memory_space<vmem>>, vector<16xi32>,
        tpu.vector_store %arg14[%swap3A_788, %swap3A_789], %add3A_787 {strides = array<i32>} : memref<8x128xi32, #tpu.memory_space<vmem>>, vector<16xi32>,
        %add3A_791 = arith.constant 257 : i32
        %add3A_792 = vector.broadcast %add3A_791 : i32 to vector<16xi32>
        %add3A_793 = arith.addi %add3A_735, %add3A_792 : vector<16xi32>
        %swap3A_794 = arith.index_cast %select_n3A_759 : i32 to index
        %swap3A_795 = arith.index_cast %mul3A_775 : i32 to index
        %swap3A_796 = tpu.vector_load %arg15[%swap3A_794, %swap3A_795] {strides = array<i32>} : memref<8x128xi32, #tpu.memory_space<vmem>>, vector<16xi32>,
        tpu.vector_store %arg15[%swap3A_794, %swap3A_795], %add3A_793 {strides = array<i32>} : memref<8x128xi32, #tpu.memory_space<vmem>>, vector<16xi32>,
      }
      %scan3A_17 = arith.constant 64 : i32
      %dma_start3A = arith.constant 0 : i32
      %dma_start3A_18 = arith.constant 0 : i32
      %dma_start3A_19 = arith.constant 0 : i32
      %dma_start3A_20 = tpu.memref_slice %arg16[%dma_start3A_18, %dma_start3A_19] : memref<1024x8xf32, #tpu.memory_space<vmem>> -> memref<128x8xf32, #tpu.memory_space<vmem>>
      %dma_start3A_21 = arith.constant 0 : i32
      %dma_start3A_22 = tpu.memref_slice %arg12[%dma_start3A, %dma_start3A_21] : memref<8x128xi32, #tpu.memory_space<vmem>> -> memref<1x128xi32, #tpu.memory_space<vmem>>
      %dma_start3A_23 = tpu.memref_squeeze %dma_start3A_22 : memref<1x128xi32, #tpu.memory_space<vmem>> -> memref<128xi32, #tpu.memory_space<vmem>>
      %dma_start3A_24 = arith.constant 0 : i32
      %dma_start3A_25 = arith.constant 0 : i32
      %dma_start3A_26 = tpu.memref_slice %arg2[%dma_start3A_24, %dma_start3A_25] : memref<4194304x8xf32, #tpu.memory_space<hbm>> -> memref<4194304x8xf32, #tpu.memory_space<hbm>>
      tpu.enqueue_indirect_dma source(%dma_start3A_26 : memref<4194304x8xf32, #tpu.memory_space<hbm>>) target(%dma_start3A_20 : memref<128x8xf32, #tpu.memory_space<vmem>>) offsets(%dma_start3A_23 : memref<128xi32, #tpu.memory_space<vmem>>) semaphore(%arg21 : memref<!tpu.dma_semaphore, #tpu.memory_space<semaphore_mem>>)
      %dma_start3A_27 = arith.constant 1 : i32
      %dma_start3A_28 = arith.constant 128 : i32
      %dma_start3A_29 = arith.constant 0 : i32
      %dma_start3A_30 = tpu.memref_slice %arg16[%dma_start3A_28, %dma_start3A_29] : memref<1024x8xf32, #tpu.memory_space<vmem>> -> memref<128x8xf32, #tpu.memory_space<vmem>>
      %dma_start3A_31 = arith.constant 0 : i32
      %dma_start3A_32 = tpu.memref_slice %arg12[%dma_start3A_27, %dma_start3A_31] : memref<8x128xi32, #tpu.memory_space<vmem>> -> memref<1x128xi32, #tpu.memory_space<vmem>>
      %dma_start3A_33 = tpu.memref_squeeze %dma_start3A_32 : memref<1x128xi32, #tpu.memory_space<vmem>> -> memref<128xi32, #tpu.memory_space<vmem>>
      %dma_start3A_34 = arith.constant 0 : i32
      %dma_start3A_35 = arith.constant 0 : i32
      %dma_start3A_36 = tpu.memref_slice %arg2[%dma_start3A_34, %dma_start3A_35] : memref<4194304x8xf32, #tpu.memory_space<hbm>> -> memref<4194304x8xf32, #tpu.memory_space<hbm>>
      tpu.enqueue_indirect_dma source(%dma_start3A_36 : memref<4194304x8xf32, #tpu.memory_space<hbm>>) target(%dma_start3A_30 : memref<128x8xf32, #tpu.memory_space<vmem>>) offsets(%dma_start3A_33 : memref<128xi32, #tpu.memory_space<vmem>>) semaphore(%arg21 : memref<!tpu.dma_semaphore, #tpu.memory_space<semaphore_mem>>)
      %dma_start3A_37 = arith.constant 2 : i32
      %dma_start3A_38 = arith.constant 256 : i32
      %dma_start3A_39 = arith.constant 0 : i32
      %dma_start3A_40 = tpu.memref_slice %arg16[%dma_start3A_38, %dma_start3A_39] : memref<1024x8xf32, #tpu.memory_space<vmem>> -> memref<128x8xf32, #tpu.memory_space<vmem>>
      %dma_start3A_41 = arith.constant 0 : i32
      %dma_start3A_42 = tpu.memref_slice %arg12[%dma_start3A_37, %dma_start3A_41] : memref<8x128xi32, #tpu.memory_space<vmem>> -> memref<1x128xi32, #tpu.memory_space<vmem>>
      %dma_start3A_43 = tpu.memref_squeeze %dma_start3A_42 : memref<1x128xi32, #tpu.memory_space<vmem>> -> memref<128xi32, #tpu.memory_space<vmem>>
      %dma_start3A_44 = arith.constant 0 : i32
      %dma_start3A_45 = arith.constant 0 : i32
      %dma_start3A_46 = tpu.memref_slice %arg2[%dma_start3A_44, %dma_start3A_45] : memref<4194304x8xf32, #tpu.memory_space<hbm>> -> memref<4194304x8xf32, #tpu.memory_space<hbm>>
      tpu.enqueue_indirect_dma source(%dma_start3A_46 : memref<4194304x8xf32, #tpu.memory_space<hbm>>) target(%dma_start3A_40 : memref<128x8xf32, #tpu.memory_space<vmem>>) offsets(%dma_start3A_43 : memref<128xi32, #tpu.memory_space<vmem>>) semaphore(%arg21 : memref<!tpu.dma_semaphore, #tpu.memory_space<semaphore_mem>>)
      %dma_start3A_47 = arith.constant 3 : i32
      %dma_start3A_48 = arith.constant 384 : i32
      %dma_start3A_49 = arith.constant 0 : i32
      %dma_start3A_50 = tpu.memref_slice %arg16[%dma_start3A_48, %dma_start3A_49] : memref<1024x8xf32, #tpu.memory_space<vmem>> -> memref<128x8xf32, #tpu.memory_space<vmem>>
      %dma_start3A_51 = arith.constant 0 : i32
      %dma_start3A_52 = tpu.memref_slice %arg12[%dma_start3A_47, %dma_start3A_51] : memref<8x128xi32, #tpu.memory_space<vmem>> -> memref<1x128xi32, #tpu.memory_space<vmem>>
      %dma_start3A_53 = tpu.memref_squeeze %dma_start3A_52 : memref<1x128xi32, #tpu.memory_space<vmem>> -> memref<128xi32, #tpu.memory_space<vmem>>
      %dma_start3A_54 = arith.constant 0 : i32
      %dma_start3A_55 = arith.constant 0 : i32
      %dma_start3A_56 = tpu.memref_slice %arg2[%dma_start3A_54, %dma_start3A_55] : memref<4194304x8xf32, #tpu.memory_space<hbm>> -> memref<4194304x8xf32, #tpu.memory_space<hbm>>
      tpu.enqueue_indirect_dma source(%dma_start3A_56 : memref<4194304x8xf32, #tpu.memory_space<hbm>>) target(%dma_start3A_50 : memref<128x8xf32, #tpu.memory_space<vmem>>) offsets(%dma_start3A_53 : memref<128xi32, #tpu.memory_space<vmem>>) semaphore(%arg21 : memref<!tpu.dma_semaphore, #tpu.memory_space<semaphore_mem>>)
      %dma_start3A_57 = arith.constant 4 : i32
      %dma_start3A_58 = arith.constant 512 : i32
      %dma_start3A_59 = arith.constant 0 : i32
      %dma_start3A_60 = tpu.memref_slice %arg16[%dma_start3A_58, %dma_start3A_59] : memref<1024x8xf32, #tpu.memory_space<vmem>> -> memref<128x8xf32, #tpu.memory_space<vmem>>
      %dma_start3A_61 = arith.constant 0 : i32
      %dma_start3A_62 = tpu.memref_slice %arg12[%dma_start3A_57, %dma_start3A_61] : memref<8x128xi32, #tpu.memory_space<vmem>> -> memref<1x128xi32, #tpu.memory_space<vmem>>
      %dma_start3A_63 = tpu.memref_squeeze %dma_start3A_62 : memref<1x128xi32, #tpu.memory_space<vmem>> -> memref<128xi32, #tpu.memory_space<vmem>>
      %dma_start3A_64 = arith.constant 0 : i32
      %dma_start3A_65 = arith.constant 0 : i32
      %dma_start3A_66 = tpu.memref_slice %arg2[%dma_start3A_64, %dma_start3A_65] : memref<4194304x8xf32, #tpu.memory_space<hbm>> -> memref<4194304x8xf32, #tpu.memory_space<hbm>>
      tpu.enqueue_indirect_dma source(%dma_start3A_66 : memref<4194304x8xf32, #tpu.memory_space<hbm>>) target(%dma_start3A_60 : memref<128x8xf32, #tpu.memory_space<vmem>>) offsets(%dma_start3A_63 : memref<128xi32, #tpu.memory_space<vmem>>) semaphore(%arg21 : memref<!tpu.dma_semaphore, #tpu.memory_space<semaphore_mem>>)
      %dma_start3A_67 = arith.constant 5 : i32
      %dma_start3A_68 = arith.constant 640 : i32
      %dma_start3A_69 = arith.constant 0 : i32
      %dma_start3A_70 = tpu.memref_slice %arg16[%dma_start3A_68, %dma_start3A_69] : memref<1024x8xf32, #tpu.memory_space<vmem>> -> memref<128x8xf32, #tpu.memory_space<vmem>>
      %dma_start3A_71 = arith.constant 0 : i32
      %dma_start3A_72 = tpu.memref_slice %arg12[%dma_start3A_67, %dma_start3A_71] : memref<8x128xi32, #tpu.memory_space<vmem>> -> memref<1x128xi32, #tpu.memory_space<vmem>>
      %dma_start3A_73 = tpu.memref_squeeze %dma_start3A_72 : memref<1x128xi32, #tpu.memory_space<vmem>> -> memref<128xi32, #tpu.memory_space<vmem>>
      %dma_start3A_74 = arith.constant 0 : i32
      %dma_start3A_75 = arith.constant 0 : i32
      %dma_start3A_76 = tpu.memref_slice %arg2[%dma_start3A_74, %dma_start3A_75] : memref<4194304x8xf32, #tpu.memory_space<hbm>> -> memref<4194304x8xf32, #tpu.memory_space<hbm>>
      tpu.enqueue_indirect_dma source(%dma_start3A_76 : memref<4194304x8xf32, #tpu.memory_space<hbm>>) target(%dma_start3A_70 : memref<128x8xf32, #tpu.memory_space<vmem>>) offsets(%dma_start3A_73 : memref<128xi32, #tpu.memory_space<vmem>>) semaphore(%arg21 : memref<!tpu.dma_semaphore, #tpu.memory_space<semaphore_mem>>)
      %dma_start3A_77 = arith.constant 6 : i32
      %dma_start3A_78 = arith.constant 768 : i32
      %dma_start3A_79 = arith.constant 0 : i32
      %dma_start3A_80 = tpu.memref_slice %arg16[%dma_start3A_78, %dma_start3A_79] : memref<1024x8xf32, #tpu.memory_space<vmem>> -> memref<128x8xf32, #tpu.memory_space<vmem>>
      %dma_start3A_81 = arith.constant 0 : i32
      %dma_start3A_82 = tpu.memref_slice %arg12[%dma_start3A_77, %dma_start3A_81] : memref<8x128xi32, #tpu.memory_space<vmem>> -> memref<1x128xi32, #tpu.memory_space<vmem>>
      %dma_start3A_83 = tpu.memref_squeeze %dma_start3A_82 : memref<1x128xi32, #tpu.memory_space<vmem>> -> memref<128xi32, #tpu.memory_space<vmem>>
      %dma_start3A_84 = arith.constant 0 : i32
      %dma_start3A_85 = arith.constant 0 : i32
      %dma_start3A_86 = tpu.memref_slice %arg2[%dma_start3A_84, %dma_start3A_85] : memref<4194304x8xf32, #tpu.memory_space<hbm>> -> memref<4194304x8xf32, #tpu.memory_space<hbm>>
      tpu.enqueue_indirect_dma source(%dma_start3A_86 : memref<4194304x8xf32, #tpu.memory_space<hbm>>) target(%dma_start3A_80 : memref<128x8xf32, #tpu.memory_space<vmem>>) offsets(%dma_start3A_83 : memref<128xi32, #tpu.memory_space<vmem>>) semaphore(%arg21 : memref<!tpu.dma_semaphore, #tpu.memory_space<semaphore_mem>>)
      %dma_start3A_87 = arith.constant 7 : i32
      %dma_start3A_88 = arith.constant 896 : i32
      %dma_start3A_89 = arith.constant 0 : i32
      %dma_start3A_90 = tpu.memref_slice %arg16[%dma_start3A_88, %dma_start3A_89] : memref<1024x8xf32, #tpu.memory_space<vmem>> -> memref<128x8xf32, #tpu.memory_space<vmem>>
      %dma_start3A_91 = arith.constant 0 : i32
      %dma_start3A_92 = tpu.memref_slice %arg12[%dma_start3A_87, %dma_start3A_91] : memref<8x128xi32, #tpu.memory_space<vmem>> -> memref<1x128xi32, #tpu.memory_space<vmem>>
      %dma_start3A_93 = tpu.memref_squeeze %dma_start3A_92 : memref<1x128xi32, #tpu.memory_space<vmem>> -> memref<128xi32, #tpu.memory_space<vmem>>
      %dma_start3A_94 = arith.constant 0 : i32
      %dma_start3A_95 = arith.constant 0 : i32
      %dma_start3A_96 = tpu.memref_slice %arg2[%dma_start3A_94, %dma_start3A_95] : memref<4194304x8xf32, #tpu.memory_space<hbm>> -> memref<4194304x8xf32, #tpu.memory_space<hbm>>
      tpu.enqueue_indirect_dma source(%dma_start3A_96 : memref<4194304x8xf32, #tpu.memory_space<hbm>>) target(%dma_start3A_90 : memref<128x8xf32, #tpu.memory_space<vmem>>) offsets(%dma_start3A_93 : memref<128xi32, #tpu.memory_space<vmem>>) semaphore(%arg21 : memref<!tpu.dma_semaphore, #tpu.memory_space<semaphore_mem>>)
      %dma_start3A_97 = arith.constant 0 : i32
      %dma_start3A_98 = arith.constant 0 : i32
      %dma_start3A_99 = arith.constant 0 : i32
      %dma_start3A_100 = tpu.memref_slice %arg17[%dma_start3A_98, %dma_start3A_99] : memref<1024x8xf32, #tpu.memory_space<vmem>> -> memref<128x8xf32, #tpu.memory_space<vmem>>
      %dma_start3A_101 = arith.constant 0 : i32
      %dma_start3A_102 = tpu.memref_slice %arg13[%dma_start3A_97, %dma_start3A_101] : memref<8x128xi32, #tpu.memory_space<vmem>> -> memref<1x128xi32, #tpu.memory_space<vmem>>
      %dma_start3A_103 = tpu.memref_squeeze %dma_start3A_102 : memref<1x128xi32, #tpu.memory_space<vmem>> -> memref<128xi32, #tpu.memory_space<vmem>>
      %dma_start3A_104 = arith.constant 0 : i32
      %dma_start3A_105 = arith.constant 0 : i32
      %dma_start3A_106 = tpu.memref_slice %arg2[%dma_start3A_104, %dma_start3A_105] : memref<4194304x8xf32, #tpu.memory_space<hbm>> -> memref<4194304x8xf32, #tpu.memory_space<hbm>>
      tpu.enqueue_indirect_dma source(%dma_start3A_106 : memref<4194304x8xf32, #tpu.memory_space<hbm>>) target(%dma_start3A_100 : memref<128x8xf32, #tpu.memory_space<vmem>>) offsets(%dma_start3A_103 : memref<128xi32, #tpu.memory_space<vmem>>) semaphore(%arg21 : memref<!tpu.dma_semaphore, #tpu.memory_space<semaphore_mem>>)
      %dma_start3A_107 = arith.constant 1 : i32
      %dma_start3A_108 = arith.constant 128 : i32
      %dma_start3A_109 = arith.constant 0 : i32
      %dma_start3A_110 = tpu.memref_slice %arg17[%dma_start3A_108, %dma_start3A_109] : memref<1024x8xf32, #tpu.memory_space<vmem>> -> memref<128x8xf32, #tpu.memory_space<vmem>>
      %dma_start3A_111 = arith.constant 0 : i32
      %dma_start3A_112 = tpu.memref_slice %arg13[%dma_start3A_107, %dma_start3A_111] : memref<8x128xi32, #tpu.memory_space<vmem>> -> memref<1x128xi32, #tpu.memory_space<vmem>>
      %dma_start3A_113 = tpu.memref_squeeze %dma_start3A_112 : memref<1x128xi32, #tpu.memory_space<vmem>> -> memref<128xi32, #tpu.memory_space<vmem>>
      %dma_start3A_114 = arith.constant 0 : i32
      %dma_start3A_115 = arith.constant 0 : i32
      %dma_start3A_116 = tpu.memref_slice %arg2[%dma_start3A_114, %dma_start3A_115] : memref<4194304x8xf32, #tpu.memory_space<hbm>> -> memref<4194304x8xf32, #tpu.memory_space<hbm>>
      tpu.enqueue_indirect_dma source(%dma_start3A_116 : memref<4194304x8xf32, #tpu.memory_space<hbm>>) target(%dma_start3A_110 : memref<128x8xf32, #tpu.memory_space<vmem>>) offsets(%dma_start3A_113 : memref<128xi32, #tpu.memory_space<vmem>>) semaphore(%arg21 : memref<!tpu.dma_semaphore, #tpu.memory_space<semaphore_mem>>)
      %dma_start3A_117 = arith.constant 2 : i32
      %dma_start3A_118 = arith.constant 256 : i32
      %dma_start3A_119 = arith.constant 0 : i32
      %dma_start3A_120 = tpu.memref_slice %arg17[%dma_start3A_118, %dma_start3A_119] : memref<1024x8xf32, #tpu.memory_space<vmem>> -> memref<128x8xf32, #tpu.memory_space<vmem>>
      %dma_start3A_121 = arith.constant 0 : i32
      %dma_start3A_122 = tpu.memref_slice %arg13[%dma_start3A_117, %dma_start3A_121] : memref<8x128xi32, #tpu.memory_space<vmem>> -> memref<1x128xi32, #tpu.memory_space<vmem>>
      %dma_start3A_123 = tpu.memref_squeeze %dma_start3A_122 : memref<1x128xi32, #tpu.memory_space<vmem>> -> memref<128xi32, #tpu.memory_space<vmem>>
      %dma_start3A_124 = arith.constant 0 : i32
      %dma_start3A_125 = arith.constant 0 : i32
      %dma_start3A_126 = tpu.memref_slice %arg2[%dma_start3A_124, %dma_start3A_125] : memref<4194304x8xf32, #tpu.memory_space<hbm>> -> memref<4194304x8xf32, #tpu.memory_space<hbm>>
      tpu.enqueue_indirect_dma source(%dma_start3A_126 : memref<4194304x8xf32, #tpu.memory_space<hbm>>) target(%dma_start3A_120 : memref<128x8xf32, #tpu.memory_space<vmem>>) offsets(%dma_start3A_123 : memref<128xi32, #tpu.memory_space<vmem>>) semaphore(%arg21 : memref<!tpu.dma_semaphore, #tpu.memory_space<semaphore_mem>>)
      %dma_start3A_127 = arith.constant 3 : i32
      %dma_start3A_128 = arith.constant 384 : i32
      %dma_start3A_129 = arith.constant 0 : i32
      %dma_start3A_130 = tpu.memref_slice %arg17[%dma_start3A_128, %dma_start3A_129] : memref<1024x8xf32, #tpu.memory_space<vmem>> -> memref<128x8xf32, #tpu.memory_space<vmem>>
      %dma_start3A_131 = arith.constant 0 : i32
      %dma_start3A_132 = tpu.memref_slice %arg13[%dma_start3A_127, %dma_start3A_131] : memref<8x128xi32, #tpu.memory_space<vmem>> -> memref<1x128xi32, #tpu.memory_space<vmem>>
      %dma_start3A_133 = tpu.memref_squeeze %dma_start3A_132 : memref<1x128xi32, #tpu.memory_space<vmem>> -> memref<128xi32, #tpu.memory_space<vmem>>
      %dma_start3A_134 = arith.constant 0 : i32
      %dma_start3A_135 = arith.constant 0 : i32
      %dma_start3A_136 = tpu.memref_slice %arg2[%dma_start3A_134, %dma_start3A_135] : memref<4194304x8xf32, #tpu.memory_space<hbm>> -> memref<4194304x8xf32, #tpu.memory_space<hbm>>
      tpu.enqueue_indirect_dma source(%dma_start3A_136 : memref<4194304x8xf32, #tpu.memory_space<hbm>>) target(%dma_start3A_130 : memref<128x8xf32, #tpu.memory_space<vmem>>) offsets(%dma_start3A_133 : memref<128xi32, #tpu.memory_space<vmem>>) semaphore(%arg21 : memref<!tpu.dma_semaphore, #tpu.memory_space<semaphore_mem>>)
      %dma_start3A_137 = arith.constant 4 : i32
      %dma_start3A_138 = arith.constant 512 : i32
      %dma_start3A_139 = arith.constant 0 : i32
      %dma_start3A_140 = tpu.memref_slice %arg17[%dma_start3A_138, %dma_start3A_139] : memref<1024x8xf32, #tpu.memory_space<vmem>> -> memref<128x8xf32, #tpu.memory_space<vmem>>
      %dma_start3A_141 = arith.constant 0 : i32
      %dma_start3A_142 = tpu.memref_slice %arg13[%dma_start3A_137, %dma_start3A_141] : memref<8x128xi32, #tpu.memory_space<vmem>> -> memref<1x128xi32, #tpu.memory_space<vmem>>
      %dma_start3A_143 = tpu.memref_squeeze %dma_start3A_142 : memref<1x128xi32, #tpu.memory_space<vmem>> -> memref<128xi32, #tpu.memory_space<vmem>>
      %dma_start3A_144 = arith.constant 0 : i32
      %dma_start3A_145 = arith.constant 0 : i32
      %dma_start3A_146 = tpu.memref_slice %arg2[%dma_start3A_144, %dma_start3A_145] : memref<4194304x8xf32, #tpu.memory_space<hbm>> -> memref<4194304x8xf32, #tpu.memory_space<hbm>>
      tpu.enqueue_indirect_dma source(%dma_start3A_146 : memref<4194304x8xf32, #tpu.memory_space<hbm>>) target(%dma_start3A_140 : memref<128x8xf32, #tpu.memory_space<vmem>>) offsets(%dma_start3A_143 : memref<128xi32, #tpu.memory_space<vmem>>) semaphore(%arg21 : memref<!tpu.dma_semaphore, #tpu.memory_space<semaphore_mem>>)
      %dma_start3A_147 = arith.constant 5 : i32
      %dma_start3A_148 = arith.constant 640 : i32
      %dma_start3A_149 = arith.constant 0 : i32
      %dma_start3A_150 = tpu.memref_slice %arg17[%dma_start3A_148, %dma_start3A_149] : memref<1024x8xf32, #tpu.memory_space<vmem>> -> memref<128x8xf32, #tpu.memory_space<vmem>>
      %dma_start3A_151 = arith.constant 0 : i32
      %dma_start3A_152 = tpu.memref_slice %arg13[%dma_start3A_147, %dma_start3A_151] : memref<8x128xi32, #tpu.memory_space<vmem>> -> memref<1x128xi32, #tpu.memory_space<vmem>>
      %dma_start3A_153 = tpu.memref_squeeze %dma_start3A_152 : memref<1x128xi32, #tpu.memory_space<vmem>> -> memref<128xi32, #tpu.memory_space<vmem>>
      %dma_start3A_154 = arith.constant 0 : i32
      %dma_start3A_155 = arith.constant 0 : i32
      %dma_start3A_156 = tpu.memref_slice %arg2[%dma_start3A_154, %dma_start3A_155] : memref<4194304x8xf32, #tpu.memory_space<hbm>> -> memref<4194304x8xf32, #tpu.memory_space<hbm>>
      tpu.enqueue_indirect_dma source(%dma_start3A_156 : memref<4194304x8xf32, #tpu.memory_space<hbm>>) target(%dma_start3A_150 : memref<128x8xf32, #tpu.memory_space<vmem>>) offsets(%dma_start3A_153 : memref<128xi32, #tpu.memory_space<vmem>>) semaphore(%arg21 : memref<!tpu.dma_semaphore, #tpu.memory_space<semaphore_mem>>)
      %dma_start3A_157 = arith.constant 6 : i32
      %dma_start3A_158 = arith.constant 768 : i32
      %dma_start3A_159 = arith.constant 0 : i32
      %dma_start3A_160 = tpu.memref_slice %arg17[%dma_start3A_158, %dma_start3A_159] : memref<1024x8xf32, #tpu.memory_space<vmem>> -> memref<128x8xf32, #tpu.memory_space<vmem>>
      %dma_start3A_161 = arith.constant 0 : i32
      %dma_start3A_162 = tpu.memref_slice %arg13[%dma_start3A_157, %dma_start3A_161] : memref<8x128xi32, #tpu.memory_space<vmem>> -> memref<1x128xi32, #tpu.memory_space<vmem>>
      %dma_start3A_163 = tpu.memref_squeeze %dma_start3A_162 : memref<1x128xi32, #tpu.memory_space<vmem>> -> memref<128xi32, #tpu.memory_space<vmem>>
      %dma_start3A_164 = arith.constant 0 : i32
      %dma_start3A_165 = arith.constant 0 : i32
      %dma_start3A_166 = tpu.memref_slice %arg2[%dma_start3A_164, %dma_start3A_165] : memref<4194304x8xf32, #tpu.memory_space<hbm>> -> memref<4194304x8xf32, #tpu.memory_space<hbm>>
      tpu.enqueue_indirect_dma source(%dma_start3A_166 : memref<4194304x8xf32, #tpu.memory_space<hbm>>) target(%dma_start3A_160 : memref<128x8xf32, #tpu.memory_space<vmem>>) offsets(%dma_start3A_163 : memref<128xi32, #tpu.memory_space<vmem>>) semaphore(%arg21 : memref<!tpu.dma_semaphore, #tpu.memory_space<semaphore_mem>>)
      %dma_start3A_167 = arith.constant 7 : i32
      %dma_start3A_168 = arith.constant 896 : i32
      %dma_start3A_169 = arith.constant 0 : i32
      %dma_start3A_170 = tpu.memref_slice %arg17[%dma_start3A_168, %dma_start3A_169] : memref<1024x8xf32, #tpu.memory_space<vmem>> -> memref<128x8xf32, #tpu.memory_space<vmem>>
      %dma_start3A_171 = arith.constant 0 : i32
      %dma_start3A_172 = tpu.memref_slice %arg13[%dma_start3A_167, %dma_start3A_171] : memref<8x128xi32, #tpu.memory_space<vmem>> -> memref<1x128xi32, #tpu.memory_space<vmem>>
      %dma_start3A_173 = tpu.memref_squeeze %dma_start3A_172 : memref<1x128xi32, #tpu.memory_space<vmem>> -> memref<128xi32, #tpu.memory_space<vmem>>
      %dma_start3A_174 = arith.constant 0 : i32
      %dma_start3A_175 = arith.constant 0 : i32
      %dma_start3A_176 = tpu.memref_slice %arg2[%dma_start3A_174, %dma_start3A_175] : memref<4194304x8xf32, #tpu.memory_space<hbm>> -> memref<4194304x8xf32, #tpu.memory_space<hbm>>
      tpu.enqueue_indirect_dma source(%dma_start3A_176 : memref<4194304x8xf32, #tpu.memory_space<hbm>>) target(%dma_start3A_170 : memref<128x8xf32, #tpu.memory_space<vmem>>) offsets(%dma_start3A_173 : memref<128xi32, #tpu.memory_space<vmem>>) semaphore(%arg21 : memref<!tpu.dma_semaphore, #tpu.memory_space<semaphore_mem>>)
      %dma_start3A_177 = arith.constant 0 : i32
      %dma_start3A_178 = arith.constant 0 : i32
      %dma_start3A_179 = arith.constant 0 : i32
      %dma_start3A_180 = tpu.memref_slice %arg18[%dma_start3A_178, %dma_start3A_179] : memref<1024x8xf32, #tpu.memory_space<vmem>> -> memref<128x8xf32, #tpu.memory_space<vmem>>
      %dma_start3A_181 = arith.constant 0 : i32
      %dma_start3A_182 = tpu.memref_slice %arg14[%dma_start3A_177, %dma_start3A_181] : memref<8x128xi32, #tpu.memory_space<vmem>> -> memref<1x128xi32, #tpu.memory_space<vmem>>
      %dma_start3A_183 = tpu.memref_squeeze %dma_start3A_182 : memref<1x128xi32, #tpu.memory_space<vmem>> -> memref<128xi32, #tpu.memory_space<vmem>>
      %dma_start3A_184 = arith.constant 0 : i32
      %dma_start3A_185 = arith.constant 0 : i32
      %dma_start3A_186 = tpu.memref_slice %arg2[%dma_start3A_184, %dma_start3A_185] : memref<4194304x8xf32, #tpu.memory_space<hbm>> -> memref<4194304x8xf32, #tpu.memory_space<hbm>>
      tpu.enqueue_indirect_dma source(%dma_start3A_186 : memref<4194304x8xf32, #tpu.memory_space<hbm>>) target(%dma_start3A_180 : memref<128x8xf32, #tpu.memory_space<vmem>>) offsets(%dma_start3A_183 : memref<128xi32, #tpu.memory_space<vmem>>) semaphore(%arg21 : memref<!tpu.dma_semaphore, #tpu.memory_space<semaphore_mem>>)
      %dma_start3A_187 = arith.constant 1 : i32
      %dma_start3A_188 = arith.constant 128 : i32
      %dma_start3A_189 = arith.constant 0 : i32
      %dma_start3A_190 = tpu.memref_slice %arg18[%dma_start3A_188, %dma_start3A_189] : memref<1024x8xf32, #tpu.memory_space<vmem>> -> memref<128x8xf32, #tpu.memory_space<vmem>>
      %dma_start3A_191 = arith.constant 0 : i32
      %dma_start3A_192 = tpu.memref_slice %arg14[%dma_start3A_187, %dma_start3A_191] : memref<8x128xi32, #tpu.memory_space<vmem>> -> memref<1x128xi32, #tpu.memory_space<vmem>>
      %dma_start3A_193 = tpu.memref_squeeze %dma_start3A_192 : memref<1x128xi32, #tpu.memory_space<vmem>> -> memref<128xi32, #tpu.memory_space<vmem>>
      %dma_start3A_194 = arith.constant 0 : i32
      %dma_start3A_195 = arith.constant 0 : i32
      %dma_start3A_196 = tpu.memref_slice %arg2[%dma_start3A_194, %dma_start3A_195] : memref<4194304x8xf32, #tpu.memory_space<hbm>> -> memref<4194304x8xf32, #tpu.memory_space<hbm>>
      tpu.enqueue_indirect_dma source(%dma_start3A_196 : memref<4194304x8xf32, #tpu.memory_space<hbm>>) target(%dma_start3A_190 : memref<128x8xf32, #tpu.memory_space<vmem>>) offsets(%dma_start3A_193 : memref<128xi32, #tpu.memory_space<vmem>>) semaphore(%arg21 : memref<!tpu.dma_semaphore, #tpu.memory_space<semaphore_mem>>)
      %dma_start3A_197 = arith.constant 2 : i32
      %dma_start3A_198 = arith.constant 256 : i32
      %dma_start3A_199 = arith.constant 0 : i32
      %dma_start3A_200 = tpu.memref_slice %arg18[%dma_start3A_198, %dma_start3A_199] : memref<1024x8xf32, #tpu.memory_space<vmem>> -> memref<128x8xf32, #tpu.memory_space<vmem>>
      %dma_start3A_201 = arith.constant 0 : i32
      %dma_start3A_202 = tpu.memref_slice %arg14[%dma_start3A_197, %dma_start3A_201] : memref<8x128xi32, #tpu.memory_space<vmem>> -> memref<1x128xi32, #tpu.memory_space<vmem>>
      %dma_start3A_203 = tpu.memref_squeeze %dma_start3A_202 : memref<1x128xi32, #tpu.memory_space<vmem>> -> memref<128xi32, #tpu.memory_space<vmem>>
      %dma_start3A_204 = arith.constant 0 : i32
      %dma_start3A_205 = arith.constant 0 : i32
      %dma_start3A_206 = tpu.memref_slice %arg2[%dma_start3A_204, %dma_start3A_205] : memref<4194304x8xf32, #tpu.memory_space<hbm>> -> memref<4194304x8xf32, #tpu.memory_space<hbm>>
      tpu.enqueue_indirect_dma source(%dma_start3A_206 : memref<4194304x8xf32, #tpu.memory_space<hbm>>) target(%dma_start3A_200 : memref<128x8xf32, #tpu.memory_space<vmem>>) offsets(%dma_start3A_203 : memref<128xi32, #tpu.memory_space<vmem>>) semaphore(%arg21 : memref<!tpu.dma_semaphore, #tpu.memory_space<semaphore_mem>>)
      %dma_start3A_207 = arith.constant 3 : i32
      %dma_start3A_208 = arith.constant 384 : i32
      %dma_start3A_209 = arith.constant 0 : i32
      %dma_start3A_210 = tpu.memref_slice %arg18[%dma_start3A_208, %dma_start3A_209] : memref<1024x8xf32, #tpu.memory_space<vmem>> -> memref<128x8xf32, #tpu.memory_space<vmem>>
      %dma_start3A_211 = arith.constant 0 : i32
      %dma_start3A_212 = tpu.memref_slice %arg14[%dma_start3A_207, %dma_start3A_211] : memref<8x128xi32, #tpu.memory_space<vmem>> -> memref<1x128xi32, #tpu.memory_space<vmem>>
      %dma_start3A_213 = tpu.memref_squeeze %dma_start3A_212 : memref<1x128xi32, #tpu.memory_space<vmem>> -> memref<128xi32, #tpu.memory_space<vmem>>
      %dma_start3A_214 = arith.constant 0 : i32
      %dma_start3A_215 = arith.constant 0 : i32
      %dma_start3A_216 = tpu.memref_slice %arg2[%dma_start3A_214, %dma_start3A_215] : memref<4194304x8xf32, #tpu.memory_space<hbm>> -> memref<4194304x8xf32, #tpu.memory_space<hbm>>
      tpu.enqueue_indirect_dma source(%dma_start3A_216 : memref<4194304x8xf32, #tpu.memory_space<hbm>>) target(%dma_start3A_210 : memref<128x8xf32, #tpu.memory_space<vmem>>) offsets(%dma_start3A_213 : memref<128xi32, #tpu.memory_space<vmem>>) semaphore(%arg21 : memref<!tpu.dma_semaphore, #tpu.memory_space<semaphore_mem>>)
      %dma_start3A_217 = arith.constant 4 : i32
      %dma_start3A_218 = arith.constant 512 : i32
      %dma_start3A_219 = arith.constant 0 : i32
      %dma_start3A_220 = tpu.memref_slice %arg18[%dma_start3A_218, %dma_start3A_219] : memref<1024x8xf32, #tpu.memory_space<vmem>> -> memref<128x8xf32, #tpu.memory_space<vmem>>
      %dma_start3A_221 = arith.constant 0 : i32
      %dma_start3A_222 = tpu.memref_slice %arg14[%dma_start3A_217, %dma_start3A_221] : memref<8x128xi32, #tpu.memory_space<vmem>> -> memref<1x128xi32, #tpu.memory_space<vmem>>
      %dma_start3A_223 = tpu.memref_squeeze %dma_start3A_222 : memref<1x128xi32, #tpu.memory_space<vmem>> -> memref<128xi32, #tpu.memory_space<vmem>>
      %dma_start3A_224 = arith.constant 0 : i32
      %dma_start3A_225 = arith.constant 0 : i32
      %dma_start3A_226 = tpu.memref_slice %arg2[%dma_start3A_224, %dma_start3A_225] : memref<4194304x8xf32, #tpu.memory_space<hbm>> -> memref<4194304x8xf32, #tpu.memory_space<hbm>>
      tpu.enqueue_indirect_dma source(%dma_start3A_226 : memref<4194304x8xf32, #tpu.memory_space<hbm>>) target(%dma_start3A_220 : memref<128x8xf32, #tpu.memory_space<vmem>>) offsets(%dma_start3A_223 : memref<128xi32, #tpu.memory_space<vmem>>) semaphore(%arg21 : memref<!tpu.dma_semaphore, #tpu.memory_space<semaphore_mem>>)
      %dma_start3A_227 = arith.constant 5 : i32
      %dma_start3A_228 = arith.constant 640 : i32
      %dma_start3A_229 = arith.constant 0 : i32
      %dma_start3A_230 = tpu.memref_slice %arg18[%dma_start3A_228, %dma_start3A_229] : memref<1024x8xf32, #tpu.memory_space<vmem>> -> memref<128x8xf32, #tpu.memory_space<vmem>>
      %dma_start3A_231 = arith.constant 0 : i32
      %dma_start3A_232 = tpu.memref_slice %arg14[%dma_start3A_227, %dma_start3A_231] : memref<8x128xi32, #tpu.memory_space<vmem>> -> memref<1x128xi32, #tpu.memory_space<vmem>>
      %dma_start3A_233 = tpu.memref_squeeze %dma_start3A_232 : memref<1x128xi32, #tpu.memory_space<vmem>> -> memref<128xi32, #tpu.memory_space<vmem>>
      %dma_start3A_234 = arith.constant 0 : i32
      %dma_start3A_235 = arith.constant 0 : i32
      %dma_start3A_236 = tpu.memref_slice %arg2[%dma_start3A_234, %dma_start3A_235] : memref<4194304x8xf32, #tpu.memory_space<hbm>> -> memref<4194304x8xf32, #tpu.memory_space<hbm>>
      tpu.enqueue_indirect_dma source(%dma_start3A_236 : memref<4194304x8xf32, #tpu.memory_space<hbm>>) target(%dma_start3A_230 : memref<128x8xf32, #tpu.memory_space<vmem>>) offsets(%dma_start3A_233 : memref<128xi32, #tpu.memory_space<vmem>>) semaphore(%arg21 : memref<!tpu.dma_semaphore, #tpu.memory_space<semaphore_mem>>)
      %dma_start3A_237 = arith.constant 6 : i32
      %dma_start3A_238 = arith.constant 768 : i32
      %dma_start3A_239 = arith.constant 0 : i32
      %dma_start3A_240 = tpu.memref_slice %arg18[%dma_start3A_238, %dma_start3A_239] : memref<1024x8xf32, #tpu.memory_space<vmem>> -> memref<128x8xf32, #tpu.memory_space<vmem>>
      %dma_start3A_241 = arith.constant 0 : i32
      %dma_start3A_242 = tpu.memref_slice %arg14[%dma_start3A_237, %dma_start3A_241] : memref<8x128xi32, #tpu.memory_space<vmem>> -> memref<1x128xi32, #tpu.memory_space<vmem>>
      %dma_start3A_243 = tpu.memref_squeeze %dma_start3A_242 : memref<1x128xi32, #tpu.memory_space<vmem>> -> memref<128xi32, #tpu.memory_space<vmem>>
      %dma_start3A_244 = arith.constant 0 : i32
      %dma_start3A_245 = arith.constant 0 : i32
      %dma_start3A_246 = tpu.memref_slice %arg2[%dma_start3A_244, %dma_start3A_245] : memref<4194304x8xf32, #tpu.memory_space<hbm>> -> memref<4194304x8xf32, #tpu.memory_space<hbm>>
      tpu.enqueue_indirect_dma source(%dma_start3A_246 : memref<4194304x8xf32, #tpu.memory_space<hbm>>) target(%dma_start3A_240 : memref<128x8xf32, #tpu.memory_space<vmem>>) offsets(%dma_start3A_243 : memref<128xi32, #tpu.memory_space<vmem>>) semaphore(%arg21 : memref<!tpu.dma_semaphore, #tpu.memory_space<semaphore_mem>>)
      %dma_start3A_247 = arith.constant 7 : i32
      %dma_start3A_248 = arith.constant 896 : i32
      %dma_start3A_249 = arith.constant 0 : i32
      %dma_start3A_250 = tpu.memref_slice %arg18[%dma_start3A_248, %dma_start3A_249] : memref<1024x8xf32, #tpu.memory_space<vmem>> -> memref<128x8xf32, #tpu.memory_space<vmem>>
      %dma_start3A_251 = arith.constant 0 : i32
      %dma_start3A_252 = tpu.memref_slice %arg14[%dma_start3A_247, %dma_start3A_251] : memref<8x128xi32, #tpu.memory_space<vmem>> -> memref<1x128xi32, #tpu.memory_space<vmem>>
      %dma_start3A_253 = tpu.memref_squeeze %dma_start3A_252 : memref<1x128xi32, #tpu.memory_space<vmem>> -> memref<128xi32, #tpu.memory_space<vmem>>
      %dma_start3A_254 = arith.constant 0 : i32
      %dma_start3A_255 = arith.constant 0 : i32
      %dma_start3A_256 = tpu.memref_slice %arg2[%dma_start3A_254, %dma_start3A_255] : memref<4194304x8xf32, #tpu.memory_space<hbm>> -> memref<4194304x8xf32, #tpu.memory_space<hbm>>
      tpu.enqueue_indirect_dma source(%dma_start3A_256 : memref<4194304x8xf32, #tpu.memory_space<hbm>>) target(%dma_start3A_250 : memref<128x8xf32, #tpu.memory_space<vmem>>) offsets(%dma_start3A_253 : memref<128xi32, #tpu.memory_space<vmem>>) semaphore(%arg21 : memref<!tpu.dma_semaphore, #tpu.memory_space<semaphore_mem>>)
      %dma_start3A_257 = arith.constant 0 : i32
      %dma_start3A_258 = arith.constant 0 : i32
      %dma_start3A_259 = arith.constant 0 : i32
      %dma_start3A_260 = tpu.memref_slice %arg19[%dma_start3A_258, %dma_start3A_259] : memref<1024x8xf32, #tpu.memory_space<vmem>> -> memref<128x8xf32, #tpu.memory_space<vmem>>
      %dma_start3A_261 = arith.constant 0 : i32
      %dma_start3A_262 = tpu.memref_slice %arg15[%dma_start3A_257, %dma_start3A_261] : memref<8x128xi32, #tpu.memory_space<vmem>> -> memref<1x128xi32, #tpu.memory_space<vmem>>
      %dma_start3A_263 = tpu.memref_squeeze %dma_start3A_262 : memref<1x128xi32, #tpu.memory_space<vmem>> -> memref<128xi32, #tpu.memory_space<vmem>>
      %dma_start3A_264 = arith.constant 0 : i32
      %dma_start3A_265 = arith.constant 0 : i32
      %dma_start3A_266 = tpu.memref_slice %arg2[%dma_start3A_264, %dma_start3A_265] : memref<4194304x8xf32, #tpu.memory_space<hbm>> -> memref<4194304x8xf32, #tpu.memory_space<hbm>>
      tpu.enqueue_indirect_dma source(%dma_start3A_266 : memref<4194304x8xf32, #tpu.memory_space<hbm>>) target(%dma_start3A_260 : memref<128x8xf32, #tpu.memory_space<vmem>>) offsets(%dma_start3A_263 : memref<128xi32, #tpu.memory_space<vmem>>) semaphore(%arg21 : memref<!tpu.dma_semaphore, #tpu.memory_space<semaphore_mem>>)
      %dma_start3A_267 = arith.constant 1 : i32
      %dma_start3A_268 = arith.constant 128 : i32
      %dma_start3A_269 = arith.constant 0 : i32
      %dma_start3A_270 = tpu.memref_slice %arg19[%dma_start3A_268, %dma_start3A_269] : memref<1024x8xf32, #tpu.memory_space<vmem>> -> memref<128x8xf32, #tpu.memory_space<vmem>>
      %dma_start3A_271 = arith.constant 0 : i32
      %dma_start3A_272 = tpu.memref_slice %arg15[%dma_start3A_267, %dma_start3A_271] : memref<8x128xi32, #tpu.memory_space<vmem>> -> memref<1x128xi32, #tpu.memory_space<vmem>>
      %dma_start3A_273 = tpu.memref_squeeze %dma_start3A_272 : memref<1x128xi32, #tpu.memory_space<vmem>> -> memref<128xi32, #tpu.memory_space<vmem>>
      %dma_start3A_274 = arith.constant 0 : i32
      %dma_start3A_275 = arith.constant 0 : i32
      %dma_start3A_276 = tpu.memref_slice %arg2[%dma_start3A_274, %dma_start3A_275] : memref<4194304x8xf32, #tpu.memory_space<hbm>> -> memref<4194304x8xf32, #tpu.memory_space<hbm>>
      tpu.enqueue_indirect_dma source(%dma_start3A_276 : memref<4194304x8xf32, #tpu.memory_space<hbm>>) target(%dma_start3A_270 : memref<128x8xf32, #tpu.memory_space<vmem>>) offsets(%dma_start3A_273 : memref<128xi32, #tpu.memory_space<vmem>>) semaphore(%arg21 : memref<!tpu.dma_semaphore, #tpu.memory_space<semaphore_mem>>)
      %dma_start3A_277 = arith.constant 2 : i32
      %dma_start3A_278 = arith.constant 256 : i32
      %dma_start3A_279 = arith.constant 0 : i32
      %dma_start3A_280 = tpu.memref_slice %arg19[%dma_start3A_278, %dma_start3A_279] : memref<1024x8xf32, #tpu.memory_space<vmem>> -> memref<128x8xf32, #tpu.memory_space<vmem>>
      %dma_start3A_281 = arith.constant 0 : i32
      %dma_start3A_282 = tpu.memref_slice %arg15[%dma_start3A_277, %dma_start3A_281] : memref<8x128xi32, #tpu.memory_space<vmem>> -> memref<1x128xi32, #tpu.memory_space<vmem>>
      %dma_start3A_283 = tpu.memref_squeeze %dma_start3A_282 : memref<1x128xi32, #tpu.memory_space<vmem>> -> memref<128xi32, #tpu.memory_space<vmem>>
      %dma_start3A_284 = arith.constant 0 : i32
      %dma_start3A_285 = arith.constant 0 : i32
      %dma_start3A_286 = tpu.memref_slice %arg2[%dma_start3A_284, %dma_start3A_285] : memref<4194304x8xf32, #tpu.memory_space<hbm>> -> memref<4194304x8xf32, #tpu.memory_space<hbm>>
      tpu.enqueue_indirect_dma source(%dma_start3A_286 : memref<4194304x8xf32, #tpu.memory_space<hbm>>) target(%dma_start3A_280 : memref<128x8xf32, #tpu.memory_space<vmem>>) offsets(%dma_start3A_283 : memref<128xi32, #tpu.memory_space<vmem>>) semaphore(%arg21 : memref<!tpu.dma_semaphore, #tpu.memory_space<semaphore_mem>>)
      %dma_start3A_287 = arith.constant 3 : i32
      %dma_start3A_288 = arith.constant 384 : i32
      %dma_start3A_289 = arith.constant 0 : i32
      %dma_start3A_290 = tpu.memref_slice %arg19[%dma_start3A_288, %dma_start3A_289] : memref<1024x8xf32, #tpu.memory_space<vmem>> -> memref<128x8xf32, #tpu.memory_space<vmem>>
      %dma_start3A_291 = arith.constant 0 : i32
      %dma_start3A_292 = tpu.memref_slice %arg15[%dma_start3A_287, %dma_start3A_291] : memref<8x128xi32, #tpu.memory_space<vmem>> -> memref<1x128xi32, #tpu.memory_space<vmem>>
      %dma_start3A_293 = tpu.memref_squeeze %dma_start3A_292 : memref<1x128xi32, #tpu.memory_space<vmem>> -> memref<128xi32, #tpu.memory_space<vmem>>
      %dma_start3A_294 = arith.constant 0 : i32
      %dma_start3A_295 = arith.constant 0 : i32
      %dma_start3A_296 = tpu.memref_slice %arg2[%dma_start3A_294, %dma_start3A_295] : memref<4194304x8xf32, #tpu.memory_space<hbm>> -> memref<4194304x8xf32, #tpu.memory_space<hbm>>
      tpu.enqueue_indirect_dma source(%dma_start3A_296 : memref<4194304x8xf32, #tpu.memory_space<hbm>>) target(%dma_start3A_290 : memref<128x8xf32, #tpu.memory_space<vmem>>) offsets(%dma_start3A_293 : memref<128xi32, #tpu.memory_space<vmem>>) semaphore(%arg21 : memref<!tpu.dma_semaphore, #tpu.memory_space<semaphore_mem>>)
      %dma_start3A_297 = arith.constant 4 : i32
      %dma_start3A_298 = arith.constant 512 : i32
      %dma_start3A_299 = arith.constant 0 : i32
      %dma_start3A_300 = tpu.memref_slice %arg19[%dma_start3A_298, %dma_start3A_299] : memref<1024x8xf32, #tpu.memory_space<vmem>> -> memref<128x8xf32, #tpu.memory_space<vmem>>
      %dma_start3A_301 = arith.constant 0 : i32
      %dma_start3A_302 = tpu.memref_slice %arg15[%dma_start3A_297, %dma_start3A_301] : memref<8x128xi32, #tpu.memory_space<vmem>> -> memref<1x128xi32, #tpu.memory_space<vmem>>
      %dma_start3A_303 = tpu.memref_squeeze %dma_start3A_302 : memref<1x128xi32, #tpu.memory_space<vmem>> -> memref<128xi32, #tpu.memory_space<vmem>>
      %dma_start3A_304 = arith.constant 0 : i32
      %dma_start3A_305 = arith.constant 0 : i32
      %dma_start3A_306 = tpu.memref_slice %arg2[%dma_start3A_304, %dma_start3A_305] : memref<4194304x8xf32, #tpu.memory_space<hbm>> -> memref<4194304x8xf32, #tpu.memory_space<hbm>>
      tpu.enqueue_indirect_dma source(%dma_start3A_306 : memref<4194304x8xf32, #tpu.memory_space<hbm>>) target(%dma_start3A_300 : memref<128x8xf32, #tpu.memory_space<vmem>>) offsets(%dma_start3A_303 : memref<128xi32, #tpu.memory_space<vmem>>) semaphore(%arg21 : memref<!tpu.dma_semaphore, #tpu.memory_space<semaphore_mem>>)
      %dma_start3A_307 = arith.constant 5 : i32
      %dma_start3A_308 = arith.constant 640 : i32
      %dma_start3A_309 = arith.constant 0 : i32
      %dma_start3A_310 = tpu.memref_slice %arg19[%dma_start3A_308, %dma_start3A_309] : memref<1024x8xf32, #tpu.memory_space<vmem>> -> memref<128x8xf32, #tpu.memory_space<vmem>>
      %dma_start3A_311 = arith.constant 0 : i32
      %dma_start3A_312 = tpu.memref_slice %arg15[%dma_start3A_307, %dma_start3A_311] : memref<8x128xi32, #tpu.memory_space<vmem>> -> memref<1x128xi32, #tpu.memory_space<vmem>>
      %dma_start3A_313 = tpu.memref_squeeze %dma_start3A_312 : memref<1x128xi32, #tpu.memory_space<vmem>> -> memref<128xi32, #tpu.memory_space<vmem>>
      %dma_start3A_314 = arith.constant 0 : i32
      %dma_start3A_315 = arith.constant 0 : i32
      %dma_start3A_316 = tpu.memref_slice %arg2[%dma_start3A_314, %dma_start3A_315] : memref<4194304x8xf32, #tpu.memory_space<hbm>> -> memref<4194304x8xf32, #tpu.memory_space<hbm>>
      tpu.enqueue_indirect_dma source(%dma_start3A_316 : memref<4194304x8xf32, #tpu.memory_space<hbm>>) target(%dma_start3A_310 : memref<128x8xf32, #tpu.memory_space<vmem>>) offsets(%dma_start3A_313 : memref<128xi32, #tpu.memory_space<vmem>>) semaphore(%arg21 : memref<!tpu.dma_semaphore, #tpu.memory_space<semaphore_mem>>)
      %dma_start3A_317 = arith.constant 6 : i32
      %dma_start3A_318 = arith.constant 768 : i32
      %dma_start3A_319 = arith.constant 0 : i32
      %dma_start3A_320 = tpu.memref_slice %arg19[%dma_start3A_318, %dma_start3A_319] : memref<1024x8xf32, #tpu.memory_space<vmem>> -> memref<128x8xf32, #tpu.memory_space<vmem>>
      %dma_start3A_321 = arith.constant 0 : i32
      %dma_start3A_322 = tpu.memref_slice %arg15[%dma_start3A_317, %dma_start3A_321] : memref<8x128xi32, #tpu.memory_space<vmem>> -> memref<1x128xi32, #tpu.memory_space<vmem>>
      %dma_start3A_323 = tpu.memref_squeeze %dma_start3A_322 : memref<1x128xi32, #tpu.memory_space<vmem>> -> memref<128xi32, #tpu.memory_space<vmem>>
      %dma_start3A_324 = arith.constant 0 : i32
      %dma_start3A_325 = arith.constant 0 : i32
      %dma_start3A_326 = tpu.memref_slice %arg2[%dma_start3A_324, %dma_start3A_325] : memref<4194304x8xf32, #tpu.memory_space<hbm>> -> memref<4194304x8xf32, #tpu.memory_space<hbm>>
      tpu.enqueue_indirect_dma source(%dma_start3A_326 : memref<4194304x8xf32, #tpu.memory_space<hbm>>) target(%dma_start3A_320 : memref<128x8xf32, #tpu.memory_space<vmem>>) offsets(%dma_start3A_323 : memref<128xi32, #tpu.memory_space<vmem>>) semaphore(%arg21 : memref<!tpu.dma_semaphore, #tpu.memory_space<semaphore_mem>>)
      %dma_start3A_327 = arith.constant 7 : i32
      %dma_start3A_328 = arith.constant 896 : i32
      %dma_start3A_329 = arith.constant 0 : i32
      %dma_start3A_330 = tpu.memref_slice %arg19[%dma_start3A_328, %dma_start3A_329] : memref<1024x8xf32, #tpu.memory_space<vmem>> -> memref<128x8xf32, #tpu.memory_space<vmem>>
      %dma_start3A_331 = arith.constant 0 : i32
      %dma_start3A_332 = tpu.memref_slice %arg15[%dma_start3A_327, %dma_start3A_331] : memref<8x128xi32, #tpu.memory_space<vmem>> -> memref<1x128xi32, #tpu.memory_space<vmem>>
      %dma_start3A_333 = tpu.memref_squeeze %dma_start3A_332 : memref<1x128xi32, #tpu.memory_space<vmem>> -> memref<128xi32, #tpu.memory_space<vmem>>
      %dma_start3A_334 = arith.constant 0 : i32
      %dma_start3A_335 = arith.constant 0 : i32
      %dma_start3A_336 = tpu.memref_slice %arg2[%dma_start3A_334, %dma_start3A_335] : memref<4194304x8xf32, #tpu.memory_space<hbm>> -> memref<4194304x8xf32, #tpu.memory_space<hbm>>
      tpu.enqueue_indirect_dma source(%dma_start3A_336 : memref<4194304x8xf32, #tpu.memory_space<hbm>>) target(%dma_start3A_330 : memref<128x8xf32, #tpu.memory_space<vmem>>) offsets(%dma_start3A_333 : memref<128xi32, #tpu.memory_space<vmem>>) semaphore(%arg21 : memref<!tpu.dma_semaphore, #tpu.memory_space<semaphore_mem>>)
      %dma_wait3A = arith.constant 0 : i32
      %dma_wait3A_337 = arith.constant 0 : i32
      %dma_wait3A_338 = arith.constant 0 : i32
      %dma_wait3A_339 = tpu.memref_slice %arg16[%dma_wait3A_337, %dma_wait3A_338] : memref<1024x8xf32, #tpu.memory_space<vmem>> -> memref<128x8xf32, #tpu.memory_space<vmem>>
      %dma_wait3A_340 = arith.constant 0 : i32
      %dma_wait3A_341 = tpu.memref_slice %arg12[%dma_wait3A, %dma_wait3A_340] : memref<8x128xi32, #tpu.memory_space<vmem>> -> memref<1x128xi32, #tpu.memory_space<vmem>>
      %dma_wait3A_342 = tpu.memref_squeeze %dma_wait3A_341 : memref<1x128xi32, #tpu.memory_space<vmem>> -> memref<128xi32, #tpu.memory_space<vmem>>
      %dma_wait3A_343 = arith.constant 0 : i32
      %dma_wait3A_344 = arith.constant 0 : i32
      %dma_wait3A_345 = tpu.memref_slice %arg2[%dma_wait3A_343, %dma_wait3A_344] : memref<4194304x8xf32, #tpu.memory_space<hbm>> -> memref<4194304x8xf32, #tpu.memory_space<hbm>>
      tpu.wait_indirect_dma semaphore(%arg21 : memref<!tpu.dma_semaphore, #tpu.memory_space<semaphore_mem>>) src(%dma_wait3A_345 : memref<4194304x8xf32, #tpu.memory_space<hbm>>) dst(%dma_wait3A_339 : memref<128x8xf32, #tpu.memory_space<vmem>>)
      %dma_wait3A_346 = arith.constant 1 : i32
      %dma_wait3A_347 = arith.constant 128 : i32
      %dma_wait3A_348 = arith.constant 0 : i32
      %dma_wait3A_349 = tpu.memref_slice %arg16[%dma_wait3A_347, %dma_wait3A_348] : memref<1024x8xf32, #tpu.memory_space<vmem>> -> memref<128x8xf32, #tpu.memory_space<vmem>>
      %dma_wait3A_350 = arith.constant 0 : i32
      %dma_wait3A_351 = tpu.memref_slice %arg12[%dma_wait3A_346, %dma_wait3A_350] : memref<8x128xi32, #tpu.memory_space<vmem>> -> memref<1x128xi32, #tpu.memory_space<vmem>>
      %dma_wait3A_352 = tpu.memref_squeeze %dma_wait3A_351 : memref<1x128xi32, #tpu.memory_space<vmem>> -> memref<128xi32, #tpu.memory_space<vmem>>
      %dma_wait3A_353 = arith.constant 0 : i32
      %dma_wait3A_354 = arith.constant 0 : i32
      %dma_wait3A_355 = tpu.memref_slice %arg2[%dma_wait3A_353, %dma_wait3A_354] : memref<4194304x8xf32, #tpu.memory_space<hbm>> -> memref<4194304x8xf32, #tpu.memory_space<hbm>>
      tpu.wait_indirect_dma semaphore(%arg21 : memref<!tpu.dma_semaphore, #tpu.memory_space<semaphore_mem>>) src(%dma_wait3A_355 : memref<4194304x8xf32, #tpu.memory_space<hbm>>) dst(%dma_wait3A_349 : memref<128x8xf32, #tpu.memory_space<vmem>>)
      %dma_wait3A_356 = arith.constant 2 : i32
      %dma_wait3A_357 = arith.constant 256 : i32
      %dma_wait3A_358 = arith.constant 0 : i32
      %dma_wait3A_359 = tpu.memref_slice %arg16[%dma_wait3A_357, %dma_wait3A_358] : memref<1024x8xf32, #tpu.memory_space<vmem>> -> memref<128x8xf32, #tpu.memory_space<vmem>>
      %dma_wait3A_360 = arith.constant 0 : i32
      %dma_wait3A_361 = tpu.memref_slice %arg12[%dma_wait3A_356, %dma_wait3A_360] : memref<8x128xi32, #tpu.memory_space<vmem>> -> memref<1x128xi32, #tpu.memory_space<vmem>>
      %dma_wait3A_362 = tpu.memref_squeeze %dma_wait3A_361 : memref<1x128xi32, #tpu.memory_space<vmem>> -> memref<128xi32, #tpu.memory_space<vmem>>
      %dma_wait3A_363 = arith.constant 0 : i32
      %dma_wait3A_364 = arith.constant 0 : i32
      %dma_wait3A_365 = tpu.memref_slice %arg2[%dma_wait3A_363, %dma_wait3A_364] : memref<4194304x8xf32, #tpu.memory_space<hbm>> -> memref<4194304x8xf32, #tpu.memory_space<hbm>>
      tpu.wait_indirect_dma semaphore(%arg21 : memref<!tpu.dma_semaphore, #tpu.memory_space<semaphore_mem>>) src(%dma_wait3A_365 : memref<4194304x8xf32, #tpu.memory_space<hbm>>) dst(%dma_wait3A_359 : memref<128x8xf32, #tpu.memory_space<vmem>>)
      %dma_wait3A_366 = arith.constant 3 : i32
      %dma_wait3A_367 = arith.constant 384 : i32
      %dma_wait3A_368 = arith.constant 0 : i32
      %dma_wait3A_369 = tpu.memref_slice %arg16[%dma_wait3A_367, %dma_wait3A_368] : memref<1024x8xf32, #tpu.memory_space<vmem>> -> memref<128x8xf32, #tpu.memory_space<vmem>>
      %dma_wait3A_370 = arith.constant 0 : i32
      %dma_wait3A_371 = tpu.memref_slice %arg12[%dma_wait3A_366, %dma_wait3A_370] : memref<8x128xi32, #tpu.memory_space<vmem>> -> memref<1x128xi32, #tpu.memory_space<vmem>>
      %dma_wait3A_372 = tpu.memref_squeeze %dma_wait3A_371 : memref<1x128xi32, #tpu.memory_space<vmem>> -> memref<128xi32, #tpu.memory_space<vmem>>
      %dma_wait3A_373 = arith.constant 0 : i32
      %dma_wait3A_374 = arith.constant 0 : i32
      %dma_wait3A_375 = tpu.memref_slice %arg2[%dma_wait3A_373, %dma_wait3A_374] : memref<4194304x8xf32, #tpu.memory_space<hbm>> -> memref<4194304x8xf32, #tpu.memory_space<hbm>>
      tpu.wait_indirect_dma semaphore(%arg21 : memref<!tpu.dma_semaphore, #tpu.memory_space<semaphore_mem>>) src(%dma_wait3A_375 : memref<4194304x8xf32, #tpu.memory_space<hbm>>) dst(%dma_wait3A_369 : memref<128x8xf32, #tpu.memory_space<vmem>>)
      %dma_wait3A_376 = arith.constant 4 : i32
      %dma_wait3A_377 = arith.constant 512 : i32
      %dma_wait3A_378 = arith.constant 0 : i32
      %dma_wait3A_379 = tpu.memref_slice %arg16[%dma_wait3A_377, %dma_wait3A_378] : memref<1024x8xf32, #tpu.memory_space<vmem>> -> memref<128x8xf32, #tpu.memory_space<vmem>>
      %dma_wait3A_380 = arith.constant 0 : i32
      %dma_wait3A_381 = tpu.memref_slice %arg12[%dma_wait3A_376, %dma_wait3A_380] : memref<8x128xi32, #tpu.memory_space<vmem>> -> memref<1x128xi32, #tpu.memory_space<vmem>>
      %dma_wait3A_382 = tpu.memref_squeeze %dma_wait3A_381 : memref<1x128xi32, #tpu.memory_space<vmem>> -> memref<128xi32, #tpu.memory_space<vmem>>
      %dma_wait3A_383 = arith.constant 0 : i32
      %dma_wait3A_384 = arith.constant 0 : i32
      %dma_wait3A_385 = tpu.memref_slice %arg2[%dma_wait3A_383, %dma_wait3A_384] : memref<4194304x8xf32, #tpu.memory_space<hbm>> -> memref<4194304x8xf32, #tpu.memory_space<hbm>>
      tpu.wait_indirect_dma semaphore(%arg21 : memref<!tpu.dma_semaphore, #tpu.memory_space<semaphore_mem>>) src(%dma_wait3A_385 : memref<4194304x8xf32, #tpu.memory_space<hbm>>) dst(%dma_wait3A_379 : memref<128x8xf32, #tpu.memory_space<vmem>>)
      %dma_wait3A_386 = arith.constant 5 : i32
      %dma_wait3A_387 = arith.constant 640 : i32
      %dma_wait3A_388 = arith.constant 0 : i32
      %dma_wait3A_389 = tpu.memref_slice %arg16[%dma_wait3A_387, %dma_wait3A_388] : memref<1024x8xf32, #tpu.memory_space<vmem>> -> memref<128x8xf32, #tpu.memory_space<vmem>>
      %dma_wait3A_390 = arith.constant 0 : i32
      %dma_wait3A_391 = tpu.memref_slice %arg12[%dma_wait3A_386, %dma_wait3A_390] : memref<8x128xi32, #tpu.memory_space<vmem>> -> memref<1x128xi32, #tpu.memory_space<vmem>>
      %dma_wait3A_392 = tpu.memref_squeeze %dma_wait3A_391 : memref<1x128xi32, #tpu.memory_space<vmem>> -> memref<128xi32, #tpu.memory_space<vmem>>
      %dma_wait3A_393 = arith.constant 0 : i32
      %dma_wait3A_394 = arith.constant 0 : i32
      %dma_wait3A_395 = tpu.memref_slice %arg2[%dma_wait3A_393, %dma_wait3A_394] : memref<4194304x8xf32, #tpu.memory_space<hbm>> -> memref<4194304x8xf32, #tpu.memory_space<hbm>>
      tpu.wait_indirect_dma semaphore(%arg21 : memref<!tpu.dma_semaphore, #tpu.memory_space<semaphore_mem>>) src(%dma_wait3A_395 : memref<4194304x8xf32, #tpu.memory_space<hbm>>) dst(%dma_wait3A_389 : memref<128x8xf32, #tpu.memory_space<vmem>>)
      %dma_wait3A_396 = arith.constant 6 : i32
      %dma_wait3A_397 = arith.constant 768 : i32
      %dma_wait3A_398 = arith.constant 0 : i32
      %dma_wait3A_399 = tpu.memref_slice %arg16[%dma_wait3A_397, %dma_wait3A_398] : memref<1024x8xf32, #tpu.memory_space<vmem>> -> memref<128x8xf32, #tpu.memory_space<vmem>>
      %dma_wait3A_400 = arith.constant 0 : i32
      %dma_wait3A_401 = tpu.memref_slice %arg12[%dma_wait3A_396, %dma_wait3A_400] : memref<8x128xi32, #tpu.memory_space<vmem>> -> memref<1x128xi32, #tpu.memory_space<vmem>>
      %dma_wait3A_402 = tpu.memref_squeeze %dma_wait3A_401 : memref<1x128xi32, #tpu.memory_space<vmem>> -> memref<128xi32, #tpu.memory_space<vmem>>
      %dma_wait3A_403 = arith.constant 0 : i32
      %dma_wait3A_404 = arith.constant 0 : i32
      %dma_wait3A_405 = tpu.memref_slice %arg2[%dma_wait3A_403, %dma_wait3A_404] : memref<4194304x8xf32, #tpu.memory_space<hbm>> -> memref<4194304x8xf32, #tpu.memory_space<hbm>>
      tpu.wait_indirect_dma semaphore(%arg21 : memref<!tpu.dma_semaphore, #tpu.memory_space<semaphore_mem>>) src(%dma_wait3A_405 : memref<4194304x8xf32, #tpu.memory_space<hbm>>) dst(%dma_wait3A_399 : memref<128x8xf32, #tpu.memory_space<vmem>>)
      %dma_wait3A_406 = arith.constant 7 : i32
      %dma_wait3A_407 = arith.constant 896 : i32
      %dma_wait3A_408 = arith.constant 0 : i32
      %dma_wait3A_409 = tpu.memref_slice %arg16[%dma_wait3A_407, %dma_wait3A_408] : memref<1024x8xf32, #tpu.memory_space<vmem>> -> memref<128x8xf32, #tpu.memory_space<vmem>>
      %dma_wait3A_410 = arith.constant 0 : i32
      %dma_wait3A_411 = tpu.memref_slice %arg12[%dma_wait3A_406, %dma_wait3A_410] : memref<8x128xi32, #tpu.memory_space<vmem>> -> memref<1x128xi32, #tpu.memory_space<vmem>>
      %dma_wait3A_412 = tpu.memref_squeeze %dma_wait3A_411 : memref<1x128xi32, #tpu.memory_space<vmem>> -> memref<128xi32, #tpu.memory_space<vmem>>
      %dma_wait3A_413 = arith.constant 0 : i32
      %dma_wait3A_414 = arith.constant 0 : i32
      %dma_wait3A_415 = tpu.memref_slice %arg2[%dma_wait3A_413, %dma_wait3A_414] : memref<4194304x8xf32, #tpu.memory_space<hbm>> -> memref<4194304x8xf32, #tpu.memory_space<hbm>>
      tpu.wait_indirect_dma semaphore(%arg21 : memref<!tpu.dma_semaphore, #tpu.memory_space<semaphore_mem>>) src(%dma_wait3A_415 : memref<4194304x8xf32, #tpu.memory_space<hbm>>) dst(%dma_wait3A_409 : memref<128x8xf32, #tpu.memory_space<vmem>>)
      %dma_wait3A_416 = arith.constant 0 : i32
      %dma_wait3A_417 = arith.constant 0 : i32
      %dma_wait3A_418 = arith.constant 0 : i32
      %dma_wait3A_419 = tpu.memref_slice %arg17[%dma_wait3A_417, %dma_wait3A_418] : memref<1024x8xf32, #tpu.memory_space<vmem>> -> memref<128x8xf32, #tpu.memory_space<vmem>>
      %dma_wait3A_420 = arith.constant 0 : i32
      %dma_wait3A_421 = tpu.memref_slice %arg13[%dma_wait3A_416, %dma_wait3A_420] : memref<8x128xi32, #tpu.memory_space<vmem>> -> memref<1x128xi32, #tpu.memory_space<vmem>>
      %dma_wait3A_422 = tpu.memref_squeeze %dma_wait3A_421 : memref<1x128xi32, #tpu.memory_space<vmem>> -> memref<128xi32, #tpu.memory_space<vmem>>
      %dma_wait3A_423 = arith.constant 0 : i32
      %dma_wait3A_424 = arith.constant 0 : i32
      %dma_wait3A_425 = tpu.memref_slice %arg2[%dma_wait3A_423, %dma_wait3A_424] : memref<4194304x8xf32, #tpu.memory_space<hbm>> -> memref<4194304x8xf32, #tpu.memory_space<hbm>>
      tpu.wait_indirect_dma semaphore(%arg21 : memref<!tpu.dma_semaphore, #tpu.memory_space<semaphore_mem>>) src(%dma_wait3A_425 : memref<4194304x8xf32, #tpu.memory_space<hbm>>) dst(%dma_wait3A_419 : memref<128x8xf32, #tpu.memory_space<vmem>>)
      %dma_wait3A_426 = arith.constant 1 : i32
      %dma_wait3A_427 = arith.constant 128 : i32
      %dma_wait3A_428 = arith.constant 0 : i32
      %dma_wait3A_429 = tpu.memref_slice %arg17[%dma_wait3A_427, %dma_wait3A_428] : memref<1024x8xf32, #tpu.memory_space<vmem>> -> memref<128x8xf32, #tpu.memory_space<vmem>>
      %dma_wait3A_430 = arith.constant 0 : i32
      %dma_wait3A_431 = tpu.memref_slice %arg13[%dma_wait3A_426, %dma_wait3A_430] : memref<8x128xi32, #tpu.memory_space<vmem>> -> memref<1x128xi32, #tpu.memory_space<vmem>>
      %dma_wait3A_432 = tpu.memref_squeeze %dma_wait3A_431 : memref<1x128xi32, #tpu.memory_space<vmem>> -> memref<128xi32, #tpu.memory_space<vmem>>
      %dma_wait3A_433 = arith.constant 0 : i32
      %dma_wait3A_434 = arith.constant 0 : i32
      %dma_wait3A_435 = tpu.memref_slice %arg2[%dma_wait3A_433, %dma_wait3A_434] : memref<4194304x8xf32, #tpu.memory_space<hbm>> -> memref<4194304x8xf32, #tpu.memory_space<hbm>>
      tpu.wait_indirect_dma semaphore(%arg21 : memref<!tpu.dma_semaphore, #tpu.memory_space<semaphore_mem>>) src(%dma_wait3A_435 : memref<4194304x8xf32, #tpu.memory_space<hbm>>) dst(%dma_wait3A_429 : memref<128x8xf32, #tpu.memory_space<vmem>>)
      %dma_wait3A_436 = arith.constant 2 : i32
      %dma_wait3A_437 = arith.constant 256 : i32
      %dma_wait3A_438 = arith.constant 0 : i32
      %dma_wait3A_439 = tpu.memref_slice %arg17[%dma_wait3A_437, %dma_wait3A_438] : memref<1024x8xf32, #tpu.memory_space<vmem>> -> memref<128x8xf32, #tpu.memory_space<vmem>>
      %dma_wait3A_440 = arith.constant 0 : i32
      %dma_wait3A_441 = tpu.memref_slice %arg13[%dma_wait3A_436, %dma_wait3A_440] : memref<8x128xi32, #tpu.memory_space<vmem>> -> memref<1x128xi32, #tpu.memory_space<vmem>>
      %dma_wait3A_442 = tpu.memref_squeeze %dma_wait3A_441 : memref<1x128xi32, #tpu.memory_space<vmem>> -> memref<128xi32, #tpu.memory_space<vmem>>
      %dma_wait3A_443 = arith.constant 0 : i32
      %dma_wait3A_444 = arith.constant 0 : i32
      %dma_wait3A_445 = tpu.memref_slice %arg2[%dma_wait3A_443, %dma_wait3A_444] : memref<4194304x8xf32, #tpu.memory_space<hbm>> -> memref<4194304x8xf32, #tpu.memory_space<hbm>>
      tpu.wait_indirect_dma semaphore(%arg21 : memref<!tpu.dma_semaphore, #tpu.memory_space<semaphore_mem>>) src(%dma_wait3A_445 : memref<4194304x8xf32, #tpu.memory_space<hbm>>) dst(%dma_wait3A_439 : memref<128x8xf32, #tpu.memory_space<vmem>>)
      %dma_wait3A_446 = arith.constant 3 : i32
      %dma_wait3A_447 = arith.constant 384 : i32
      %dma_wait3A_448 = arith.constant 0 : i32
      %dma_wait3A_449 = tpu.memref_slice %arg17[%dma_wait3A_447, %dma_wait3A_448] : memref<1024x8xf32, #tpu.memory_space<vmem>> -> memref<128x8xf32, #tpu.memory_space<vmem>>
      %dma_wait3A_450 = arith.constant 0 : i32
      %dma_wait3A_451 = tpu.memref_slice %arg13[%dma_wait3A_446, %dma_wait3A_450] : memref<8x128xi32, #tpu.memory_space<vmem>> -> memref<1x128xi32, #tpu.memory_space<vmem>>
      %dma_wait3A_452 = tpu.memref_squeeze %dma_wait3A_451 : memref<1x128xi32, #tpu.memory_space<vmem>> -> memref<128xi32, #tpu.memory_space<vmem>>
      %dma_wait3A_453 = arith.constant 0 : i32
      %dma_wait3A_454 = arith.constant 0 : i32
      %dma_wait3A_455 = tpu.memref_slice %arg2[%dma_wait3A_453, %dma_wait3A_454] : memref<4194304x8xf32, #tpu.memory_space<hbm>> -> memref<4194304x8xf32, #tpu.memory_space<hbm>>
      tpu.wait_indirect_dma semaphore(%arg21 : memref<!tpu.dma_semaphore, #tpu.memory_space<semaphore_mem>>) src(%dma_wait3A_455 : memref<4194304x8xf32, #tpu.memory_space<hbm>>) dst(%dma_wait3A_449 : memref<128x8xf32, #tpu.memory_space<vmem>>)
      %dma_wait3A_456 = arith.constant 4 : i32
      %dma_wait3A_457 = arith.constant 512 : i32
      %dma_wait3A_458 = arith.constant 0 : i32
      %dma_wait3A_459 = tpu.memref_slice %arg17[%dma_wait3A_457, %dma_wait3A_458] : memref<1024x8xf32, #tpu.memory_space<vmem>> -> memref<128x8xf32, #tpu.memory_space<vmem>>
      %dma_wait3A_460 = arith.constant 0 : i32
      %dma_wait3A_461 = tpu.memref_slice %arg13[%dma_wait3A_456, %dma_wait3A_460] : memref<8x128xi32, #tpu.memory_space<vmem>> -> memref<1x128xi32, #tpu.memory_space<vmem>>
      %dma_wait3A_462 = tpu.memref_squeeze %dma_wait3A_461 : memref<1x128xi32, #tpu.memory_space<vmem>> -> memref<128xi32, #tpu.memory_space<vmem>>
      %dma_wait3A_463 = arith.constant 0 : i32
      %dma_wait3A_464 = arith.constant 0 : i32
      %dma_wait3A_465 = tpu.memref_slice %arg2[%dma_wait3A_463, %dma_wait3A_464] : memref<4194304x8xf32, #tpu.memory_space<hbm>> -> memref<4194304x8xf32, #tpu.memory_space<hbm>>
      tpu.wait_indirect_dma semaphore(%arg21 : memref<!tpu.dma_semaphore, #tpu.memory_space<semaphore_mem>>) src(%dma_wait3A_465 : memref<4194304x8xf32, #tpu.memory_space<hbm>>) dst(%dma_wait3A_459 : memref<128x8xf32, #tpu.memory_space<vmem>>)
      %dma_wait3A_466 = arith.constant 5 : i32
      %dma_wait3A_467 = arith.constant 640 : i32
      %dma_wait3A_468 = arith.constant 0 : i32
      %dma_wait3A_469 = tpu.memref_slice %arg17[%dma_wait3A_467, %dma_wait3A_468] : memref<1024x8xf32, #tpu.memory_space<vmem>> -> memref<128x8xf32, #tpu.memory_space<vmem>>
      %dma_wait3A_470 = arith.constant 0 : i32
      %dma_wait3A_471 = tpu.memref_slice %arg13[%dma_wait3A_466, %dma_wait3A_470] : memref<8x128xi32, #tpu.memory_space<vmem>> -> memref<1x128xi32, #tpu.memory_space<vmem>>
      %dma_wait3A_472 = tpu.memref_squeeze %dma_wait3A_471 : memref<1x128xi32, #tpu.memory_space<vmem>> -> memref<128xi32, #tpu.memory_space<vmem>>
      %dma_wait3A_473 = arith.constant 0 : i32
      %dma_wait3A_474 = arith.constant 0 : i32
      %dma_wait3A_475 = tpu.memref_slice %arg2[%dma_wait3A_473, %dma_wait3A_474] : memref<4194304x8xf32, #tpu.memory_space<hbm>> -> memref<4194304x8xf32, #tpu.memory_space<hbm>>
      tpu.wait_indirect_dma semaphore(%arg21 : memref<!tpu.dma_semaphore, #tpu.memory_space<semaphore_mem>>) src(%dma_wait3A_475 : memref<4194304x8xf32, #tpu.memory_space<hbm>>) dst(%dma_wait3A_469 : memref<128x8xf32, #tpu.memory_space<vmem>>)
      %dma_wait3A_476 = arith.constant 6 : i32
      %dma_wait3A_477 = arith.constant 768 : i32
      %dma_wait3A_478 = arith.constant 0 : i32
      %dma_wait3A_479 = tpu.memref_slice %arg17[%dma_wait3A_477, %dma_wait3A_478] : memref<1024x8xf32, #tpu.memory_space<vmem>> -> memref<128x8xf32, #tpu.memory_space<vmem>>
      %dma_wait3A_480 = arith.constant 0 : i32
      %dma_wait3A_481 = tpu.memref_slice %arg13[%dma_wait3A_476, %dma_wait3A_480] : memref<8x128xi32, #tpu.memory_space<vmem>> -> memref<1x128xi32, #tpu.memory_space<vmem>>
      %dma_wait3A_482 = tpu.memref_squeeze %dma_wait3A_481 : memref<1x128xi32, #tpu.memory_space<vmem>> -> memref<128xi32, #tpu.memory_space<vmem>>
      %dma_wait3A_483 = arith.constant 0 : i32
      %dma_wait3A_484 = arith.constant 0 : i32
      %dma_wait3A_485 = tpu.memref_slice %arg2[%dma_wait3A_483, %dma_wait3A_484] : memref<4194304x8xf32, #tpu.memory_space<hbm>> -> memref<4194304x8xf32, #tpu.memory_space<hbm>>
      tpu.wait_indirect_dma semaphore(%arg21 : memref<!tpu.dma_semaphore, #tpu.memory_space<semaphore_mem>>) src(%dma_wait3A_485 : memref<4194304x8xf32, #tpu.memory_space<hbm>>) dst(%dma_wait3A_479 : memref<128x8xf32, #tpu.memory_space<vmem>>)
      %dma_wait3A_486 = arith.constant 7 : i32
      %dma_wait3A_487 = arith.constant 896 : i32
      %dma_wait3A_488 = arith.constant 0 : i32
      %dma_wait3A_489 = tpu.memref_slice %arg17[%dma_wait3A_487, %dma_wait3A_488] : memref<1024x8xf32, #tpu.memory_space<vmem>> -> memref<128x8xf32, #tpu.memory_space<vmem>>
      %dma_wait3A_490 = arith.constant 0 : i32
      %dma_wait3A_491 = tpu.memref_slice %arg13[%dma_wait3A_486, %dma_wait3A_490] : memref<8x128xi32, #tpu.memory_space<vmem>> -> memref<1x128xi32, #tpu.memory_space<vmem>>
      %dma_wait3A_492 = tpu.memref_squeeze %dma_wait3A_491 : memref<1x128xi32, #tpu.memory_space<vmem>> -> memref<128xi32, #tpu.memory_space<vmem>>
      %dma_wait3A_493 = arith.constant 0 : i32
      %dma_wait3A_494 = arith.constant 0 : i32
      %dma_wait3A_495 = tpu.memref_slice %arg2[%dma_wait3A_493, %dma_wait3A_494] : memref<4194304x8xf32, #tpu.memory_space<hbm>> -> memref<4194304x8xf32, #tpu.memory_space<hbm>>
      tpu.wait_indirect_dma semaphore(%arg21 : memref<!tpu.dma_semaphore, #tpu.memory_space<semaphore_mem>>) src(%dma_wait3A_495 : memref<4194304x8xf32, #tpu.memory_space<hbm>>) dst(%dma_wait3A_489 : memref<128x8xf32, #tpu.memory_space<vmem>>)
      %dma_wait3A_496 = arith.constant 0 : i32
      %dma_wait3A_497 = arith.constant 0 : i32
      %dma_wait3A_498 = arith.constant 0 : i32
      %dma_wait3A_499 = tpu.memref_slice %arg18[%dma_wait3A_497, %dma_wait3A_498] : memref<1024x8xf32, #tpu.memory_space<vmem>> -> memref<128x8xf32, #tpu.memory_space<vmem>>
      %dma_wait3A_500 = arith.constant 0 : i32
      %dma_wait3A_501 = tpu.memref_slice %arg14[%dma_wait3A_496, %dma_wait3A_500] : memref<8x128xi32, #tpu.memory_space<vmem>> -> memref<1x128xi32, #tpu.memory_space<vmem>>
      %dma_wait3A_502 = tpu.memref_squeeze %dma_wait3A_501 : memref<1x128xi32, #tpu.memory_space<vmem>> -> memref<128xi32, #tpu.memory_space<vmem>>
      %dma_wait3A_503 = arith.constant 0 : i32
      %dma_wait3A_504 = arith.constant 0 : i32
      %dma_wait3A_505 = tpu.memref_slice %arg2[%dma_wait3A_503, %dma_wait3A_504] : memref<4194304x8xf32, #tpu.memory_space<hbm>> -> memref<4194304x8xf32, #tpu.memory_space<hbm>>
      tpu.wait_indirect_dma semaphore(%arg21 : memref<!tpu.dma_semaphore, #tpu.memory_space<semaphore_mem>>) src(%dma_wait3A_505 : memref<4194304x8xf32, #tpu.memory_space<hbm>>) dst(%dma_wait3A_499 : memref<128x8xf32, #tpu.memory_space<vmem>>)
      %dma_wait3A_506 = arith.constant 1 : i32
      %dma_wait3A_507 = arith.constant 128 : i32
      %dma_wait3A_508 = arith.constant 0 : i32
      %dma_wait3A_509 = tpu.memref_slice %arg18[%dma_wait3A_507, %dma_wait3A_508] : memref<1024x8xf32, #tpu.memory_space<vmem>> -> memref<128x8xf32, #tpu.memory_space<vmem>>
      %dma_wait3A_510 = arith.constant 0 : i32
      %dma_wait3A_511 = tpu.memref_slice %arg14[%dma_wait3A_506, %dma_wait3A_510] : memref<8x128xi32, #tpu.memory_space<vmem>> -> memref<1x128xi32, #tpu.memory_space<vmem>>
      %dma_wait3A_512 = tpu.memref_squeeze %dma_wait3A_511 : memref<1x128xi32, #tpu.memory_space<vmem>> -> memref<128xi32, #tpu.memory_space<vmem>>
      %dma_wait3A_513 = arith.constant 0 : i32
      %dma_wait3A_514 = arith.constant 0 : i32
      %dma_wait3A_515 = tpu.memref_slice %arg2[%dma_wait3A_513, %dma_wait3A_514] : memref<4194304x8xf32, #tpu.memory_space<hbm>> -> memref<4194304x8xf32, #tpu.memory_space<hbm>>
      tpu.wait_indirect_dma semaphore(%arg21 : memref<!tpu.dma_semaphore, #tpu.memory_space<semaphore_mem>>) src(%dma_wait3A_515 : memref<4194304x8xf32, #tpu.memory_space<hbm>>) dst(%dma_wait3A_509 : memref<128x8xf32, #tpu.memory_space<vmem>>)
      %dma_wait3A_516 = arith.constant 2 : i32
      %dma_wait3A_517 = arith.constant 256 : i32
      %dma_wait3A_518 = arith.constant 0 : i32
      %dma_wait3A_519 = tpu.memref_slice %arg18[%dma_wait3A_517, %dma_wait3A_518] : memref<1024x8xf32, #tpu.memory_space<vmem>> -> memref<128x8xf32, #tpu.memory_space<vmem>>
      %dma_wait3A_520 = arith.constant 0 : i32
      %dma_wait3A_521 = tpu.memref_slice %arg14[%dma_wait3A_516, %dma_wait3A_520] : memref<8x128xi32, #tpu.memory_space<vmem>> -> memref<1x128xi32, #tpu.memory_space<vmem>>
      %dma_wait3A_522 = tpu.memref_squeeze %dma_wait3A_521 : memref<1x128xi32, #tpu.memory_space<vmem>> -> memref<128xi32, #tpu.memory_space<vmem>>
      %dma_wait3A_523 = arith.constant 0 : i32
      %dma_wait3A_524 = arith.constant 0 : i32
      %dma_wait3A_525 = tpu.memref_slice %arg2[%dma_wait3A_523, %dma_wait3A_524] : memref<4194304x8xf32, #tpu.memory_space<hbm>> -> memref<4194304x8xf32, #tpu.memory_space<hbm>>
      tpu.wait_indirect_dma semaphore(%arg21 : memref<!tpu.dma_semaphore, #tpu.memory_space<semaphore_mem>>) src(%dma_wait3A_525 : memref<4194304x8xf32, #tpu.memory_space<hbm>>) dst(%dma_wait3A_519 : memref<128x8xf32, #tpu.memory_space<vmem>>)
      %dma_wait3A_526 = arith.constant 3 : i32
      %dma_wait3A_527 = arith.constant 384 : i32
      %dma_wait3A_528 = arith.constant 0 : i32
      %dma_wait3A_529 = tpu.memref_slice %arg18[%dma_wait3A_527, %dma_wait3A_528] : memref<1024x8xf32, #tpu.memory_space<vmem>> -> memref<128x8xf32, #tpu.memory_space<vmem>>
      %dma_wait3A_530 = arith.constant 0 : i32
      %dma_wait3A_531 = tpu.memref_slice %arg14[%dma_wait3A_526, %dma_wait3A_530] : memref<8x128xi32, #tpu.memory_space<vmem>> -> memref<1x128xi32, #tpu.memory_space<vmem>>
      %dma_wait3A_532 = tpu.memref_squeeze %dma_wait3A_531 : memref<1x128xi32, #tpu.memory_space<vmem>> -> memref<128xi32, #tpu.memory_space<vmem>>
      %dma_wait3A_533 = arith.constant 0 : i32
      %dma_wait3A_534 = arith.constant 0 : i32
      %dma_wait3A_535 = tpu.memref_slice %arg2[%dma_wait3A_533, %dma_wait3A_534] : memref<4194304x8xf32, #tpu.memory_space<hbm>> -> memref<4194304x8xf32, #tpu.memory_space<hbm>>
      tpu.wait_indirect_dma semaphore(%arg21 : memref<!tpu.dma_semaphore, #tpu.memory_space<semaphore_mem>>) src(%dma_wait3A_535 : memref<4194304x8xf32, #tpu.memory_space<hbm>>) dst(%dma_wait3A_529 : memref<128x8xf32, #tpu.memory_space<vmem>>)
      %dma_wait3A_536 = arith.constant 4 : i32
      %dma_wait3A_537 = arith.constant 512 : i32
      %dma_wait3A_538 = arith.constant 0 : i32
      %dma_wait3A_539 = tpu.memref_slice %arg18[%dma_wait3A_537, %dma_wait3A_538] : memref<1024x8xf32, #tpu.memory_space<vmem>> -> memref<128x8xf32, #tpu.memory_space<vmem>>
      %dma_wait3A_540 = arith.constant 0 : i32
      %dma_wait3A_541 = tpu.memref_slice %arg14[%dma_wait3A_536, %dma_wait3A_540] : memref<8x128xi32, #tpu.memory_space<vmem>> -> memref<1x128xi32, #tpu.memory_space<vmem>>
      %dma_wait3A_542 = tpu.memref_squeeze %dma_wait3A_541 : memref<1x128xi32, #tpu.memory_space<vmem>> -> memref<128xi32, #tpu.memory_space<vmem>>
      %dma_wait3A_543 = arith.constant 0 : i32
      %dma_wait3A_544 = arith.constant 0 : i32
      %dma_wait3A_545 = tpu.memref_slice %arg2[%dma_wait3A_543, %dma_wait3A_544] : memref<4194304x8xf32, #tpu.memory_space<hbm>> -> memref<4194304x8xf32, #tpu.memory_space<hbm>>
      tpu.wait_indirect_dma semaphore(%arg21 : memref<!tpu.dma_semaphore, #tpu.memory_space<semaphore_mem>>) src(%dma_wait3A_545 : memref<4194304x8xf32, #tpu.memory_space<hbm>>) dst(%dma_wait3A_539 : memref<128x8xf32, #tpu.memory_space<vmem>>)
      %dma_wait3A_546 = arith.constant 5 : i32
      %dma_wait3A_547 = arith.constant 640 : i32
      %dma_wait3A_548 = arith.constant 0 : i32
      %dma_wait3A_549 = tpu.memref_slice %arg18[%dma_wait3A_547, %dma_wait3A_548] : memref<1024x8xf32, #tpu.memory_space<vmem>> -> memref<128x8xf32, #tpu.memory_space<vmem>>
      %dma_wait3A_550 = arith.constant 0 : i32
      %dma_wait3A_551 = tpu.memref_slice %arg14[%dma_wait3A_546, %dma_wait3A_550] : memref<8x128xi32, #tpu.memory_space<vmem>> -> memref<1x128xi32, #tpu.memory_space<vmem>>
      %dma_wait3A_552 = tpu.memref_squeeze %dma_wait3A_551 : memref<1x128xi32, #tpu.memory_space<vmem>> -> memref<128xi32, #tpu.memory_space<vmem>>
      %dma_wait3A_553 = arith.constant 0 : i32
      %dma_wait3A_554 = arith.constant 0 : i32
      %dma_wait3A_555 = tpu.memref_slice %arg2[%dma_wait3A_553, %dma_wait3A_554] : memref<4194304x8xf32, #tpu.memory_space<hbm>> -> memref<4194304x8xf32, #tpu.memory_space<hbm>>
      tpu.wait_indirect_dma semaphore(%arg21 : memref<!tpu.dma_semaphore, #tpu.memory_space<semaphore_mem>>) src(%dma_wait3A_555 : memref<4194304x8xf32, #tpu.memory_space<hbm>>) dst(%dma_wait3A_549 : memref<128x8xf32, #tpu.memory_space<vmem>>)
      %dma_wait3A_556 = arith.constant 6 : i32
      %dma_wait3A_557 = arith.constant 768 : i32
      %dma_wait3A_558 = arith.constant 0 : i32
      %dma_wait3A_559 = tpu.memref_slice %arg18[%dma_wait3A_557, %dma_wait3A_558] : memref<1024x8xf32, #tpu.memory_space<vmem>> -> memref<128x8xf32, #tpu.memory_space<vmem>>
      %dma_wait3A_560 = arith.constant 0 : i32
      %dma_wait3A_561 = tpu.memref_slice %arg14[%dma_wait3A_556, %dma_wait3A_560] : memref<8x128xi32, #tpu.memory_space<vmem>> -> memref<1x128xi32, #tpu.memory_space<vmem>>
      %dma_wait3A_562 = tpu.memref_squeeze %dma_wait3A_561 : memref<1x128xi32, #tpu.memory_space<vmem>> -> memref<128xi32, #tpu.memory_space<vmem>>
      %dma_wait3A_563 = arith.constant 0 : i32
      %dma_wait3A_564 = arith.constant 0 : i32
      %dma_wait3A_565 = tpu.memref_slice %arg2[%dma_wait3A_563, %dma_wait3A_564] : memref<4194304x8xf32, #tpu.memory_space<hbm>> -> memref<4194304x8xf32, #tpu.memory_space<hbm>>
      tpu.wait_indirect_dma semaphore(%arg21 : memref<!tpu.dma_semaphore, #tpu.memory_space<semaphore_mem>>) src(%dma_wait3A_565 : memref<4194304x8xf32, #tpu.memory_space<hbm>>) dst(%dma_wait3A_559 : memref<128x8xf32, #tpu.memory_space<vmem>>)
      %dma_wait3A_566 = arith.constant 7 : i32
      %dma_wait3A_567 = arith.constant 896 : i32
      %dma_wait3A_568 = arith.constant 0 : i32
      %dma_wait3A_569 = tpu.memref_slice %arg18[%dma_wait3A_567, %dma_wait3A_568] : memref<1024x8xf32, #tpu.memory_space<vmem>> -> memref<128x8xf32, #tpu.memory_space<vmem>>
      %dma_wait3A_570 = arith.constant 0 : i32
      %dma_wait3A_571 = tpu.memref_slice %arg14[%dma_wait3A_566, %dma_wait3A_570] : memref<8x128xi32, #tpu.memory_space<vmem>> -> memref<1x128xi32, #tpu.memory_space<vmem>>
      %dma_wait3A_572 = tpu.memref_squeeze %dma_wait3A_571 : memref<1x128xi32, #tpu.memory_space<vmem>> -> memref<128xi32, #tpu.memory_space<vmem>>
      %dma_wait3A_573 = arith.constant 0 : i32
      %dma_wait3A_574 = arith.constant 0 : i32
      %dma_wait3A_575 = tpu.memref_slice %arg2[%dma_wait3A_573, %dma_wait3A_574] : memref<4194304x8xf32, #tpu.memory_space<hbm>> -> memref<4194304x8xf32, #tpu.memory_space<hbm>>
      tpu.wait_indirect_dma semaphore(%arg21 : memref<!tpu.dma_semaphore, #tpu.memory_space<semaphore_mem>>) src(%dma_wait3A_575 : memref<4194304x8xf32, #tpu.memory_space<hbm>>) dst(%dma_wait3A_569 : memref<128x8xf32, #tpu.memory_space<vmem>>)
      %dma_wait3A_576 = arith.constant 0 : i32
      %dma_wait3A_577 = arith.constant 0 : i32
      %dma_wait3A_578 = arith.constant 0 : i32
      %dma_wait3A_579 = tpu.memref_slice %arg19[%dma_wait3A_577, %dma_wait3A_578] : memref<1024x8xf32, #tpu.memory_space<vmem>> -> memref<128x8xf32, #tpu.memory_space<vmem>>
      %dma_wait3A_580 = arith.constant 0 : i32
      %dma_wait3A_581 = tpu.memref_slice %arg15[%dma_wait3A_576, %dma_wait3A_580] : memref<8x128xi32, #tpu.memory_space<vmem>> -> memref<1x128xi32, #tpu.memory_space<vmem>>
      %dma_wait3A_582 = tpu.memref_squeeze %dma_wait3A_581 : memref<1x128xi32, #tpu.memory_space<vmem>> -> memref<128xi32, #tpu.memory_space<vmem>>
      %dma_wait3A_583 = arith.constant 0 : i32
      %dma_wait3A_584 = arith.constant 0 : i32
      %dma_wait3A_585 = tpu.memref_slice %arg2[%dma_wait3A_583, %dma_wait3A_584] : memref<4194304x8xf32, #tpu.memory_space<hbm>> -> memref<4194304x8xf32, #tpu.memory_space<hbm>>
      tpu.wait_indirect_dma semaphore(%arg21 : memref<!tpu.dma_semaphore, #tpu.memory_space<semaphore_mem>>) src(%dma_wait3A_585 : memref<4194304x8xf32, #tpu.memory_space<hbm>>) dst(%dma_wait3A_579 : memref<128x8xf32, #tpu.memory_space<vmem>>)
      %dma_wait3A_586 = arith.constant 1 : i32
      %dma_wait3A_587 = arith.constant 128 : i32
      %dma_wait3A_588 = arith.constant 0 : i32
      %dma_wait3A_589 = tpu.memref_slice %arg19[%dma_wait3A_587, %dma_wait3A_588] : memref<1024x8xf32, #tpu.memory_space<vmem>> -> memref<128x8xf32, #tpu.memory_space<vmem>>
      %dma_wait3A_590 = arith.constant 0 : i32
      %dma_wait3A_591 = tpu.memref_slice %arg15[%dma_wait3A_586, %dma_wait3A_590] : memref<8x128xi32, #tpu.memory_space<vmem>> -> memref<1x128xi32, #tpu.memory_space<vmem>>
      %dma_wait3A_592 = tpu.memref_squeeze %dma_wait3A_591 : memref<1x128xi32, #tpu.memory_space<vmem>> -> memref<128xi32, #tpu.memory_space<vmem>>
      %dma_wait3A_593 = arith.constant 0 : i32
      %dma_wait3A_594 = arith.constant 0 : i32
      %dma_wait3A_595 = tpu.memref_slice %arg2[%dma_wait3A_593, %dma_wait3A_594] : memref<4194304x8xf32, #tpu.memory_space<hbm>> -> memref<4194304x8xf32, #tpu.memory_space<hbm>>
      tpu.wait_indirect_dma semaphore(%arg21 : memref<!tpu.dma_semaphore, #tpu.memory_space<semaphore_mem>>) src(%dma_wait3A_595 : memref<4194304x8xf32, #tpu.memory_space<hbm>>) dst(%dma_wait3A_589 : memref<128x8xf32, #tpu.memory_space<vmem>>)
      %dma_wait3A_596 = arith.constant 2 : i32
      %dma_wait3A_597 = arith.constant 256 : i32
      %dma_wait3A_598 = arith.constant 0 : i32
      %dma_wait3A_599 = tpu.memref_slice %arg19[%dma_wait3A_597, %dma_wait3A_598] : memref<1024x8xf32, #tpu.memory_space<vmem>> -> memref<128x8xf32, #tpu.memory_space<vmem>>
      %dma_wait3A_600 = arith.constant 0 : i32
      %dma_wait3A_601 = tpu.memref_slice %arg15[%dma_wait3A_596, %dma_wait3A_600] : memref<8x128xi32, #tpu.memory_space<vmem>> -> memref<1x128xi32, #tpu.memory_space<vmem>>
      %dma_wait3A_602 = tpu.memref_squeeze %dma_wait3A_601 : memref<1x128xi32, #tpu.memory_space<vmem>> -> memref<128xi32, #tpu.memory_space<vmem>>
      %dma_wait3A_603 = arith.constant 0 : i32
      %dma_wait3A_604 = arith.constant 0 : i32
      %dma_wait3A_605 = tpu.memref_slice %arg2[%dma_wait3A_603, %dma_wait3A_604] : memref<4194304x8xf32, #tpu.memory_space<hbm>> -> memref<4194304x8xf32, #tpu.memory_space<hbm>>
      tpu.wait_indirect_dma semaphore(%arg21 : memref<!tpu.dma_semaphore, #tpu.memory_space<semaphore_mem>>) src(%dma_wait3A_605 : memref<4194304x8xf32, #tpu.memory_space<hbm>>) dst(%dma_wait3A_599 : memref<128x8xf32, #tpu.memory_space<vmem>>)
      %dma_wait3A_606 = arith.constant 3 : i32
      %dma_wait3A_607 = arith.constant 384 : i32
      %dma_wait3A_608 = arith.constant 0 : i32
      %dma_wait3A_609 = tpu.memref_slice %arg19[%dma_wait3A_607, %dma_wait3A_608] : memref<1024x8xf32, #tpu.memory_space<vmem>> -> memref<128x8xf32, #tpu.memory_space<vmem>>
      %dma_wait3A_610 = arith.constant 0 : i32
      %dma_wait3A_611 = tpu.memref_slice %arg15[%dma_wait3A_606, %dma_wait3A_610] : memref<8x128xi32, #tpu.memory_space<vmem>> -> memref<1x128xi32, #tpu.memory_space<vmem>>
      %dma_wait3A_612 = tpu.memref_squeeze %dma_wait3A_611 : memref<1x128xi32, #tpu.memory_space<vmem>> -> memref<128xi32, #tpu.memory_space<vmem>>
      %dma_wait3A_613 = arith.constant 0 : i32
      %dma_wait3A_614 = arith.constant 0 : i32
      %dma_wait3A_615 = tpu.memref_slice %arg2[%dma_wait3A_613, %dma_wait3A_614] : memref<4194304x8xf32, #tpu.memory_space<hbm>> -> memref<4194304x8xf32, #tpu.memory_space<hbm>>
      tpu.wait_indirect_dma semaphore(%arg21 : memref<!tpu.dma_semaphore, #tpu.memory_space<semaphore_mem>>) src(%dma_wait3A_615 : memref<4194304x8xf32, #tpu.memory_space<hbm>>) dst(%dma_wait3A_609 : memref<128x8xf32, #tpu.memory_space<vmem>>)
      %dma_wait3A_616 = arith.constant 4 : i32
      %dma_wait3A_617 = arith.constant 512 : i32
      %dma_wait3A_618 = arith.constant 0 : i32
      %dma_wait3A_619 = tpu.memref_slice %arg19[%dma_wait3A_617, %dma_wait3A_618] : memref<1024x8xf32, #tpu.memory_space<vmem>> -> memref<128x8xf32, #tpu.memory_space<vmem>>
      %dma_wait3A_620 = arith.constant 0 : i32
      %dma_wait3A_621 = tpu.memref_slice %arg15[%dma_wait3A_616, %dma_wait3A_620] : memref<8x128xi32, #tpu.memory_space<vmem>> -> memref<1x128xi32, #tpu.memory_space<vmem>>
      %dma_wait3A_622 = tpu.memref_squeeze %dma_wait3A_621 : memref<1x128xi32, #tpu.memory_space<vmem>> -> memref<128xi32, #tpu.memory_space<vmem>>
      %dma_wait3A_623 = arith.constant 0 : i32
      %dma_wait3A_624 = arith.constant 0 : i32
      %dma_wait3A_625 = tpu.memref_slice %arg2[%dma_wait3A_623, %dma_wait3A_624] : memref<4194304x8xf32, #tpu.memory_space<hbm>> -> memref<4194304x8xf32, #tpu.memory_space<hbm>>
      tpu.wait_indirect_dma semaphore(%arg21 : memref<!tpu.dma_semaphore, #tpu.memory_space<semaphore_mem>>) src(%dma_wait3A_625 : memref<4194304x8xf32, #tpu.memory_space<hbm>>) dst(%dma_wait3A_619 : memref<128x8xf32, #tpu.memory_space<vmem>>)
      %dma_wait3A_626 = arith.constant 5 : i32
      %dma_wait3A_627 = arith.constant 640 : i32
      %dma_wait3A_628 = arith.constant 0 : i32
      %dma_wait3A_629 = tpu.memref_slice %arg19[%dma_wait3A_627, %dma_wait3A_628] : memref<1024x8xf32, #tpu.memory_space<vmem>> -> memref<128x8xf32, #tpu.memory_space<vmem>>
      %dma_wait3A_630 = arith.constant 0 : i32
      %dma_wait3A_631 = tpu.memref_slice %arg15[%dma_wait3A_626, %dma_wait3A_630] : memref<8x128xi32, #tpu.memory_space<vmem>> -> memref<1x128xi32, #tpu.memory_space<vmem>>
      %dma_wait3A_632 = tpu.memref_squeeze %dma_wait3A_631 : memref<1x128xi32, #tpu.memory_space<vmem>> -> memref<128xi32, #tpu.memory_space<vmem>>
      %dma_wait3A_633 = arith.constant 0 : i32
      %dma_wait3A_634 = arith.constant 0 : i32
      %dma_wait3A_635 = tpu.memref_slice %arg2[%dma_wait3A_633, %dma_wait3A_634] : memref<4194304x8xf32, #tpu.memory_space<hbm>> -> memref<4194304x8xf32, #tpu.memory_space<hbm>>
      tpu.wait_indirect_dma semaphore(%arg21 : memref<!tpu.dma_semaphore, #tpu.memory_space<semaphore_mem>>) src(%dma_wait3A_635 : memref<4194304x8xf32, #tpu.memory_space<hbm>>) dst(%dma_wait3A_629 : memref<128x8xf32, #tpu.memory_space<vmem>>)
      %dma_wait3A_636 = arith.constant 6 : i32
      %dma_wait3A_637 = arith.constant 768 : i32
      %dma_wait3A_638 = arith.constant 0 : i32
      %dma_wait3A_639 = tpu.memref_slice %arg19[%dma_wait3A_637, %dma_wait3A_638] : memref<1024x8xf32, #tpu.memory_space<vmem>> -> memref<128x8xf32, #tpu.memory_space<vmem>>
      %dma_wait3A_640 = arith.constant 0 : i32
      %dma_wait3A_641 = tpu.memref_slice %arg15[%dma_wait3A_636, %dma_wait3A_640] : memref<8x128xi32, #tpu.memory_space<vmem>> -> memref<1x128xi32, #tpu.memory_space<vmem>>
      %dma_wait3A_642 = tpu.memref_squeeze %dma_wait3A_641 : memref<1x128xi32, #tpu.memory_space<vmem>> -> memref<128xi32, #tpu.memory_space<vmem>>
      %dma_wait3A_643 = arith.constant 0 : i32
      %dma_wait3A_644 = arith.constant 0 : i32
      %dma_wait3A_645 = tpu.memref_slice %arg2[%dma_wait3A_643, %dma_wait3A_644] : memref<4194304x8xf32, #tpu.memory_space<hbm>> -> memref<4194304x8xf32, #tpu.memory_space<hbm>>
      tpu.wait_indirect_dma semaphore(%arg21 : memref<!tpu.dma_semaphore, #tpu.memory_space<semaphore_mem>>) src(%dma_wait3A_645 : memref<4194304x8xf32, #tpu.memory_space<hbm>>) dst(%dma_wait3A_639 : memref<128x8xf32, #tpu.memory_space<vmem>>)
      %dma_wait3A_646 = arith.constant 7 : i32
      %dma_wait3A_647 = arith.constant 896 : i32
      %dma_wait3A_648 = arith.constant 0 : i32
      %dma_wait3A_649 = tpu.memref_slice %arg19[%dma_wait3A_647, %dma_wait3A_648] : memref<1024x8xf32, #tpu.memory_space<vmem>> -> memref<128x8xf32, #tpu.memory_space<vmem>>
      %dma_wait3A_650 = arith.constant 0 : i32
      %dma_wait3A_651 = tpu.memref_slice %arg15[%dma_wait3A_646, %dma_wait3A_650] : memref<8x128xi32, #tpu.memory_space<vmem>> -> memref<1x128xi32, #tpu.memory_space<vmem>>
      %dma_wait3A_652 = tpu.memref_squeeze %dma_wait3A_651 : memref<1x128xi32, #tpu.memory_space<vmem>> -> memref<128xi32, #tpu.memory_space<vmem>>
      %dma_wait3A_653 = arith.constant 0 : i32
      %dma_wait3A_654 = arith.constant 0 : i32
      %dma_wait3A_655 = tpu.memref_slice %arg2[%dma_wait3A_653, %dma_wait3A_654] : memref<4194304x8xf32, #tpu.memory_space<hbm>> -> memref<4194304x8xf32, #tpu.memory_space<hbm>>
      tpu.wait_indirect_dma semaphore(%arg21 : memref<!tpu.dma_semaphore, #tpu.memory_space<semaphore_mem>>) src(%dma_wait3A_655 : memref<4194304x8xf32, #tpu.memory_space<hbm>>) dst(%dma_wait3A_649 : memref<128x8xf32, #tpu.memory_space<vmem>>)
      %scan3A_656 = arith.constant 0 : i32
      %scan3A_657 = arith.constant 0 : i32
      %scan3A_658 = arith.constant 64 : i32
      %scan3A_659 = arith.addi %scan3A_657, %scan3A_658 : i32
      %scan3A_660 = arith.constant 1 : i32
      scf.for %scan3A_701 = %scan3A_657 to %scan3A_659 step %scan3A_660  : i32 {
        %mul3A_702 = arith.constant 16 : i32
        %mul3A_703 = arith.muli %scan3A_701, %mul3A_702 : i32
        %add3A_704 = vector.broadcast %mul3A_703 : i32 to vector<16xi32>
        %add3A_705 = arith.addi %add3A_704, %iota3A : vector<16xi32>
        %get3A = arith.index_cast %mul3A_703 : i32 to index
        %get3A_706 = tpu.vector_load %arg10[%get3A] {strides = array<i32>} : memref<1024xf32, #tpu.memory_space<vmem>>, vector<16xf32>,
        %get3A_707 = arith.index_cast %mul3A_703 : i32 to index
        %get3A_708 = tpu.vector_load %arg11[%get3A_707] {strides = array<i32>} : memref<1024xf32, #tpu.memory_space<vmem>>, vector<16xf32>,
        %broadcast_in_dim3A = arith.constant 0 : i32
        %broadcast_in_dim3A_709 = vector.broadcast %broadcast_in_dim3A : i32 to vector<16xi32>
        %gather3A = tpu.vector_load_idx %arg16[%add3A_705, %broadcast_in_dim3A_709] : memref<1024x8xf32, #tpu.memory_space<vmem>>[vector<16xi32>, vector<16xi32>], vector<16xf32>,
        %gather3A_710 = tpu.vector_load_idx %arg17[%add3A_705, %broadcast_in_dim3A_709] : memref<1024x8xf32, #tpu.memory_space<vmem>>[vector<16xi32>, vector<16xi32>], vector<16xf32>,
        %gather3A_711 = tpu.vector_load_idx %arg18[%add3A_705, %broadcast_in_dim3A_709] : memref<1024x8xf32, #tpu.memory_space<vmem>>[vector<16xi32>, vector<16xi32>], vector<16xf32>,
        %gather3A_712 = tpu.vector_load_idx %arg19[%add3A_705, %broadcast_in_dim3A_709] : memref<1024x8xf32, #tpu.memory_space<vmem>>[vector<16xi32>, vector<16xi32>], vector<16xf32>,
        %sub3A_713 = arith.subf %gather3A_710, %gather3A : vector<16xf32>
        %mul3A_714 = arith.mulf %get3A_706, %sub3A_713 : vector<16xf32>
        %add3A_715 = arith.addf %gather3A, %mul3A_714 : vector<16xf32>
        %sub3A_716 = arith.subf %gather3A_712, %gather3A_711 : vector<16xf32>
        %mul3A_717 = arith.mulf %get3A_706, %sub3A_716 : vector<16xf32>
        %add3A_718 = arith.addf %gather3A_711, %mul3A_717 : vector<16xf32>
        %sub3A_719 = arith.subf %add3A_718, %add3A_715 : vector<16xf32>
        %mul3A_720 = arith.mulf %get3A_708, %sub3A_719 : vector<16xf32>
        %add3A_721 = arith.addf %add3A_715, %mul3A_720 : vector<16xf32>
        %swap3A = arith.constant 0 : i32
        %swap3A_722 = arith.index_cast %swap3A : i32 to index
        %swap3A_723 = arith.index_cast %mul3A_703 : i32 to index
        %swap3A_724 = tpu.vector_load %arg20[%swap3A_722, %swap3A_723] {strides = array<i32>} : memref<8x1024xf32, #tpu.memory_space<vmem>>, vector<16xf32>,
        tpu.vector_store %arg20[%swap3A_722, %swap3A_723], %add3A_721 {strides = array<i32>} : memref<8x1024xf32, #tpu.memory_space<vmem>>, vector<16xf32>,
        %broadcast_in_dim3A_725 = arith.constant 1 : i32
        %broadcast_in_dim3A_726 = vector.broadcast %broadcast_in_dim3A_725 : i32 to vector<16xi32>
        %gather3A_727 = tpu.vector_load_idx %arg16[%add3A_705, %broadcast_in_dim3A_726] : memref<1024x8xf32, #tpu.memory_space<vmem>>[vector<16xi32>, vector<16xi32>], vector<16xf32>,
        %gather3A_728 = tpu.vector_load_idx %arg17[%add3A_705, %broadcast_in_dim3A_726] : memref<1024x8xf32, #tpu.memory_space<vmem>>[vector<16xi32>, vector<16xi32>], vector<16xf32>,
        %gather3A_729 = tpu.vector_load_idx %arg18[%add3A_705, %broadcast_in_dim3A_726] : memref<1024x8xf32, #tpu.memory_space<vmem>>[vector<16xi32>, vector<16xi32>], vector<16xf32>,
        %gather3A_730 = tpu.vector_load_idx %arg19[%add3A_705, %broadcast_in_dim3A_726] : memref<1024x8xf32, #tpu.memory_space<vmem>>[vector<16xi32>, vector<16xi32>], vector<16xf32>,
        %sub3A_731 = arith.subf %gather3A_728, %gather3A_727 : vector<16xf32>
        %mul3A_732 = arith.mulf %get3A_706, %sub3A_731 : vector<16xf32>
        %add3A_733 = arith.addf %gather3A_727, %mul3A_732 : vector<16xf32>
        %sub3A_734 = arith.subf %gather3A_730, %gather3A_729 : vector<16xf32>
        %mul3A_735 = arith.mulf %get3A_706, %sub3A_734 : vector<16xf32>
        %add3A_736 = arith.addf %gather3A_729, %mul3A_735 : vector<16xf32>
        %sub3A_737 = arith.subf %add3A_736, %add3A_733 : vector<16xf32>
        %mul3A_738 = arith.mulf %get3A_708, %sub3A_737 : vector<16xf32>
        %add3A_739 = arith.addf %add3A_733, %mul3A_738 : vector<16xf32>
        %swap3A_740 = arith.constant 1 : i32
        %swap3A_741 = arith.index_cast %swap3A_740 : i32 to index
        %swap3A_742 = arith.index_cast %mul3A_703 : i32 to index
        %swap3A_743 = tpu.vector_load %arg20[%swap3A_741, %swap3A_742] {strides = array<i32>} : memref<8x1024xf32, #tpu.memory_space<vmem>>, vector<16xf32>,
        tpu.vector_store %arg20[%swap3A_741, %swap3A_742], %add3A_739 {strides = array<i32>} : memref<8x1024xf32, #tpu.memory_space<vmem>>, vector<16xf32>,
        %broadcast_in_dim3A_744 = arith.constant 2 : i32
        %broadcast_in_dim3A_745 = vector.broadcast %broadcast_in_dim3A_744 : i32 to vector<16xi32>
        %gather3A_746 = tpu.vector_load_idx %arg16[%add3A_705, %broadcast_in_dim3A_745] : memref<1024x8xf32, #tpu.memory_space<vmem>>[vector<16xi32>, vector<16xi32>], vector<16xf32>,
        %gather3A_747 = tpu.vector_load_idx %arg17[%add3A_705, %broadcast_in_dim3A_745] : memref<1024x8xf32, #tpu.memory_space<vmem>>[vector<16xi32>, vector<16xi32>], vector<16xf32>,
        %gather3A_748 = tpu.vector_load_idx %arg18[%add3A_705, %broadcast_in_dim3A_745] : memref<1024x8xf32, #tpu.memory_space<vmem>>[vector<16xi32>, vector<16xi32>], vector<16xf32>,
        %gather3A_749 = tpu.vector_load_idx %arg19[%add3A_705, %broadcast_in_dim3A_745] : memref<1024x8xf32, #tpu.memory_space<vmem>>[vector<16xi32>, vector<16xi32>], vector<16xf32>,
        %sub3A_750 = arith.subf %gather3A_747, %gather3A_746 : vector<16xf32>
        %mul3A_751 = arith.mulf %get3A_706, %sub3A_750 : vector<16xf32>
        %add3A_752 = arith.addf %gather3A_746, %mul3A_751 : vector<16xf32>
        %sub3A_753 = arith.subf %gather3A_749, %gather3A_748 : vector<16xf32>
        %mul3A_754 = arith.mulf %get3A_706, %sub3A_753 : vector<16xf32>
        %add3A_755 = arith.addf %gather3A_748, %mul3A_754 : vector<16xf32>
        %sub3A_756 = arith.subf %add3A_755, %add3A_752 : vector<16xf32>
        %mul3A_757 = arith.mulf %get3A_708, %sub3A_756 : vector<16xf32>
        %add3A_758 = arith.addf %add3A_752, %mul3A_757 : vector<16xf32>
        %swap3A_759 = arith.constant 2 : i32
        %swap3A_760 = arith.index_cast %swap3A_759 : i32 to index
        %swap3A_761 = arith.index_cast %mul3A_703 : i32 to index
        %swap3A_762 = tpu.vector_load %arg20[%swap3A_760, %swap3A_761] {strides = array<i32>} : memref<8x1024xf32, #tpu.memory_space<vmem>>, vector<16xf32>,
        tpu.vector_store %arg20[%swap3A_760, %swap3A_761], %add3A_758 {strides = array<i32>} : memref<8x1024xf32, #tpu.memory_space<vmem>>, vector<16xf32>,
        %broadcast_in_dim3A_763 = arith.constant 3 : i32
        %broadcast_in_dim3A_764 = vector.broadcast %broadcast_in_dim3A_763 : i32 to vector<16xi32>
        %gather3A_765 = tpu.vector_load_idx %arg16[%add3A_705, %broadcast_in_dim3A_764] : memref<1024x8xf32, #tpu.memory_space<vmem>>[vector<16xi32>, vector<16xi32>], vector<16xf32>,
        %gather3A_766 = tpu.vector_load_idx %arg17[%add3A_705, %broadcast_in_dim3A_764] : memref<1024x8xf32, #tpu.memory_space<vmem>>[vector<16xi32>, vector<16xi32>], vector<16xf32>,
        %gather3A_767 = tpu.vector_load_idx %arg18[%add3A_705, %broadcast_in_dim3A_764] : memref<1024x8xf32, #tpu.memory_space<vmem>>[vector<16xi32>, vector<16xi32>], vector<16xf32>,
        %gather3A_768 = tpu.vector_load_idx %arg19[%add3A_705, %broadcast_in_dim3A_764] : memref<1024x8xf32, #tpu.memory_space<vmem>>[vector<16xi32>, vector<16xi32>], vector<16xf32>,
        %sub3A_769 = arith.subf %gather3A_766, %gather3A_765 : vector<16xf32>
        %mul3A_770 = arith.mulf %get3A_706, %sub3A_769 : vector<16xf32>
        %add3A_771 = arith.addf %gather3A_765, %mul3A_770 : vector<16xf32>
        %sub3A_772 = arith.subf %gather3A_768, %gather3A_767 : vector<16xf32>
        %mul3A_773 = arith.mulf %get3A_706, %sub3A_772 : vector<16xf32>
        %add3A_774 = arith.addf %gather3A_767, %mul3A_773 : vector<16xf32>
        %sub3A_775 = arith.subf %add3A_774, %add3A_771 : vector<16xf32>
        %mul3A_776 = arith.mulf %get3A_708, %sub3A_775 : vector<16xf32>
        %add3A_777 = arith.addf %add3A_771, %mul3A_776 : vector<16xf32>
        %swap3A_778 = arith.constant 3 : i32
        %swap3A_779 = arith.index_cast %swap3A_778 : i32 to index
        %swap3A_780 = arith.index_cast %mul3A_703 : i32 to index
        %swap3A_781 = tpu.vector_load %arg20[%swap3A_779, %swap3A_780] {strides = array<i32>} : memref<8x1024xf32, #tpu.memory_space<vmem>>, vector<16xf32>,
        tpu.vector_store %arg20[%swap3A_779, %swap3A_780], %add3A_777 {strides = array<i32>} : memref<8x1024xf32, #tpu.memory_space<vmem>>, vector<16xf32>,
        %broadcast_in_dim3A_782 = arith.constant 4 : i32
        %broadcast_in_dim3A_783 = vector.broadcast %broadcast_in_dim3A_782 : i32 to vector<16xi32>
        %gather3A_784 = tpu.vector_load_idx %arg16[%add3A_705, %broadcast_in_dim3A_783] : memref<1024x8xf32, #tpu.memory_space<vmem>>[vector<16xi32>, vector<16xi32>], vector<16xf32>,
        %gather3A_785 = tpu.vector_load_idx %arg17[%add3A_705, %broadcast_in_dim3A_783] : memref<1024x8xf32, #tpu.memory_space<vmem>>[vector<16xi32>, vector<16xi32>], vector<16xf32>,
        %gather3A_786 = tpu.vector_load_idx %arg18[%add3A_705, %broadcast_in_dim3A_783] : memref<1024x8xf32, #tpu.memory_space<vmem>>[vector<16xi32>, vector<16xi32>], vector<16xf32>,
        %gather3A_787 = tpu.vector_load_idx %arg19[%add3A_705, %broadcast_in_dim3A_783] : memref<1024x8xf32, #tpu.memory_space<vmem>>[vector<16xi32>, vector<16xi32>], vector<16xf32>,
        %sub3A_788 = arith.subf %gather3A_785, %gather3A_784 : vector<16xf32>
        %mul3A_789 = arith.mulf %get3A_706, %sub3A_788 : vector<16xf32>
        %add3A_790 = arith.addf %gather3A_784, %mul3A_789 : vector<16xf32>
        %sub3A_791 = arith.subf %gather3A_787, %gather3A_786 : vector<16xf32>
        %mul3A_792 = arith.mulf %get3A_706, %sub3A_791 : vector<16xf32>
        %add3A_793 = arith.addf %gather3A_786, %mul3A_792 : vector<16xf32>
        %sub3A_794 = arith.subf %add3A_793, %add3A_790 : vector<16xf32>
        %mul3A_795 = arith.mulf %get3A_708, %sub3A_794 : vector<16xf32>
        %add3A_796 = arith.addf %add3A_790, %mul3A_795 : vector<16xf32>
        %swap3A_797 = arith.constant 4 : i32
        %swap3A_798 = arith.index_cast %swap3A_797 : i32 to index
        %swap3A_799 = arith.index_cast %mul3A_703 : i32 to index
        %swap3A_800 = tpu.vector_load %arg20[%swap3A_798, %swap3A_799] {strides = array<i32>} : memref<8x1024xf32, #tpu.memory_space<vmem>>, vector<16xf32>,
        tpu.vector_store %arg20[%swap3A_798, %swap3A_799], %add3A_796 {strides = array<i32>} : memref<8x1024xf32, #tpu.memory_space<vmem>>, vector<16xf32>,
        %broadcast_in_dim3A_801 = arith.constant 5 : i32
        %broadcast_in_dim3A_802 = vector.broadcast %broadcast_in_dim3A_801 : i32 to vector<16xi32>
        %gather3A_803 = tpu.vector_load_idx %arg16[%add3A_705, %broadcast_in_dim3A_802] : memref<1024x8xf32, #tpu.memory_space<vmem>>[vector<16xi32>, vector<16xi32>], vector<16xf32>,
        %gather3A_804 = tpu.vector_load_idx %arg17[%add3A_705, %broadcast_in_dim3A_802] : memref<1024x8xf32, #tpu.memory_space<vmem>>[vector<16xi32>, vector<16xi32>], vector<16xf32>,
        %gather3A_805 = tpu.vector_load_idx %arg18[%add3A_705, %broadcast_in_dim3A_802] : memref<1024x8xf32, #tpu.memory_space<vmem>>[vector<16xi32>, vector<16xi32>], vector<16xf32>,
        %gather3A_806 = tpu.vector_load_idx %arg19[%add3A_705, %broadcast_in_dim3A_802] : memref<1024x8xf32, #tpu.memory_space<vmem>>[vector<16xi32>, vector<16xi32>], vector<16xf32>,
        %sub3A_807 = arith.subf %gather3A_804, %gather3A_803 : vector<16xf32>
        %mul3A_808 = arith.mulf %get3A_706, %sub3A_807 : vector<16xf32>
        %add3A_809 = arith.addf %gather3A_803, %mul3A_808 : vector<16xf32>
        %sub3A_810 = arith.subf %gather3A_806, %gather3A_805 : vector<16xf32>
        %mul3A_811 = arith.mulf %get3A_706, %sub3A_810 : vector<16xf32>
        %add3A_812 = arith.addf %gather3A_805, %mul3A_811 : vector<16xf32>
        %sub3A_813 = arith.subf %add3A_812, %add3A_809 : vector<16xf32>
        %mul3A_814 = arith.mulf %get3A_708, %sub3A_813 : vector<16xf32>
        %add3A_815 = arith.addf %add3A_809, %mul3A_814 : vector<16xf32>
        %swap3A_816 = arith.constant 5 : i32
        %swap3A_817 = arith.index_cast %swap3A_816 : i32 to index
        %swap3A_818 = arith.index_cast %mul3A_703 : i32 to index
        %swap3A_819 = tpu.vector_load %arg20[%swap3A_817, %swap3A_818] {strides = array<i32>} : memref<8x1024xf32, #tpu.memory_space<vmem>>, vector<16xf32>,
        tpu.vector_store %arg20[%swap3A_817, %swap3A_818], %add3A_815 {strides = array<i32>} : memref<8x1024xf32, #tpu.memory_space<vmem>>, vector<16xf32>,
        %broadcast_in_dim3A_820 = arith.constant 6 : i32
        %broadcast_in_dim3A_821 = vector.broadcast %broadcast_in_dim3A_820 : i32 to vector<16xi32>
        %gather3A_822 = tpu.vector_load_idx %arg16[%add3A_705, %broadcast_in_dim3A_821] : memref<1024x8xf32, #tpu.memory_space<vmem>>[vector<16xi32>, vector<16xi32>], vector<16xf32>,
        %gather3A_823 = tpu.vector_load_idx %arg17[%add3A_705, %broadcast_in_dim3A_821] : memref<1024x8xf32, #tpu.memory_space<vmem>>[vector<16xi32>, vector<16xi32>], vector<16xf32>,
        %gather3A_824 = tpu.vector_load_idx %arg18[%add3A_705, %broadcast_in_dim3A_821] : memref<1024x8xf32, #tpu.memory_space<vmem>>[vector<16xi32>, vector<16xi32>], vector<16xf32>,
        %gather3A_825 = tpu.vector_load_idx %arg19[%add3A_705, %broadcast_in_dim3A_821] : memref<1024x8xf32, #tpu.memory_space<vmem>>[vector<16xi32>, vector<16xi32>], vector<16xf32>,
        %sub3A_826 = arith.subf %gather3A_823, %gather3A_822 : vector<16xf32>
        %mul3A_827 = arith.mulf %get3A_706, %sub3A_826 : vector<16xf32>
        %add3A_828 = arith.addf %gather3A_822, %mul3A_827 : vector<16xf32>
        %sub3A_829 = arith.subf %gather3A_825, %gather3A_824 : vector<16xf32>
        %mul3A_830 = arith.mulf %get3A_706, %sub3A_829 : vector<16xf32>
        %add3A_831 = arith.addf %gather3A_824, %mul3A_830 : vector<16xf32>
        %sub3A_832 = arith.subf %add3A_831, %add3A_828 : vector<16xf32>
        %mul3A_833 = arith.mulf %get3A_708, %sub3A_832 : vector<16xf32>
        %add3A_834 = arith.addf %add3A_828, %mul3A_833 : vector<16xf32>
        %swap3A_835 = arith.constant 6 : i32
        %swap3A_836 = arith.index_cast %swap3A_835 : i32 to index
        %swap3A_837 = arith.index_cast %mul3A_703 : i32 to index
        %swap3A_838 = tpu.vector_load %arg20[%swap3A_836, %swap3A_837] {strides = array<i32>} : memref<8x1024xf32, #tpu.memory_space<vmem>>, vector<16xf32>,
        tpu.vector_store %arg20[%swap3A_836, %swap3A_837], %add3A_834 {strides = array<i32>} : memref<8x1024xf32, #tpu.memory_space<vmem>>, vector<16xf32>,
        %broadcast_in_dim3A_839 = arith.constant 7 : i32
        %broadcast_in_dim3A_840 = vector.broadcast %broadcast_in_dim3A_839 : i32 to vector<16xi32>
        %gather3A_841 = tpu.vector_load_idx %arg16[%add3A_705, %broadcast_in_dim3A_840] : memref<1024x8xf32, #tpu.memory_space<vmem>>[vector<16xi32>, vector<16xi32>], vector<16xf32>,
        %gather3A_842 = tpu.vector_load_idx %arg17[%add3A_705, %broadcast_in_dim3A_840] : memref<1024x8xf32, #tpu.memory_space<vmem>>[vector<16xi32>, vector<16xi32>], vector<16xf32>,
        %gather3A_843 = tpu.vector_load_idx %arg18[%add3A_705, %broadcast_in_dim3A_840] : memref<1024x8xf32, #tpu.memory_space<vmem>>[vector<16xi32>, vector<16xi32>], vector<16xf32>,
        %gather3A_844 = tpu.vector_load_idx %arg19[%add3A_705, %broadcast_in_dim3A_840] : memref<1024x8xf32, #tpu.memory_space<vmem>>[vector<16xi32>, vector<16xi32>], vector<16xf32>,
        %sub3A_845 = arith.subf %gather3A_842, %gather3A_841 : vector<16xf32>
        %mul3A_846 = arith.mulf %get3A_706, %sub3A_845 : vector<16xf32>
        %add3A_847 = arith.addf %gather3A_841, %mul3A_846 : vector<16xf32>
        %sub3A_848 = arith.subf %gather3A_844, %gather3A_843 : vector<16xf32>
        %mul3A_849 = arith.mulf %get3A_706, %sub3A_848 : vector<16xf32>
        %add3A_850 = arith.addf %gather3A_843, %mul3A_849 : vector<16xf32>
        %sub3A_851 = arith.subf %add3A_850, %add3A_847 : vector<16xf32>
        %mul3A_852 = arith.mulf %get3A_708, %sub3A_851 : vector<16xf32>
        %add3A_853 = arith.addf %add3A_847, %mul3A_852 : vector<16xf32>
        %swap3A_854 = arith.constant 7 : i32
        %swap3A_855 = arith.index_cast %swap3A_854 : i32 to index
        %swap3A_856 = arith.index_cast %mul3A_703 : i32 to index
        %swap3A_857 = tpu.vector_load %arg20[%swap3A_855, %swap3A_856] {strides = array<i32>} : memref<8x1024xf32, #tpu.memory_space<vmem>>, vector<16xf32>,
        tpu.vector_store %arg20[%swap3A_855, %swap3A_856], %add3A_853 {strides = array<i32>} : memref<8x1024xf32, #tpu.memory_space<vmem>>, vector<16xf32>,
      }
      %scan3A_661 = arith.constant 64 : i32
      %jit3A = arith.constant 1024 : i32
      %div3A = arith.divsi %add3A_11, %jit3A : i32
      %sign3A = arith.constant 0 : i32
      %sign3A_662 = arith.cmpi sgt, %add3A_11, %sign3A : i32
      %sign3A_663 = arith.extui %sign3A_662 : i1 to i32
      %sign3A_664 = arith.constant 0 : i32
      %sign3A_665 = arith.cmpi slt, %add3A_11, %sign3A_664 : i32
      %sign3A_666 = arith.extui %sign3A_665 : i1 to i32
      %sign3A_667 = arith.subi %sign3A_663, %sign3A_666 : i32
      %sign3A_668 = arith.constant 0 : i32
      %sign3A_669 = arith.cmpi sgt, %jit3A, %sign3A_668 : i32
      %sign3A_670 = arith.extui %sign3A_669 : i1 to i32
      %sign3A_671 = arith.constant 0 : i32
      %sign3A_672 = arith.cmpi slt, %jit3A, %sign3A_671 : i32
      %sign3A_673 = arith.extui %sign3A_672 : i1 to i32
      %sign3A_674 = arith.subi %sign3A_670, %sign3A_673 : i32
      %ne3A = arith.cmpi ne, %sign3A_667, %sign3A_674 : i32
      %rem3A = arith.remsi %add3A_11, %jit3A : i32
      %ne3A_675 = arith.constant 0 : i32
      %ne3A_676 = arith.cmpi ne, %rem3A, %ne3A_675 : i32
      %and3A = arith.andi %ne3A, %ne3A_676 : i1
      %sub3A = arith.constant 1 : i32
      %sub3A_677 = arith.subi %div3A, %sub3A : i32
      %select_n3A = arith.select %and3A, %sub3A_677, %div3A : i32
      %run_scoped3A = arith.constant 0 : i32
      %run_scoped3A_678 = arith.constant 0 : i32
      %run_scoped3A_679 = arith.constant 0 : i32
      "tpu.region"() ({
        %run_scoped3A_701 = tpu.sem_alloc : memref<!tpu.dma_semaphore, #tpu.memory_space<semaphore_mem>>
        %dma_start3A_702 = arith.constant 0 : i32
        %dma_start3A_703 = tpu.memref_slice %arg20[%run_scoped3A, %dma_start3A_702] : memref<8x1024xf32, #tpu.memory_space<vmem>> -> memref<1x1024xf32, #tpu.memory_space<vmem>>
        %dma_start3A_704 = tpu.memref_squeeze %dma_start3A_703 : memref<1x1024xf32, #tpu.memory_space<vmem>> -> memref<1024xf32, #tpu.memory_space<vmem>>
        %dma_start3A_705 = arith.constant 0 : i32
        %dma_start3A_706 = tpu.memref_slice %arg6[%run_scoped3A_678, %run_scoped3A_679, %select_n3A, %dma_start3A_705] : memref<1x8x1024x1024xf32, #tpu.memory_space<hbm>> -> memref<1x1x1x1024xf32, #tpu.memory_space<hbm>>
        %dma_start3A_707 = tpu.memref_squeeze %dma_start3A_706 : memref<1x1x1x1024xf32, #tpu.memory_space<hbm>> -> memref<1024xf32, #tpu.memory_space<hbm>>
        %dma_start3A_708 = arith.constant 0 : i32
        %dma_start3A_709 = tpu.memref_slice %arg6[%run_scoped3A_678, %run_scoped3A_679, %select_n3A, %dma_start3A_708] : memref<1x8x1024x1024xf32, #tpu.memory_space<hbm>> -> memref<1x1x1x1024xf32, #tpu.memory_space<hbm>>
        %dma_start3A_710 = tpu.memref_squeeze %dma_start3A_709 : memref<1x1x1x1024xf32, #tpu.memory_space<hbm>> -> memref<1024xf32, #tpu.memory_space<hbm>>
        %dma_start3A_711 = arith.constant 0 : i32
        %dma_start3A_712 = tpu.memref_slice %arg20[%run_scoped3A, %dma_start3A_711] : memref<8x1024xf32, #tpu.memory_space<vmem>> -> memref<1x1024xf32, #tpu.memory_space<vmem>>
        %dma_start3A_713 = tpu.memref_squeeze %dma_start3A_712 : memref<1x1024xf32, #tpu.memory_space<vmem>> -> memref<1024xf32, #tpu.memory_space<vmem>>
        tpu.enqueue_dma source(%dma_start3A_713 : memref<1024xf32, #tpu.memory_space<vmem>>) target(%dma_start3A_710 : memref<1024xf32, #tpu.memory_space<hbm>>) target_semaphore(%run_scoped3A_701 : memref<!tpu.dma_semaphore, #tpu.memory_space<semaphore_mem>>)
        %dma_wait3A_714 = arith.constant 0 : i32
        %dma_wait3A_715 = tpu.memref_slice %arg20[%run_scoped3A, %dma_wait3A_714] : memref<8x1024xf32, #tpu.memory_space<vmem>> -> memref<1x1024xf32, #tpu.memory_space<vmem>>
        %dma_wait3A_716 = tpu.memref_squeeze %dma_wait3A_715 : memref<1x1024xf32, #tpu.memory_space<vmem>> -> memref<1024xf32, #tpu.memory_space<vmem>>
        %dma_wait3A_717 = arith.constant 0 : i32
        %dma_wait3A_718 = tpu.memref_slice %arg6[%run_scoped3A_678, %run_scoped3A_679, %select_n3A, %dma_wait3A_717] : memref<1x8x1024x1024xf32, #tpu.memory_space<hbm>> -> memref<1x1x1x1024xf32, #tpu.memory_space<hbm>>
        %dma_wait3A_719 = tpu.memref_squeeze %dma_wait3A_718 : memref<1x1x1x1024xf32, #tpu.memory_space<hbm>> -> memref<1024xf32, #tpu.memory_space<hbm>>
        %dma_wait3A_720 = arith.constant 0 : i32
        %dma_wait3A_721 = tpu.memref_slice %arg6[%run_scoped3A_678, %run_scoped3A_679, %select_n3A, %dma_wait3A_720] : memref<1x8x1024x1024xf32, #tpu.memory_space<hbm>> -> memref<1x1x1x1024xf32, #tpu.memory_space<hbm>>
        %dma_wait3A_722 = tpu.memref_squeeze %dma_wait3A_721 : memref<1x1x1x1024xf32, #tpu.memory_space<hbm>> -> memref<1024xf32, #tpu.memory_space<hbm>>
        %dma_wait3A_723 = arith.constant 0 : i32
        %dma_wait3A_724 = tpu.memref_slice %arg20[%run_scoped3A, %dma_wait3A_723] : memref<8x1024xf32, #tpu.memory_space<vmem>> -> memref<1x1024xf32, #tpu.memory_space<vmem>>
        %dma_wait3A_725 = tpu.memref_squeeze %dma_wait3A_724 : memref<1x1024xf32, #tpu.memory_space<vmem>> -> memref<1024xf32, #tpu.memory_space<vmem>>
        tpu.wait_dma2 semaphore(%run_scoped3A_701 : memref<!tpu.dma_semaphore, #tpu.memory_space<semaphore_mem>>) src(%dma_wait3A_725 : memref<1024xf32, #tpu.memory_space<vmem>>) dst(%dma_wait3A_722 : memref<1024xf32, #tpu.memory_space<hbm>>)
        tpu.yield
      }) : () -> ()
      %run_scoped3A_680 = arith.constant 1 : i32
      %run_scoped3A_681 = arith.constant 0 : i32
      %run_scoped3A_682 = arith.constant 1 : i32
      "tpu.region"() ({
        %run_scoped3A_701 = tpu.sem_alloc : memref<!tpu.dma_semaphore, #tpu.memory_space<semaphore_mem>>
        %dma_start3A_702 = arith.constant 0 : i32
        %dma_start3A_703 = tpu.memref_slice %arg20[%run_scoped3A_680, %dma_start3A_702] : memref<8x1024xf32, #tpu.memory_space<vmem>> -> memref<1x1024xf32, #tpu.memory_space<vmem>>
        %dma_start3A_704 = tpu.memref_squeeze %dma_start3A_703 : memref<1x1024xf32, #tpu.memory_space<vmem>> -> memref<1024xf32, #tpu.memory_space<vmem>>
        %dma_start3A_705 = arith.constant 0 : i32
        %dma_start3A_706 = tpu.memref_slice %arg6[%run_scoped3A_681, %run_scoped3A_682, %select_n3A, %dma_start3A_705] : memref<1x8x1024x1024xf32, #tpu.memory_space<hbm>> -> memref<1x1x1x1024xf32, #tpu.memory_space<hbm>>
        %dma_start3A_707 = tpu.memref_squeeze %dma_start3A_706 : memref<1x1x1x1024xf32, #tpu.memory_space<hbm>> -> memref<1024xf32, #tpu.memory_space<hbm>>
        %dma_start3A_708 = arith.constant 0 : i32
        %dma_start3A_709 = tpu.memref_slice %arg6[%run_scoped3A_681, %run_scoped3A_682, %select_n3A, %dma_start3A_708] : memref<1x8x1024x1024xf32, #tpu.memory_space<hbm>> -> memref<1x1x1x1024xf32, #tpu.memory_space<hbm>>
        %dma_start3A_710 = tpu.memref_squeeze %dma_start3A_709 : memref<1x1x1x1024xf32, #tpu.memory_space<hbm>> -> memref<1024xf32, #tpu.memory_space<hbm>>
        %dma_start3A_711 = arith.constant 0 : i32
        %dma_start3A_712 = tpu.memref_slice %arg20[%run_scoped3A_680, %dma_start3A_711] : memref<8x1024xf32, #tpu.memory_space<vmem>> -> memref<1x1024xf32, #tpu.memory_space<vmem>>
        %dma_start3A_713 = tpu.memref_squeeze %dma_start3A_712 : memref<1x1024xf32, #tpu.memory_space<vmem>> -> memref<1024xf32, #tpu.memory_space<vmem>>
        tpu.enqueue_dma source(%dma_start3A_713 : memref<1024xf32, #tpu.memory_space<vmem>>) target(%dma_start3A_710 : memref<1024xf32, #tpu.memory_space<hbm>>) target_semaphore(%run_scoped3A_701 : memref<!tpu.dma_semaphore, #tpu.memory_space<semaphore_mem>>)
        %dma_wait3A_714 = arith.constant 0 : i32
        %dma_wait3A_715 = tpu.memref_slice %arg20[%run_scoped3A_680, %dma_wait3A_714] : memref<8x1024xf32, #tpu.memory_space<vmem>> -> memref<1x1024xf32, #tpu.memory_space<vmem>>
        %dma_wait3A_716 = tpu.memref_squeeze %dma_wait3A_715 : memref<1x1024xf32, #tpu.memory_space<vmem>> -> memref<1024xf32, #tpu.memory_space<vmem>>
        %dma_wait3A_717 = arith.constant 0 : i32
        %dma_wait3A_718 = tpu.memref_slice %arg6[%run_scoped3A_681, %run_scoped3A_682, %select_n3A, %dma_wait3A_717] : memref<1x8x1024x1024xf32, #tpu.memory_space<hbm>> -> memref<1x1x1x1024xf32, #tpu.memory_space<hbm>>
        %dma_wait3A_719 = tpu.memref_squeeze %dma_wait3A_718 : memref<1x1x1x1024xf32, #tpu.memory_space<hbm>> -> memref<1024xf32, #tpu.memory_space<hbm>>
        %dma_wait3A_720 = arith.constant 0 : i32
        %dma_wait3A_721 = tpu.memref_slice %arg6[%run_scoped3A_681, %run_scoped3A_682, %select_n3A, %dma_wait3A_720] : memref<1x8x1024x1024xf32, #tpu.memory_space<hbm>> -> memref<1x1x1x1024xf32, #tpu.memory_space<hbm>>
        %dma_wait3A_722 = tpu.memref_squeeze %dma_wait3A_721 : memref<1x1x1x1024xf32, #tpu.memory_space<hbm>> -> memref<1024xf32, #tpu.memory_space<hbm>>
        %dma_wait3A_723 = arith.constant 0 : i32
        %dma_wait3A_724 = tpu.memref_slice %arg20[%run_scoped3A_680, %dma_wait3A_723] : memref<8x1024xf32, #tpu.memory_space<vmem>> -> memref<1x1024xf32, #tpu.memory_space<vmem>>
        %dma_wait3A_725 = tpu.memref_squeeze %dma_wait3A_724 : memref<1x1024xf32, #tpu.memory_space<vmem>> -> memref<1024xf32, #tpu.memory_space<vmem>>
        tpu.wait_dma2 semaphore(%run_scoped3A_701 : memref<!tpu.dma_semaphore, #tpu.memory_space<semaphore_mem>>) src(%dma_wait3A_725 : memref<1024xf32, #tpu.memory_space<vmem>>) dst(%dma_wait3A_722 : memref<1024xf32, #tpu.memory_space<hbm>>)
        tpu.yield
      }) : () -> ()
      %run_scoped3A_683 = arith.constant 2 : i32
      %run_scoped3A_684 = arith.constant 0 : i32
      %run_scoped3A_685 = arith.constant 2 : i32
      "tpu.region"() ({
        %run_scoped3A_701 = tpu.sem_alloc : memref<!tpu.dma_semaphore, #tpu.memory_space<semaphore_mem>>
        %dma_start3A_702 = arith.constant 0 : i32
        %dma_start3A_703 = tpu.memref_slice %arg20[%run_scoped3A_683, %dma_start3A_702] : memref<8x1024xf32, #tpu.memory_space<vmem>> -> memref<1x1024xf32, #tpu.memory_space<vmem>>
        %dma_start3A_704 = tpu.memref_squeeze %dma_start3A_703 : memref<1x1024xf32, #tpu.memory_space<vmem>> -> memref<1024xf32, #tpu.memory_space<vmem>>
        %dma_start3A_705 = arith.constant 0 : i32
        %dma_start3A_706 = tpu.memref_slice %arg6[%run_scoped3A_684, %run_scoped3A_685, %select_n3A, %dma_start3A_705] : memref<1x8x1024x1024xf32, #tpu.memory_space<hbm>> -> memref<1x1x1x1024xf32, #tpu.memory_space<hbm>>
        %dma_start3A_707 = tpu.memref_squeeze %dma_start3A_706 : memref<1x1x1x1024xf32, #tpu.memory_space<hbm>> -> memref<1024xf32, #tpu.memory_space<hbm>>
        %dma_start3A_708 = arith.constant 0 : i32
        %dma_start3A_709 = tpu.memref_slice %arg6[%run_scoped3A_684, %run_scoped3A_685, %select_n3A, %dma_start3A_708] : memref<1x8x1024x1024xf32, #tpu.memory_space<hbm>> -> memref<1x1x1x1024xf32, #tpu.memory_space<hbm>>
        %dma_start3A_710 = tpu.memref_squeeze %dma_start3A_709 : memref<1x1x1x1024xf32, #tpu.memory_space<hbm>> -> memref<1024xf32, #tpu.memory_space<hbm>>
        %dma_start3A_711 = arith.constant 0 : i32
        %dma_start3A_712 = tpu.memref_slice %arg20[%run_scoped3A_683, %dma_start3A_711] : memref<8x1024xf32, #tpu.memory_space<vmem>> -> memref<1x1024xf32, #tpu.memory_space<vmem>>
        %dma_start3A_713 = tpu.memref_squeeze %dma_start3A_712 : memref<1x1024xf32, #tpu.memory_space<vmem>> -> memref<1024xf32, #tpu.memory_space<vmem>>
        tpu.enqueue_dma source(%dma_start3A_713 : memref<1024xf32, #tpu.memory_space<vmem>>) target(%dma_start3A_710 : memref<1024xf32, #tpu.memory_space<hbm>>) target_semaphore(%run_scoped3A_701 : memref<!tpu.dma_semaphore, #tpu.memory_space<semaphore_mem>>)
        %dma_wait3A_714 = arith.constant 0 : i32
        %dma_wait3A_715 = tpu.memref_slice %arg20[%run_scoped3A_683, %dma_wait3A_714] : memref<8x1024xf32, #tpu.memory_space<vmem>> -> memref<1x1024xf32, #tpu.memory_space<vmem>>
        %dma_wait3A_716 = tpu.memref_squeeze %dma_wait3A_715 : memref<1x1024xf32, #tpu.memory_space<vmem>> -> memref<1024xf32, #tpu.memory_space<vmem>>
        %dma_wait3A_717 = arith.constant 0 : i32
        %dma_wait3A_718 = tpu.memref_slice %arg6[%run_scoped3A_684, %run_scoped3A_685, %select_n3A, %dma_wait3A_717] : memref<1x8x1024x1024xf32, #tpu.memory_space<hbm>> -> memref<1x1x1x1024xf32, #tpu.memory_space<hbm>>
        %dma_wait3A_719 = tpu.memref_squeeze %dma_wait3A_718 : memref<1x1x1x1024xf32, #tpu.memory_space<hbm>> -> memref<1024xf32, #tpu.memory_space<hbm>>
        %dma_wait3A_720 = arith.constant 0 : i32
        %dma_wait3A_721 = tpu.memref_slice %arg6[%run_scoped3A_684, %run_scoped3A_685, %select_n3A, %dma_wait3A_720] : memref<1x8x1024x1024xf32, #tpu.memory_space<hbm>> -> memref<1x1x1x1024xf32, #tpu.memory_space<hbm>>
        %dma_wait3A_722 = tpu.memref_squeeze %dma_wait3A_721 : memref<1x1x1x1024xf32, #tpu.memory_space<hbm>> -> memref<1024xf32, #tpu.memory_space<hbm>>
        %dma_wait3A_723 = arith.constant 0 : i32
        %dma_wait3A_724 = tpu.memref_slice %arg20[%run_scoped3A_683, %dma_wait3A_723] : memref<8x1024xf32, #tpu.memory_space<vmem>> -> memref<1x1024xf32, #tpu.memory_space<vmem>>
        %dma_wait3A_725 = tpu.memref_squeeze %dma_wait3A_724 : memref<1x1024xf32, #tpu.memory_space<vmem>> -> memref<1024xf32, #tpu.memory_space<vmem>>
        tpu.wait_dma2 semaphore(%run_scoped3A_701 : memref<!tpu.dma_semaphore, #tpu.memory_space<semaphore_mem>>) src(%dma_wait3A_725 : memref<1024xf32, #tpu.memory_space<vmem>>) dst(%dma_wait3A_722 : memref<1024xf32, #tpu.memory_space<hbm>>)
        tpu.yield
      }) : () -> ()
      %run_scoped3A_686 = arith.constant 3 : i32
      %run_scoped3A_687 = arith.constant 0 : i32
      %run_scoped3A_688 = arith.constant 3 : i32
      "tpu.region"() ({
        %run_scoped3A_701 = tpu.sem_alloc : memref<!tpu.dma_semaphore, #tpu.memory_space<semaphore_mem>>
        %dma_start3A_702 = arith.constant 0 : i32
        %dma_start3A_703 = tpu.memref_slice %arg20[%run_scoped3A_686, %dma_start3A_702] : memref<8x1024xf32, #tpu.memory_space<vmem>> -> memref<1x1024xf32, #tpu.memory_space<vmem>>
        %dma_start3A_704 = tpu.memref_squeeze %dma_start3A_703 : memref<1x1024xf32, #tpu.memory_space<vmem>> -> memref<1024xf32, #tpu.memory_space<vmem>>
        %dma_start3A_705 = arith.constant 0 : i32
        %dma_start3A_706 = tpu.memref_slice %arg6[%run_scoped3A_687, %run_scoped3A_688, %select_n3A, %dma_start3A_705] : memref<1x8x1024x1024xf32, #tpu.memory_space<hbm>> -> memref<1x1x1x1024xf32, #tpu.memory_space<hbm>>
        %dma_start3A_707 = tpu.memref_squeeze %dma_start3A_706 : memref<1x1x1x1024xf32, #tpu.memory_space<hbm>> -> memref<1024xf32, #tpu.memory_space<hbm>>
        %dma_start3A_708 = arith.constant 0 : i32
        %dma_start3A_709 = tpu.memref_slice %arg6[%run_scoped3A_687, %run_scoped3A_688, %select_n3A, %dma_start3A_708] : memref<1x8x1024x1024xf32, #tpu.memory_space<hbm>> -> memref<1x1x1x1024xf32, #tpu.memory_space<hbm>>
        %dma_start3A_710 = tpu.memref_squeeze %dma_start3A_709 : memref<1x1x1x1024xf32, #tpu.memory_space<hbm>> -> memref<1024xf32, #tpu.memory_space<hbm>>
        %dma_start3A_711 = arith.constant 0 : i32
        %dma_start3A_712 = tpu.memref_slice %arg20[%run_scoped3A_686, %dma_start3A_711] : memref<8x1024xf32, #tpu.memory_space<vmem>> -> memref<1x1024xf32, #tpu.memory_space<vmem>>
        %dma_start3A_713 = tpu.memref_squeeze %dma_start3A_712 : memref<1x1024xf32, #tpu.memory_space<vmem>> -> memref<1024xf32, #tpu.memory_space<vmem>>
        tpu.enqueue_dma source(%dma_start3A_713 : memref<1024xf32, #tpu.memory_space<vmem>>) target(%dma_start3A_710 : memref<1024xf32, #tpu.memory_space<hbm>>) target_semaphore(%run_scoped3A_701 : memref<!tpu.dma_semaphore, #tpu.memory_space<semaphore_mem>>)
        %dma_wait3A_714 = arith.constant 0 : i32
        %dma_wait3A_715 = tpu.memref_slice %arg20[%run_scoped3A_686, %dma_wait3A_714] : memref<8x1024xf32, #tpu.memory_space<vmem>> -> memref<1x1024xf32, #tpu.memory_space<vmem>>
        %dma_wait3A_716 = tpu.memref_squeeze %dma_wait3A_715 : memref<1x1024xf32, #tpu.memory_space<vmem>> -> memref<1024xf32, #tpu.memory_space<vmem>>
        %dma_wait3A_717 = arith.constant 0 : i32
        %dma_wait3A_718 = tpu.memref_slice %arg6[%run_scoped3A_687, %run_scoped3A_688, %select_n3A, %dma_wait3A_717] : memref<1x8x1024x1024xf32, #tpu.memory_space<hbm>> -> memref<1x1x1x1024xf32, #tpu.memory_space<hbm>>
        %dma_wait3A_719 = tpu.memref_squeeze %dma_wait3A_718 : memref<1x1x1x1024xf32, #tpu.memory_space<hbm>> -> memref<1024xf32, #tpu.memory_space<hbm>>
        %dma_wait3A_720 = arith.constant 0 : i32
        %dma_wait3A_721 = tpu.memref_slice %arg6[%run_scoped3A_687, %run_scoped3A_688, %select_n3A, %dma_wait3A_720] : memref<1x8x1024x1024xf32, #tpu.memory_space<hbm>> -> memref<1x1x1x1024xf32, #tpu.memory_space<hbm>>
        %dma_wait3A_722 = tpu.memref_squeeze %dma_wait3A_721 : memref<1x1x1x1024xf32, #tpu.memory_space<hbm>> -> memref<1024xf32, #tpu.memory_space<hbm>>
        %dma_wait3A_723 = arith.constant 0 : i32
        %dma_wait3A_724 = tpu.memref_slice %arg20[%run_scoped3A_686, %dma_wait3A_723] : memref<8x1024xf32, #tpu.memory_space<vmem>> -> memref<1x1024xf32, #tpu.memory_space<vmem>>
        %dma_wait3A_725 = tpu.memref_squeeze %dma_wait3A_724 : memref<1x1024xf32, #tpu.memory_space<vmem>> -> memref<1024xf32, #tpu.memory_space<vmem>>
        tpu.wait_dma2 semaphore(%run_scoped3A_701 : memref<!tpu.dma_semaphore, #tpu.memory_space<semaphore_mem>>) src(%dma_wait3A_725 : memref<1024xf32, #tpu.memory_space<vmem>>) dst(%dma_wait3A_722 : memref<1024xf32, #tpu.memory_space<hbm>>)
        tpu.yield
      }) : () -> ()
      %run_scoped3A_689 = arith.constant 4 : i32
      %run_scoped3A_690 = arith.constant 0 : i32
      %run_scoped3A_691 = arith.constant 4 : i32
      "tpu.region"() ({
        %run_scoped3A_701 = tpu.sem_alloc : memref<!tpu.dma_semaphore, #tpu.memory_space<semaphore_mem>>
        %dma_start3A_702 = arith.constant 0 : i32
        %dma_start3A_703 = tpu.memref_slice %arg20[%run_scoped3A_689, %dma_start3A_702] : memref<8x1024xf32, #tpu.memory_space<vmem>> -> memref<1x1024xf32, #tpu.memory_space<vmem>>
        %dma_start3A_704 = tpu.memref_squeeze %dma_start3A_703 : memref<1x1024xf32, #tpu.memory_space<vmem>> -> memref<1024xf32, #tpu.memory_space<vmem>>
        %dma_start3A_705 = arith.constant 0 : i32
        %dma_start3A_706 = tpu.memref_slice %arg6[%run_scoped3A_690, %run_scoped3A_691, %select_n3A, %dma_start3A_705] : memref<1x8x1024x1024xf32, #tpu.memory_space<hbm>> -> memref<1x1x1x1024xf32, #tpu.memory_space<hbm>>
        %dma_start3A_707 = tpu.memref_squeeze %dma_start3A_706 : memref<1x1x1x1024xf32, #tpu.memory_space<hbm>> -> memref<1024xf32, #tpu.memory_space<hbm>>
        %dma_start3A_708 = arith.constant 0 : i32
        %dma_start3A_709 = tpu.memref_slice %arg6[%run_scoped3A_690, %run_scoped3A_691, %select_n3A, %dma_start3A_708] : memref<1x8x1024x1024xf32, #tpu.memory_space<hbm>> -> memref<1x1x1x1024xf32, #tpu.memory_space<hbm>>
        %dma_start3A_710 = tpu.memref_squeeze %dma_start3A_709 : memref<1x1x1x1024xf32, #tpu.memory_space<hbm>> -> memref<1024xf32, #tpu.memory_space<hbm>>
        %dma_start3A_711 = arith.constant 0 : i32
        %dma_start3A_712 = tpu.memref_slice %arg20[%run_scoped3A_689, %dma_start3A_711] : memref<8x1024xf32, #tpu.memory_space<vmem>> -> memref<1x1024xf32, #tpu.memory_space<vmem>>
        %dma_start3A_713 = tpu.memref_squeeze %dma_start3A_712 : memref<1x1024xf32, #tpu.memory_space<vmem>> -> memref<1024xf32, #tpu.memory_space<vmem>>
        tpu.enqueue_dma source(%dma_start3A_713 : memref<1024xf32, #tpu.memory_space<vmem>>) target(%dma_start3A_710 : memref<1024xf32, #tpu.memory_space<hbm>>) target_semaphore(%run_scoped3A_701 : memref<!tpu.dma_semaphore, #tpu.memory_space<semaphore_mem>>)
        %dma_wait3A_714 = arith.constant 0 : i32
        %dma_wait3A_715 = tpu.memref_slice %arg20[%run_scoped3A_689, %dma_wait3A_714] : memref<8x1024xf32, #tpu.memory_space<vmem>> -> memref<1x1024xf32, #tpu.memory_space<vmem>>
        %dma_wait3A_716 = tpu.memref_squeeze %dma_wait3A_715 : memref<1x1024xf32, #tpu.memory_space<vmem>> -> memref<1024xf32, #tpu.memory_space<vmem>>
        %dma_wait3A_717 = arith.constant 0 : i32
        %dma_wait3A_718 = tpu.memref_slice %arg6[%run_scoped3A_690, %run_scoped3A_691, %select_n3A, %dma_wait3A_717] : memref<1x8x1024x1024xf32, #tpu.memory_space<hbm>> -> memref<1x1x1x1024xf32, #tpu.memory_space<hbm>>
        %dma_wait3A_719 = tpu.memref_squeeze %dma_wait3A_718 : memref<1x1x1x1024xf32, #tpu.memory_space<hbm>> -> memref<1024xf32, #tpu.memory_space<hbm>>
        %dma_wait3A_720 = arith.constant 0 : i32
        %dma_wait3A_721 = tpu.memref_slice %arg6[%run_scoped3A_690, %run_scoped3A_691, %select_n3A, %dma_wait3A_720] : memref<1x8x1024x1024xf32, #tpu.memory_space<hbm>> -> memref<1x1x1x1024xf32, #tpu.memory_space<hbm>>
        %dma_wait3A_722 = tpu.memref_squeeze %dma_wait3A_721 : memref<1x1x1x1024xf32, #tpu.memory_space<hbm>> -> memref<1024xf32, #tpu.memory_space<hbm>>
        %dma_wait3A_723 = arith.constant 0 : i32
        %dma_wait3A_724 = tpu.memref_slice %arg20[%run_scoped3A_689, %dma_wait3A_723] : memref<8x1024xf32, #tpu.memory_space<vmem>> -> memref<1x1024xf32, #tpu.memory_space<vmem>>
        %dma_wait3A_725 = tpu.memref_squeeze %dma_wait3A_724 : memref<1x1024xf32, #tpu.memory_space<vmem>> -> memref<1024xf32, #tpu.memory_space<vmem>>
        tpu.wait_dma2 semaphore(%run_scoped3A_701 : memref<!tpu.dma_semaphore, #tpu.memory_space<semaphore_mem>>) src(%dma_wait3A_725 : memref<1024xf32, #tpu.memory_space<vmem>>) dst(%dma_wait3A_722 : memref<1024xf32, #tpu.memory_space<hbm>>)
        tpu.yield
      }) : () -> ()
      %run_scoped3A_692 = arith.constant 5 : i32
      %run_scoped3A_693 = arith.constant 0 : i32
      %run_scoped3A_694 = arith.constant 5 : i32
      "tpu.region"() ({
        %run_scoped3A_701 = tpu.sem_alloc : memref<!tpu.dma_semaphore, #tpu.memory_space<semaphore_mem>>
        %dma_start3A_702 = arith.constant 0 : i32
        %dma_start3A_703 = tpu.memref_slice %arg20[%run_scoped3A_692, %dma_start3A_702] : memref<8x1024xf32, #tpu.memory_space<vmem>> -> memref<1x1024xf32, #tpu.memory_space<vmem>>
        %dma_start3A_704 = tpu.memref_squeeze %dma_start3A_703 : memref<1x1024xf32, #tpu.memory_space<vmem>> -> memref<1024xf32, #tpu.memory_space<vmem>>
        %dma_start3A_705 = arith.constant 0 : i32
        %dma_start3A_706 = tpu.memref_slice %arg6[%run_scoped3A_693, %run_scoped3A_694, %select_n3A, %dma_start3A_705] : memref<1x8x1024x1024xf32, #tpu.memory_space<hbm>> -> memref<1x1x1x1024xf32, #tpu.memory_space<hbm>>
        %dma_start3A_707 = tpu.memref_squeeze %dma_start3A_706 : memref<1x1x1x1024xf32, #tpu.memory_space<hbm>> -> memref<1024xf32, #tpu.memory_space<hbm>>
        %dma_start3A_708 = arith.constant 0 : i32
        %dma_start3A_709 = tpu.memref_slice %arg6[%run_scoped3A_693, %run_scoped3A_694, %select_n3A, %dma_start3A_708] : memref<1x8x1024x1024xf32, #tpu.memory_space<hbm>> -> memref<1x1x1x1024xf32, #tpu.memory_space<hbm>>
        %dma_start3A_710 = tpu.memref_squeeze %dma_start3A_709 : memref<1x1x1x1024xf32, #tpu.memory_space<hbm>> -> memref<1024xf32, #tpu.memory_space<hbm>>
        %dma_start3A_711 = arith.constant 0 : i32
        %dma_start3A_712 = tpu.memref_slice %arg20[%run_scoped3A_692, %dma_start3A_711] : memref<8x1024xf32, #tpu.memory_space<vmem>> -> memref<1x1024xf32, #tpu.memory_space<vmem>>
        %dma_start3A_713 = tpu.memref_squeeze %dma_start3A_712 : memref<1x1024xf32, #tpu.memory_space<vmem>> -> memref<1024xf32, #tpu.memory_space<vmem>>
        tpu.enqueue_dma source(%dma_start3A_713 : memref<1024xf32, #tpu.memory_space<vmem>>) target(%dma_start3A_710 : memref<1024xf32, #tpu.memory_space<hbm>>) target_semaphore(%run_scoped3A_701 : memref<!tpu.dma_semaphore, #tpu.memory_space<semaphore_mem>>)
        %dma_wait3A_714 = arith.constant 0 : i32
        %dma_wait3A_715 = tpu.memref_slice %arg20[%run_scoped3A_692, %dma_wait3A_714] : memref<8x1024xf32, #tpu.memory_space<vmem>> -> memref<1x1024xf32, #tpu.memory_space<vmem>>
        %dma_wait3A_716 = tpu.memref_squeeze %dma_wait3A_715 : memref<1x1024xf32, #tpu.memory_space<vmem>> -> memref<1024xf32, #tpu.memory_space<vmem>>
        %dma_wait3A_717 = arith.constant 0 : i32
        %dma_wait3A_718 = tpu.memref_slice %arg6[%run_scoped3A_693, %run_scoped3A_694, %select_n3A, %dma_wait3A_717] : memref<1x8x1024x1024xf32, #tpu.memory_space<hbm>> -> memref<1x1x1x1024xf32, #tpu.memory_space<hbm>>
        %dma_wait3A_719 = tpu.memref_squeeze %dma_wait3A_718 : memref<1x1x1x1024xf32, #tpu.memory_space<hbm>> -> memref<1024xf32, #tpu.memory_space<hbm>>
        %dma_wait3A_720 = arith.constant 0 : i32
        %dma_wait3A_721 = tpu.memref_slice %arg6[%run_scoped3A_693, %run_scoped3A_694, %select_n3A, %dma_wait3A_720] : memref<1x8x1024x1024xf32, #tpu.memory_space<hbm>> -> memref<1x1x1x1024xf32, #tpu.memory_space<hbm>>
        %dma_wait3A_722 = tpu.memref_squeeze %dma_wait3A_721 : memref<1x1x1x1024xf32, #tpu.memory_space<hbm>> -> memref<1024xf32, #tpu.memory_space<hbm>>
        %dma_wait3A_723 = arith.constant 0 : i32
        %dma_wait3A_724 = tpu.memref_slice %arg20[%run_scoped3A_692, %dma_wait3A_723] : memref<8x1024xf32, #tpu.memory_space<vmem>> -> memref<1x1024xf32, #tpu.memory_space<vmem>>
        %dma_wait3A_725 = tpu.memref_squeeze %dma_wait3A_724 : memref<1x1024xf32, #tpu.memory_space<vmem>> -> memref<1024xf32, #tpu.memory_space<vmem>>
        tpu.wait_dma2 semaphore(%run_scoped3A_701 : memref<!tpu.dma_semaphore, #tpu.memory_space<semaphore_mem>>) src(%dma_wait3A_725 : memref<1024xf32, #tpu.memory_space<vmem>>) dst(%dma_wait3A_722 : memref<1024xf32, #tpu.memory_space<hbm>>)
        tpu.yield
      }) : () -> ()
      %run_scoped3A_695 = arith.constant 6 : i32
      %run_scoped3A_696 = arith.constant 0 : i32
      %run_scoped3A_697 = arith.constant 6 : i32
      "tpu.region"() ({
        %run_scoped3A_701 = tpu.sem_alloc : memref<!tpu.dma_semaphore, #tpu.memory_space<semaphore_mem>>
        %dma_start3A_702 = arith.constant 0 : i32
        %dma_start3A_703 = tpu.memref_slice %arg20[%run_scoped3A_695, %dma_start3A_702] : memref<8x1024xf32, #tpu.memory_space<vmem>> -> memref<1x1024xf32, #tpu.memory_space<vmem>>
        %dma_start3A_704 = tpu.memref_squeeze %dma_start3A_703 : memref<1x1024xf32, #tpu.memory_space<vmem>> -> memref<1024xf32, #tpu.memory_space<vmem>>
        %dma_start3A_705 = arith.constant 0 : i32
        %dma_start3A_706 = tpu.memref_slice %arg6[%run_scoped3A_696, %run_scoped3A_697, %select_n3A, %dma_start3A_705] : memref<1x8x1024x1024xf32, #tpu.memory_space<hbm>> -> memref<1x1x1x1024xf32, #tpu.memory_space<hbm>>
        %dma_start3A_707 = tpu.memref_squeeze %dma_start3A_706 : memref<1x1x1x1024xf32, #tpu.memory_space<hbm>> -> memref<1024xf32, #tpu.memory_space<hbm>>
        %dma_start3A_708 = arith.constant 0 : i32
        %dma_start3A_709 = tpu.memref_slice %arg6[%run_scoped3A_696, %run_scoped3A_697, %select_n3A, %dma_start3A_708] : memref<1x8x1024x1024xf32, #tpu.memory_space<hbm>> -> memref<1x1x1x1024xf32, #tpu.memory_space<hbm>>
        %dma_start3A_710 = tpu.memref_squeeze %dma_start3A_709 : memref<1x1x1x1024xf32, #tpu.memory_space<hbm>> -> memref<1024xf32, #tpu.memory_space<hbm>>
        %dma_start3A_711 = arith.constant 0 : i32
        %dma_start3A_712 = tpu.memref_slice %arg20[%run_scoped3A_695, %dma_start3A_711] : memref<8x1024xf32, #tpu.memory_space<vmem>> -> memref<1x1024xf32, #tpu.memory_space<vmem>>
        %dma_start3A_713 = tpu.memref_squeeze %dma_start3A_712 : memref<1x1024xf32, #tpu.memory_space<vmem>> -> memref<1024xf32, #tpu.memory_space<vmem>>
        tpu.enqueue_dma source(%dma_start3A_713 : memref<1024xf32, #tpu.memory_space<vmem>>) target(%dma_start3A_710 : memref<1024xf32, #tpu.memory_space<hbm>>) target_semaphore(%run_scoped3A_701 : memref<!tpu.dma_semaphore, #tpu.memory_space<semaphore_mem>>)
        %dma_wait3A_714 = arith.constant 0 : i32
        %dma_wait3A_715 = tpu.memref_slice %arg20[%run_scoped3A_695, %dma_wait3A_714] : memref<8x1024xf32, #tpu.memory_space<vmem>> -> memref<1x1024xf32, #tpu.memory_space<vmem>>
        %dma_wait3A_716 = tpu.memref_squeeze %dma_wait3A_715 : memref<1x1024xf32, #tpu.memory_space<vmem>> -> memref<1024xf32, #tpu.memory_space<vmem>>
        %dma_wait3A_717 = arith.constant 0 : i32
        %dma_wait3A_718 = tpu.memref_slice %arg6[%run_scoped3A_696, %run_scoped3A_697, %select_n3A, %dma_wait3A_717] : memref<1x8x1024x1024xf32, #tpu.memory_space<hbm>> -> memref<1x1x1x1024xf32, #tpu.memory_space<hbm>>
        %dma_wait3A_719 = tpu.memref_squeeze %dma_wait3A_718 : memref<1x1x1x1024xf32, #tpu.memory_space<hbm>> -> memref<1024xf32, #tpu.memory_space<hbm>>
        %dma_wait3A_720 = arith.constant 0 : i32
        %dma_wait3A_721 = tpu.memref_slice %arg6[%run_scoped3A_696, %run_scoped3A_697, %select_n3A, %dma_wait3A_720] : memref<1x8x1024x1024xf32, #tpu.memory_space<hbm>> -> memref<1x1x1x1024xf32, #tpu.memory_space<hbm>>
        %dma_wait3A_722 = tpu.memref_squeeze %dma_wait3A_721 : memref<1x1x1x1024xf32, #tpu.memory_space<hbm>> -> memref<1024xf32, #tpu.memory_space<hbm>>
        %dma_wait3A_723 = arith.constant 0 : i32
        %dma_wait3A_724 = tpu.memref_slice %arg20[%run_scoped3A_695, %dma_wait3A_723] : memref<8x1024xf32, #tpu.memory_space<vmem>> -> memref<1x1024xf32, #tpu.memory_space<vmem>>
        %dma_wait3A_725 = tpu.memref_squeeze %dma_wait3A_724 : memref<1x1024xf32, #tpu.memory_space<vmem>> -> memref<1024xf32, #tpu.memory_space<vmem>>
        tpu.wait_dma2 semaphore(%run_scoped3A_701 : memref<!tpu.dma_semaphore, #tpu.memory_space<semaphore_mem>>) src(%dma_wait3A_725 : memref<1024xf32, #tpu.memory_space<vmem>>) dst(%dma_wait3A_722 : memref<1024xf32, #tpu.memory_space<hbm>>)
        tpu.yield
      }) : () -> ()
      %run_scoped3A_698 = arith.constant 7 : i32
      %run_scoped3A_699 = arith.constant 0 : i32
      %run_scoped3A_700 = arith.constant 7 : i32
      "tpu.region"() ({
        %run_scoped3A_701 = tpu.sem_alloc : memref<!tpu.dma_semaphore, #tpu.memory_space<semaphore_mem>>
        %dma_start3A_702 = arith.constant 0 : i32
        %dma_start3A_703 = tpu.memref_slice %arg20[%run_scoped3A_698, %dma_start3A_702] : memref<8x1024xf32, #tpu.memory_space<vmem>> -> memref<1x1024xf32, #tpu.memory_space<vmem>>
        %dma_start3A_704 = tpu.memref_squeeze %dma_start3A_703 : memref<1x1024xf32, #tpu.memory_space<vmem>> -> memref<1024xf32, #tpu.memory_space<vmem>>
        %dma_start3A_705 = arith.constant 0 : i32
        %dma_start3A_706 = tpu.memref_slice %arg6[%run_scoped3A_699, %run_scoped3A_700, %select_n3A, %dma_start3A_705] : memref<1x8x1024x1024xf32, #tpu.memory_space<hbm>> -> memref<1x1x1x1024xf32, #tpu.memory_space<hbm>>
        %dma_start3A_707 = tpu.memref_squeeze %dma_start3A_706 : memref<1x1x1x1024xf32, #tpu.memory_space<hbm>> -> memref<1024xf32, #tpu.memory_space<hbm>>
        %dma_start3A_708 = arith.constant 0 : i32
        %dma_start3A_709 = tpu.memref_slice %arg6[%run_scoped3A_699, %run_scoped3A_700, %select_n3A, %dma_start3A_708] : memref<1x8x1024x1024xf32, #tpu.memory_space<hbm>> -> memref<1x1x1x1024xf32, #tpu.memory_space<hbm>>
        %dma_start3A_710 = tpu.memref_squeeze %dma_start3A_709 : memref<1x1x1x1024xf32, #tpu.memory_space<hbm>> -> memref<1024xf32, #tpu.memory_space<hbm>>
        %dma_start3A_711 = arith.constant 0 : i32
        %dma_start3A_712 = tpu.memref_slice %arg20[%run_scoped3A_698, %dma_start3A_711] : memref<8x1024xf32, #tpu.memory_space<vmem>> -> memref<1x1024xf32, #tpu.memory_space<vmem>>
        %dma_start3A_713 = tpu.memref_squeeze %dma_start3A_712 : memref<1x1024xf32, #tpu.memory_space<vmem>> -> memref<1024xf32, #tpu.memory_space<vmem>>
        tpu.enqueue_dma source(%dma_start3A_713 : memref<1024xf32, #tpu.memory_space<vmem>>) target(%dma_start3A_710 : memref<1024xf32, #tpu.memory_space<hbm>>) target_semaphore(%run_scoped3A_701 : memref<!tpu.dma_semaphore, #tpu.memory_space<semaphore_mem>>)
        %dma_wait3A_714 = arith.constant 0 : i32
        %dma_wait3A_715 = tpu.memref_slice %arg20[%run_scoped3A_698, %dma_wait3A_714] : memref<8x1024xf32, #tpu.memory_space<vmem>> -> memref<1x1024xf32, #tpu.memory_space<vmem>>
        %dma_wait3A_716 = tpu.memref_squeeze %dma_wait3A_715 : memref<1x1024xf32, #tpu.memory_space<vmem>> -> memref<1024xf32, #tpu.memory_space<vmem>>
        %dma_wait3A_717 = arith.constant 0 : i32
        %dma_wait3A_718 = tpu.memref_slice %arg6[%run_scoped3A_699, %run_scoped3A_700, %select_n3A, %dma_wait3A_717] : memref<1x8x1024x1024xf32, #tpu.memory_space<hbm>> -> memref<1x1x1x1024xf32, #tpu.memory_space<hbm>>
        %dma_wait3A_719 = tpu.memref_squeeze %dma_wait3A_718 : memref<1x1x1x1024xf32, #tpu.memory_space<hbm>> -> memref<1024xf32, #tpu.memory_space<hbm>>
        %dma_wait3A_720 = arith.constant 0 : i32
        %dma_wait3A_721 = tpu.memref_slice %arg6[%run_scoped3A_699, %run_scoped3A_700, %select_n3A, %dma_wait3A_720] : memref<1x8x1024x1024xf32, #tpu.memory_space<hbm>> -> memref<1x1x1x1024xf32, #tpu.memory_space<hbm>>
        %dma_wait3A_722 = tpu.memref_squeeze %dma_wait3A_721 : memref<1x1x1x1024xf32, #tpu.memory_space<hbm>> -> memref<1024xf32, #tpu.memory_space<hbm>>
        %dma_wait3A_723 = arith.constant 0 : i32
        %dma_wait3A_724 = tpu.memref_slice %arg20[%run_scoped3A_698, %dma_wait3A_723] : memref<8x1024xf32, #tpu.memory_space<vmem>> -> memref<1x1024xf32, #tpu.memory_space<vmem>>
        %dma_wait3A_725 = tpu.memref_squeeze %dma_wait3A_724 : memref<1x1024xf32, #tpu.memory_space<vmem>> -> memref<1024xf32, #tpu.memory_space<vmem>>
        tpu.wait_dma2 semaphore(%run_scoped3A_701 : memref<!tpu.dma_semaphore, #tpu.memory_space<semaphore_mem>>) src(%dma_wait3A_725 : memref<1024xf32, #tpu.memory_space<vmem>>) dst(%dma_wait3A_722 : memref<1024xf32, #tpu.memory_space<hbm>>)
        tpu.yield
      }) : () -> ()
    }
    %scan3A_7 = arith.constant 32 : i32
    return
  }
}

</mosaic_0001>

<sc_bundles>
// kernel: kernel.3.cloned.1.call-start
scs
__scs_entry_jumppad:
0x0: {  	(pc) =	sbr.rel $0x88, $3  }
0x1: {  	(tag) =	ssettag $0x0;
	lr =	simm.s32 $0x1  }
0x2: {  	[smem:$0x3F9E] =	sst lr;
	_ =	strace $0xD0000000  }
0x3: {  	_ = 	snop  }
0x4: {  	_ = 	snop  }
0x5: {  	_ = 	snop  }
0x6: {  	_ = 	snop  }
0x7: {  	_ = 	snop  }
__scs_overlays_trampoline_lowered:
0x8: {  	[smem:$0x3FAD] =	sst s0  }
0x9: {  	[smem:$0x3FAE] =	sst s1  }
0xa: {  	[smem:$0x3FAF] =	sst s2  }
0xb: {  	[smem:$0x3FB0] =	sst s3  }
0xc: {  	[smem:$0x3FB1] =	sst s4  }
0xd: {  	[smem:$0x3FB2] =	sst s5  }
0xe: {  	[smem:$0x3FB3] =	sst s6  }
0xf: {  	[smem:$0x3FB4] =	sst s7  }
0x10: {  	[smem:$0x3FB5] =	sst s8  }
0x11: {  	[smem:$0x3FB6] =	sst s9;
	s0 =	simm.s32 @!p0 $0x0  }
0x12: {  	s1 =	sld [smem:$0x3F9C];
	s0 =	simm.s32 @p0 $0x1  }
0x13: {  	[smem:$0x3FB7] =	sst s0;
	s0 =	simm.s32 @!p1 $0x0  }
0x14: {  	s2 =	sld [smem:$0x3F9B];
	s0 =	simm.s32 @p1 $0x1  }
0x15: {  	[smem:$0x3FB8] =	sst s0;
	s0 =	simm.s32 @!p2 $0x0  }
0x16: {  	s3 =	sld [smem:$0x3FDB];
	s0 =	simm.s32 @p2 $0x1  }
0x17: {  	s4 =	simm.s32 $0x1BF5;
	[smem:$0x3FBA] =	sst s0  }
0x18: {  	s0 =	sld [smem:$0x3F9D];
	_ =	swait.ge [sflag:s4], $0x0  }
0x19: {  	s7 =	sld [smem:$0x3F9E]  }
0x1a: {  	s8 =	sadd.s32 $0xFFFFE003, lr  }
0x1b: {  	s9 =	sadd.s32 $0xFFFFFEF7, lr;
	s5 =	simm.s32 $0xFFFFFFFF;
	p2 =	slt.u32 s8, $0xFFFFF086  }
0x1c: {  	p1 =	slt.u32 s9, $0xF7A;
	s5 =	simm.s32 @!p2 $0x0  }
0x1d: {  	s5 =	simm.s32 @p1 $0x1;
	p0 =	seq.s32 s7, s2  }
0x1e: {  	s7 =	smul.u32 @!p0 $0xF7A, s2;
	p2 =	seq.s32 @!p0 s5, $0x0  }
0x1f: {  	s9 =	smul.u32 $0xF7A, s1;
	s8 =	simm.s32 @!p0 $0x1BF5;
	p2 =	por !p2, p0  }
0x20: {  	[sflag:s8] =	ssyncset.s32 @!p0 $0xFFFFF086;
	s6 =	sadd.s32 @!p0 s3, s7;
	s7 =	simm.s32 @!p0 $0x108  }
0x21: {  	s3 =	sadd.s32 s3, s9;
	s6 =	sadd.s32 @!p0 $0x88, s6;
	s7 =	simm.s32 @p2 $0x1082  }
0x22: {  	[simem:s7], [sflag:s8] =	dma.local @!p0 [hbm:s6], $0xF7A  }
0x23: {  	s9 =	sor.u32 $0xD0000000, s2;
	s6 =	simm.s32 $0x108;
	_ =	swait.ge @!p0 [sflag:s8], $0x0  }
0x24: {  	s3 =	sadd.s32 $0x88, s3;
	s6 =	simm.s32 @!p1 $0x1082;
	[sflag:s4] =	ssyncset.s32 $0xFFFFF086  }
0x25: {  	[simem:s6], [sflag:s4] =	dma.local [hbm:s3], $0xF7A  }
0x26: {  	[smem:$0x3F9E] =	sst s1;
	(tag) =	ssettag s2;
	_ =	strace s9  }
0x27: {  	s1 =	sld [smem:$0x3FAE]  }
0x28: {  	s2 =	sld [smem:$0x3FAF]  }
0x29: {  	s4 =	sld [smem:$0x3FB1]  }
0x2a: {  	p0 =	seq.s32 s5, $0x0;
	s5 =	sld [smem:$0x3FB2]  }
0x2b: {  	s6 =	sld [smem:$0x3FB3]  }
0x2c: {  	s7 =	sld [smem:$0x3FB4]  }
0x2d: {  	s3 =	simm.s32 $0x108;
	s8 =	sld [smem:$0x3FB5]  }
0x2e: {  	s3 =	simm.s32 @!p0 $0x1082;
	s9 =	sld [smem:$0x3FB6]  }
0x2f: {  	lr =	sadd.s32 s0, s3;
	s0 =	sld [smem:$0x3FAD]  }
0x30: {  	s3 =	sld [smem:$0x3FB0]  }
0x31: {  	[smem:$0x3FB9] =	sst s10  }
0x32: {  	s10 =	sld [smem:$0x3FB7];
	_ =	sdelay $0x3  }
0x33: {  	p0 =	seq.s32 s10, $0x1;
	s10 =	sld [smem:$0x3FB9];
	_ =	sdelay $0x3  }
0x34: {  	[smem:$0x3FB9] =	sst s10  }
0x35: {  	s10 =	sld [smem:$0x3FB8];
	_ =	sdelay $0x3  }
0x36: {  	p1 =	seq.s32 s10, $0x1;
	s10 =	sld [smem:$0x3FB9];
	_ =	sdelay $0x3  }
0x37: {  	[smem:$0x3FB9] =	sst s10  }
0x38: {  	s10 =	sld [smem:$0x3FBA]  }
0x39: {  	_ = 	snop;
	(pc) =	sbr.ind lr, $3  }
0x3a: {  	_ = 	snop  }
0x3b: {  	_ = 	snop  }
0x3c: {  	p2 =	seq.s32 s10, $0x1;
	s10 =	sld [smem:$0x3FB9]  }
0x3d: {  	_ =	shalt  }
0x3e: {  	_ =	shalt  }
0x3f: {  	_ =	shalt  }
0x40: {  	_ =	shalt  }
0x41: {  	_ =	shalt  }
0x42: {  	_ =	shalt  }
0x43: {  	_ =	shalt  }
0x44: {  	_ =	shalt  }
0x45: {  	_ =	shalt  }
0x46: {  	_ =	shalt  }
0x47: {  	_ =	shalt  }
0x48: {  	_ =	shalt  }
0x49: {  	_ =	shalt  }
0x4a: {  	_ =	shalt  }
0x4b: {  	_ =	shalt  }
0x4c: {  	_ =	shalt  }
0x4d: {  	_ =	shalt  }
0x4e: {  	_ =	shalt  }
0x4f: {  	_ =	shalt  }
0x50: {  	_ =	shalt  }
0x51: {  	_ =	shalt  }
0x52: {  	_ =	shalt  }
0x53: {  	_ =	shalt  }
0x54: {  	_ =	shalt  }
0x55: {  	_ =	shalt  }
0x56: {  	_ =	shalt  }
0x57: {  	_ =	shalt  }
0x58: {  	_ =	shalt  }
0x59: {  	_ =	shalt  }
0x5a: {  	_ =	shalt  }
0x5b: {  	_ =	shalt  }
0x5c: {  	_ =	shalt  }
0x5d: {  	_ =	shalt  }
0x5e: {  	_ =	shalt  }
0x5f: {  	_ =	shalt  }
0x60: {  	_ =	shalt  }
0x61: {  	_ =	shalt  }
0x62: {  	_ =	shalt  }
0x63: {  	_ =	shalt  }
0x64: {  	_ =	shalt  }
0x65: {  	_ =	shalt  }
0x66: {  	_ =	shalt  }
0x67: {  	_ =	shalt  }
0x68: {  	_ =	shalt  }
0x69: {  	_ =	shalt  }
0x6a: {  	_ =	shalt  }
0x6b: {  	_ =	shalt  }
0x6c: {  	_ =	shalt  }
0x6d: {  	_ =	shalt  }
0x6e: {  	_ =	shalt  }
0x6f: {  	_ =	shalt  }
0x70: {  	_ =	shalt  }
0x71: {  	_ =	shalt  }
0x72: {  	_ =	shalt  }
0x73: {  	_ =	shalt  }
0x74: {  	_ =	shalt  }
0x75: {  	_ =	shalt  }
0x76: {  	_ =	shalt  }
0x77: {  	_ =	shalt  }
0x78: {  	_ =	shalt  }
0x79: {  	_ =	shalt  }
0x7a: {  	_ =	shalt  }
0x7b: {  	_ =	shalt  }
0x7c: {  	_ =	shalt  }
0x7d: {  	_ =	shalt  }
0x7e: {  	_ =	shalt  }
0x7f: {  	_ =	shalt  }
0x80: {  	_ =	shalt  }
0x81: {  	_ =	shalt  }
0x82: {  	_ =	shalt  }
0x83: {  	_ =	shalt  }
0x84: {  	_ =	shalt  }
0x85: {  	_ =	shalt  }
0x86: {  	_ =	shalt  }
0x87: {  	_ =	shalt  }
.Lfunc_end0:
.L_simem_size_0:
called_computation.1_lowered:
.L_overlay_start_0:
0x88: {  	s2 =	sld [smem:$0x3FD9]  }
0x89: {  	s3 =	sld [smem:$0x3FFE];
	_ =	sdelay $0x1  }
0x8a: {  	s1 =	srdreg.scid  }
0x8b: {  	s0 =	sand.u32 $0x1, s1  }
0x8c: {  	s17 =	sshll.u32 s0, $0xA;
	s2 =	sadd.s32 s3, s2  }
0x8d: {  	s2 =	sadd.s32 s2, s17  }
0x8e: {  	[smem:$0x3FC5] =	sst s2  }
0x8f: {  	_ = 	snop  }
0x90: {  	s2 =	sld [smem:$0x3FD0];
	(tm) =	ssettm $0x1  }
0x91: {  	s18 =	sld [smem:$0x3FFB];
	_ =	sdelay $0x3  }
0x92: {  	_ =	strace s18  }
0x93: {  	s3 =	sld [smem:$0x3FFC];
	_ =	sdelay $0x3  }
0x94: {  	_ =	strace s3  }
0x95: {  	s3 =	sld [smem:$0x3FFD];
	_ =	sdelay $0x3  }
0x96: {  	_ =	strace s3  }
0x97: {  	_ =	strace $0x8FFFFFFF  }
0x98: {  	s19 =	sld [smem:$0x3FDB];
	_ =	sdelay $0x1  }
0x99: {  	s4 =	simm.s32 $_scs_section_size  }
0x9a: {  	s5 =	simm.s32 $_size__tile_overlayer_lowered;
	s6 =	simm.s32 $_tile_overlayer_lowered  }
0x9b: {  	s22 =	simm.s32 $0x1BFF;
	s21 =	sshll.u32 s6, $0x1;
	s3 =	sadd.s32 s4, s19  }
0x9c: {  	s7 =	simm.s32 $0x0;
	s20 =	sshll.u32 s5, $0x1;
	s5 =	sadd.s32 s21, s3  }
0x9d: {  	[timem:s7], [sflag:s22] =	dma.local [hbm:s5], s20  }
0x9e: {  	_ =	swait.ge [sflag:s22], s20  }
0x9f: {  	s4 =	ssub.s32 $0x0, s20;
	[sflag:s22] =	ssyncset.done $0x0  }
0xa0: {  	[sflag:s22] =	ssyncadd.s32 s4;
	_ =	sdelay $0x1  }
0xa1: {  	s23 =	simm.s32 $0x1B8B  }
0xa2: {  	_ =	swait.ge [sflag:s23], $0x1  }
0xa3: {  	[sflag:s23] =	ssyncset.done $0x0  }
0xa4: {  	s25 =	simm.s32 $0x1B8E;
	s24 =	sld [smem:$0x3FFE];
	[sflag:s23] =	ssyncadd.s32 $0xFFFFFFFF  }
0xa5: {  	s26 =	simm.s32 $execute0_lowered;
	[smem:$0x3FD2] =	sst s25  }
0xa6: {  	s5 =	sshll.u32 s26, $0x1;
	_ =	strace $0x80000049;
	[dreg:$0x1] =	wrdreg $0xFFFFFFFF  }
0xa7: {  	s28 =	simm.s32 $_size_execute0_lowered;
	s3 =	sadd.s32 s3, s5;
	[dreg:$0x0] =	wrdreg $0x0  }
0xa8: {  	s5 =	sshll.u32 s28, $0x1;
	[dreg:$0x2] =	wrdreg s3  }
0xa9: {  	[dreg:$0x3] =	wrdreg s5  }
0xaa: {  	[dreg:$0x4] =	wrdreg $0xC0  }
0xab: {  	_ =	task [dreg:s7], $0x5FFFF  }
0xac: {  	[dreg:$0x1] =	wrdreg $0xFFFFFFFF  }
0xad: {  	[dreg:$0x0] =	wrdreg $0x60  }
0xae: {  	[dreg:$0x2] =	wrdreg s24  }
0xaf: {  	[dreg:$0x3] =	wrdreg s2  }
0xb0: {  	[dreg:$0x4] =	wrdreg $0x9  }
0xb1: {  	_ =	task.clear_ibuf [dreg:s7], $0x5FFFF;
	_ =	strace $0x90000049  }
0xb2: {  	s29 =	simm.s32 $0x9;
	_ =	strace $0x8000004B  }
0xb3: {  	_ =	swait.ge [sflag:s29], $0x1  }
0xb4: {  	[sflag:s29] =	ssyncadd.s32 $0xFFFFFFFF  }
0xb5: {  	_ =	strace $0x9000004B  }
0xb6: {  	_ =	sfence  }
0xb7: {  	s30 =	sld [smem:$0x0];
	_ =	sdelay $0x2  }
0xb8: {  	s31 =	sshll.u32 s1, $0xD;
	s1 =	sshrl.u32 s1, $0x2  }
0xb9: {  	s3 =	sand.u32 $0x4000, s31;
	s1 =	sadd.s32 s1, s30  }
0xba: {  	s0 =	sor.u32 s3, s0;
	s1 =	sshll.u32 s1, $0x11  }
0xbb: {  	s0 =	sor.u32 s1, s0  }
0xbc: {  	s0 =	sadd.s32 $0x8F2B, s0  }
0xbd: {  	[sflag:s0] =	ssyncadd.remote.s32 $0x1  }
0xbe: {  	_ =	sfence.sel $0xFFFF  }
0xbf: {  	[dreg:$0x0] =	wrdreg $0xFFFFFFFF;
	(pc) =	sbr.abs _section_cstart, $3  }
0xc0: {  	[dreg:$0x1] =	wrdreg $0xFFFFFFFF  }
0xc1: {  	_ =	task.clear_ibuf [dreg:s7], $0x2FFFF;
	_ =	strace $0x9FFFFFFF  }
0xc2: {  	(tm) =	ssettm $0x7FFFFFFF  }
0xc3: {  	_ =	shalt  }
tec
execute0_lowered:
.L_overlay_start_1:
0x0: {  	(tag) =	ssettag $0x1  }
0x1: {  	s0 =	rddreg [dreg:$0x0]  }
0x2: {  	s2 =	simm.s32 $0x0;
	s1 =	srdreg.scid;
	s9 =	stileid.u32  }
0x3: {  	s17 =	simm.s32 $0x2;
	s20 =	simm.s32 $0x80;
	s22 =	simm.s32 $0x2400  }
0x4: {  	s23 =	simm.s32 $0x4400;
	s25 =	simm.s32 $0x6400;
	s29 =	simm.s32 $0x8400  }
0x5: {  	s21 =	simm.s32 $0xB800;
	s24 =	simm.s32 $0xBC00;
	s26 =	simm.s32 $0xC000  }
0x6: {  	[smem:$0x7FF] =	sst s2;
	s3 =	sadd.s32 $0x4040E00, s0;
	s1 =	sand.u32 $0x1, s1  }
0x7: {  	s5 =	sadd.s32 $0x4020E00, s0;
	s6 =	sadd.s32 $0x4000E00, s0;
	s7 =	sadd.s32 $0xE00, s0  }
0x8: {  	s30 =	sshll.u32 s9, $0xD;
	s9 =	sadd.s32 $0x20E00, s0;
	s10 =	sadd.s32 $0x40E00, s0  }
0x9: {  	s11 =	sadd.s32 $0x60E00, s0;
	s12 =	sadd.s32 $0x80E00, s0;
	s4 =	ssub.s32 $0x2, s1  }
0xa: {  	s13 =	sadd.s32 $0xA0E00, s0;
	s14 =	sadd.s32 $0xC0E00, s0;
	s8 =	sshrl.u32 s4, $0x1  }
0xb: {  	s15 =	sadd.s32 $0xE0E00, s0;
	s0 =	simm.s32 $0x1;
	s4 =	ssub.s32 s4, s8  }
0xc: {  	v0 =	vlaneseq.u32;
	_ =	strace $0x8000004A;
	s1 =	sshll.u32 s1, $0xC;
	s31 =	smax.u32 s4, $0x1  }
0xd: {  	v0 =	vmul.u32 $0x8, v0;
	s8 =	sor.u32 s1, s30;
	s4 =	simm.s32 $0x0;
	[dreg:$0x3] =	wrdreg s31  }
.LBB2_1:
0xe: {  	[dreg:$0x4] =	wrdreg s4;
	s28 =	simm.s32 $0x0  }
.LBB2_2:
0xf: {  	s1 =	sshll.u32 s28, $0x7  }
0x10: {  	s18 =	rddreg [dreg:$0x1];
	s30 =	sadd.s32 s8, s1  }
0x11: {  	s4 =	simm.s32 $0x0;
	s1 =	sadd.s32 s18, s30  }
0x12: {  	[tilespmem:s4], [sflag:$0x2] =	stream.linear.gather [hbm4b:s1+s4], $0x400, $0x38;
	[tilespmem:$0xC400] =	vst v63  }
0x13: {  	_ =	swait.ge [sflag:s17], $0x400  }
0x14: {  	[sflag:s17] =	ssyncset.done $0x0  }
0x15: {  	s16 =	simm.s32 $0x400;
	s19 =	sadd.s32 s5, s30;
	[sflag:s17] =	ssyncadd.s32 $0xFFFFFC00  }
0x16: {  	[tilespmem:s16], [sflag:$0x2] =	stream.linear.gather [hbm4b:s19+s4], $0x400, $0x38;
	[tilespmem:$0xC400] =	vst v63  }
0x17: {  	_ =	swait.ge [sflag:s17], $0x400  }
0x18: {  	[sflag:s17] =	ssyncset.done $0x0  }
0x19: {  	s18 =	sadd.s32 s6, s30;
	s19 =	simm.s32 $0x800;
	[sflag:s17] =	ssyncadd.s32 $0xFFFFFC00  }
0x1a: {  	[tilespmem:s19], [sflag:$0x2] =	stream.linear.gather [hbm4b:s18+s4], $0x400, $0x38;
	[tilespmem:$0xC400] =	vst v63  }
0x1b: {  	_ =	swait.ge [sflag:s17], $0x400  }
0x1c: {  	[sflag:s17] =	ssyncset.done $0x0  }
0x1d: {  	s16 =	simm.s32 $0x0;
	[sflag:s17] =	ssyncadd.s32 $0xFFFFFC00  }
0x1e: {  	v1 =	vld [tilespmem:s16+$0x800]  }
0x1f: {  	v2 =	vld [tilespmem:s16+$0x400];
	_ =	sdelay $0x3  }
0x20: {  	s4 =	simm.s32 $0x10  }
0x21: {  	v4 =	vmul.f32 $2.550000000e+02, v1;
	v2 =	vmul.f32 $2.550000000e+02, v2;
	v1 =	vld [tilespmem:s4+$0x800]  }
0x22: {  	v5 =	vld [tilespmem:s4+$0x400]  }
0x23: {  	v6 =	vld [tilespmem:s16+$0x0];
	v3 =	vtrunc.f32 v4;
	v7 =	vtrunc.f32 v2  }
0x24: {  	v3 =	vcvt.f32.s32 v3;
	v7 =	vcvt.f32.s32 v7;
	_ =	sdelay $0x1  }
0x25: {  	vm0 =	vlt.s32 v3, $0xFE;
	vm1 =	vlt.s32 v7, $0xFE;
	v1 =	vmul.f32 $2.550000000e+02, v1  }
0x26: {  	v8 =	vnsel vm0, $0xFE, v3;
	v7 =	vnsel vm1, $0xFE, v7;
	v3 =	vmul.f32 $2.550000000e+02, v5  }
0x27: {  	s1 =	simm.s32 $0x20;
	v10 =	vld [tilespmem:s4+$0x0];
	v5 =	vshll.u32 v6, $0x10;
	v9 =	vshll.u32 v8, $0x8;
	v11 =	vtrunc.f32 v1  }
0x28: {  	v8 =	vcvt.s32.f32 v8;
	v6 =	vadd.s32 v7, v9;
	v9 =	vld [tilespmem:s1+$0x800];
	v7 =	vcvt.s32.f32 v7  }
0x29: {  	v12 =	vld [tilespmem:s1+$0x400];
	v11 =	vcvt.f32.s32 v11;
	v5 =	vadd.s32 v5, v6;
	v6 =	vtrunc.f32 v3  }
0x2a: {  	[tilespmem:s16+$0x1400] =	vst v5;
	v13 =	vadd.s32 $0x101, v5;
	v2 =	vsub.f32 v2, v7;
	v14 =	vcvt.f32.s32 v6  }
0x2b: {  	vm14 =	vlt.s32 v11, $0xFE;
	v62 =	vadd.s32 $0x1, v5;
	v7 =	vadd.s32 $0x100, v5;
	[tilespmem:s16+$0x2000] =	vst v13  }
0x2c: {  	v6 =	vnsel vm14, $0xFE, v11;
	v11 =	vsub.f32 v4, v8;
	[tilespmem:s16+$0x1800] =	vst v62;
	vm15 =	vlt.s32 v14, $0xFE  }
0x2d: {  	[tilespmem:s16+$0xC00] =	vst v2;
	v63 =	vshll.u32 v6, $0x8;
	v2 =	vmul.f32 $2.550000000e+02, v9;
	v8 =	vnsel vm15, $0xFE, v14  }
0x2e: {  	s31 =	simm.s32 $0x100;
	s18 =	simm.s32 $0x30;
	v5 =	vmul.f32 $2.550000000e+02, v12;
	v4 =	vld [tilespmem:s1+$0x0];
	v9 =	vshll.u32 v10, $0x10;
	[tilespmem:s16+$0x1000] =	vst v11;
	v10 =	vadd.s32 v8, v63  }
.LBB2_3:
0x2f: {  	p0 =	sne.s32 s31, $0xFC0;
	v11 =	vld [tilespmem:s18+$0x800];
	v12 =	vtrunc.f32 v2;
	v8 =	vcvt.s32.f32 v8;
	v9 =	vadd.s32 v9, v10;
	[tilespmem:s16+$0x1C00] =	vst v7;
	s16 =	smov.u32 s4;
	s4 =	smov.u32 s1  }
0x30: {  	s1 =	smov.u32 s18;
	v10 =	vld [tilespmem:s18+$0x400];
	v7 =	vtrunc.f32 v5;
	v12 =	vcvt.f32.s32 v12;
	[tilespmem:s16+$0x1400] =	vst v9;
	v13 =	vadd.s32 $0x101, v9  }
.Ltmp0:
0x31: {  	v15 =	vcvt.s32.f32 v6;
	v14 =	vcvt.f32.s32 v7;
	v8 =	vsub.f32 v3, v8;
	[tilespmem:s16+$0x2000] =	vst v13;
	v3 =	vmovc v5;
	(pc) =	sbr.rel @p0 .LBB2_3-.Ltmp0, $4  }
0x32: {  	v5 =	vadd.s32 $0x1, v9;
	v7 =	vadd.s32 $0x100, v9;
	vm0 =	vlt.s32 v12, $0xFE  }
0x33: {  	vm1 =	vlt.s32 v14, $0xFE;
	v6 =	vnsel vm0, $0xFE, v12;
	[tilespmem:s16+$0xC00] =	vst v8;
	v12 =	vsub.f32 v1, v15;
	v1 =	vmovc v2  }
0x34: {  	v2 =	vmul.f32 $2.550000000e+02, v11;
	v8 =	vnsel vm1, $0xFE, v14;
	v11 =	vshll.u32 v6, $0x8;
	[tilespmem:s16+$0x1800] =	vst v5  }
0x35: {  	s18 =	sshra.s32 s31, $0x2;
	s31 =	sadd.s32 $0x40, s31;
	v9 =	vshll.u32 v4, $0x10;
	v5 =	vmul.f32 $2.550000000e+02, v10;
	v4 =	vld [tilespmem:s1+$0x0];
	v10 =	vadd.s32 v8, v11;
	[tilespmem:s16+$0x1000] =	vst v12  }
0x36: {  	v11 =	vld [tilespmem:s18+$0x800];
	v12 =	vtrunc.f32 v2;
	v8 =	vcvt.s32.f32 v8;
	[tilespmem:s16+$0x1C00] =	vst v7  }
0x37: {  	v9 =	vadd.s32 v9, v10;
	v6 =	vcvt.s32.f32 v6;
	v7 =	vld [tilespmem:s18+$0x400];
	v59 =	vtrunc.f32 v5  }
0x38: {  	v12 =	vcvt.f32.s32 v12;
	v13 =	vadd.s32 $0x101, v9;
	v10 =	vcvt.f32.s32 v59  }
0x39: {  	[tilespmem:s4+$0x1400] =	vst v9;
	v60 =	vadd.s32 $0x1, v9;
	v9 =	vadd.s32 $0x100, v9;
	v3 =	vsub.f32 v3, v8  }
0x3a: {  	[tilespmem:s4+$0x2000] =	vst v13;
	v1 =	vsub.f32 v1, v6;
	vm0 =	vlt.s32 v12, $0xFE;
	vm1 =	vlt.s32 v10, $0xFE  }
0x3b: {  	v12 =	vnsel vm0, $0xFE, v12;
	[tilespmem:s4+$0xC00] =	vst v3;
	v4 =	vshll.u32 v4, $0x10;
	v3 =	vmul.f32 $2.550000000e+02, v11  }
0x3c: {  	[tilespmem:s4+$0x1800] =	vst v60;
	v6 =	vnsel vm1, $0xFE, v10;
	v61 =	vshll.u32 v12, $0x8;
	v7 =	vmul.f32 $2.550000000e+02, v7  }
0x3d: {  	v8 =	vld [tilespmem:s18+$0x0];
	[tilespmem:s4+$0x1000] =	vst v1;
	v10 =	vadd.s32 v6, v61;
	v6 =	vcvt.s32.f32 v6;
	v1 =	vtrunc.f32 v3  }
0x3e: {  	[tilespmem:s4+$0x1C00] =	vst v9;
	v4 =	vadd.s32 v4, v10;
	v62 =	vtrunc.f32 v7;
	v1 =	vcvt.f32.s32 v1  }
0x3f: {  	v10 =	vadd.s32 $0x101, v4;
	[tilespmem:s1+$0x1400] =	vst v4;
	v5 =	vsub.f32 v5, v6;
	v9 =	vcvt.f32.s32 v62  }
0x40: {  	v6 =	vcvt.s32.f32 v12;
	v63 =	vadd.s32 $0x1, v4;
	[tilespmem:s1+$0x2000] =	vst v10;
	vm14 =	vlt.s32 v1, $0xFE  }
0x41: {  	v4 =	vadd.s32 $0x100, v4;
	[tilespmem:s1+$0x1800] =	vst v63;
	vm15 =	vlt.s32 v9, $0xFE;
	v1 =	vnsel vm14, $0xFE, v1  }
0x42: {  	[tilespmem:s1+$0xC00] =	vst v5;
	v2 =	vsub.f32 v2, v6;
	v5 =	vnsel vm15, $0xFE, v9;
	v6 =	vshll.u32 v1, $0x8  }
0x43: {  	[tilespmem:s1+$0x1C00] =	vst v4;
	v8 =	vshll.u32 v8, $0x10;
	v1 =	vcvt.s32.f32 v1;
	v6 =	vadd.s32 v5, v6  }
0x44: {  	[tilespmem:s1+$0x1000] =	vst v2;
	v2 =	vcvt.s32.f32 v5;
	v5 =	vadd.s32 v8, v6  }
0x45: {  	v1 =	vsub.f32 v3, v1;
	[tilespmem:s18+$0x1400] =	vst v5;
	v4 =	vadd.s32 $0x101, v5  }
0x46: {  	v2 =	vsub.f32 v7, v2;
	[tilespmem:s18+$0x2000] =	vst v4  }
0x47: {  	[tilespmem:s18+$0x1000] =	vst v1  }
0x48: {  	v4 =	vadd.s32 $0x1, v5;
	[tilespmem:s18+$0xC00] =	vst v2  }
0x49: {  	[tilespmem:s18+$0x1800] =	vst v4;
	v2 =	vadd.s32 $0x100, v5  }
0x4a: {  	s19 =	simm.s32 $0x1400;
	[tilespmem:s18+$0x1C00] =	vst v2  }
0x4b: {  	[tilespmem:s22], [sflag:$0x1] =	stream.indirect.gather [hbm4b:s3+s20], $0x8, s19, s20, $0xb8;
	[tilespmem:$0xC400] =	vst v63  }
0x4c: {  	s16 =	simm.s32 $0x2800;
	s4 =	simm.s32 $0x1480  }
0x4d: {  	[tilespmem:s16], [sflag:$0x1] =	stream.indirect.gather [hbm4b:s3+s20], $0x8, s4, s20, $0xb8;
	[tilespmem:$0xC400] =	vst v63  }
0x4e: {  	s18 =	simm.s32 $0x1500;
	s19 =	simm.s32 $0x2C00  }
0x4f: {  	[tilespmem:s19], [sflag:$0x1] =	stream.indirect.gather [hbm4b:s3+s20], $0x8, s18, s20, $0xb8;
	[tilespmem:$0xC400] =	vst v63  }
0x50: {  	s4 =	simm.s32 $0x1580;
	s16 =	simm.s32 $0x3000  }
0x51: {  	[tilespmem:s16], [sflag:$0x1] =	stream.indirect.gather [hbm4b:s3+s20], $0x8, s4, s20, $0xb8;
	[tilespmem:$0xC400] =	vst v63  }
0x52: {  	s18 =	simm.s32 $0x1600;
	s19 =	simm.s32 $0x3400  }
0x53: {  	[tilespmem:s19], [sflag:$0x1] =	stream.indirect.gather [hbm4b:s3+s20], $0x8, s18, s20, $0xb8;
	[tilespmem:$0xC400] =	vst v63  }
0x54: {  	s4 =	simm.s32 $0x1680;
	s16 =	simm.s32 $0x3800  }
0x55: {  	[tilespmem:s16], [sflag:$0x1] =	stream.indirect.gather [hbm4b:s3+s20], $0x8, s4, s20, $0xb8;
	[tilespmem:$0xC400] =	vst v63  }
0x56: {  	s18 =	simm.s32 $0x1700;
	s19 =	simm.s32 $0x3C00  }
0x57: {  	[tilespmem:s19], [sflag:$0x1] =	stream.indirect.gather [hbm4b:s3+s20], $0x8, s18, s20, $0xb8;
	[tilespmem:$0xC400] =	vst v63  }
0x58: {  	s16 =	simm.s32 $0x1780;
	s18 =	simm.s32 $0x4000  }
0x59: {  	[tilespmem:s18], [sflag:$0x1] =	stream.indirect.gather [hbm4b:s3+s20], $0x8, s16, s20, $0xb8;
	[tilespmem:$0xC400] =	vst v63  }
0x5a: {  	s19 =	simm.s32 $0x1800  }
0x5b: {  	[tilespmem:s23], [sflag:$0x1] =	stream.indirect.gather [hbm4b:s3+s20], $0x8, s19, s20, $0xb8;
	[tilespmem:$0xC400] =	vst v63  }
0x5c: {  	s4 =	simm.s32 $0x1880;
	s16 =	simm.s32 $0x4800  }
0x5d: {  	[tilespmem:s16], [sflag:$0x1] =	stream.indirect.gather [hbm4b:s3+s20], $0x8, s4, s20, $0xb8;
	[tilespmem:$0xC400] =	vst v63  }
0x5e: {  	s18 =	simm.s32 $0x1900;
	s19 =	simm.s32 $0x4C00  }
0x5f: {  	[tilespmem:s19], [sflag:$0x1] =	stream.indirect.gather [hbm4b:s3+s20], $0x8, s18, s20, $0xb8;
	[tilespmem:$0xC400] =	vst v63  }
0x60: {  	s4 =	simm.s32 $0x1980;
	s16 =	simm.s32 $0x5000  }
0x61: {  	[tilespmem:s16], [sflag:$0x1] =	stream.indirect.gather [hbm4b:s3+s20], $0x8, s4, s20, $0xb8;
	[tilespmem:$0xC400] =	vst v63  }
0x62: {  	s18 =	simm.s32 $0x1A00;
	s19 =	simm.s32 $0x5400  }
0x63: {  	[tilespmem:s19], [sflag:$0x1] =	stream.indirect.gather [hbm4b:s3+s20], $0x8, s18, s20, $0xb8;
	[tilespmem:$0xC400] =	vst v63  }
0x64: {  	s4 =	simm.s32 $0x1A80;
	s16 =	simm.s32 $0x5800  }
0x65: {  	[tilespmem:s16], [sflag:$0x1] =	stream.indirect.gather [hbm4b:s3+s20], $0x8, s4, s20, $0xb8;
	[tilespmem:$0xC400] =	vst v63  }
0x66: {  	s18 =	simm.s32 $0x1B00;
	s19 =	simm.s32 $0x5C00  }
0x67: {  	[tilespmem:s19], [sflag:$0x1] =	stream.indirect.gather [hbm4b:s3+s20], $0x8, s18, s20, $0xb8;
	[tilespmem:$0xC400] =	vst v63  }
0x68: {  	s16 =	simm.s32 $0x1B80;
	s18 =	simm.s32 $0x6000  }
0x69: {  	[tilespmem:s18], [sflag:$0x1] =	stream.indirect.gather [hbm4b:s3+s20], $0x8, s16, s20, $0xb8;
	[tilespmem:$0xC400] =	vst v63  }
0x6a: {  	s19 =	simm.s32 $0x1C00  }
0x6b: {  	[tilespmem:s25], [sflag:$0x1] =	stream.indirect.gather [hbm4b:s3+s20], $0x8, s19, s20, $0xb8;
	[tilespmem:$0xC400] =	vst v63  }
0x6c: {  	s4 =	simm.s32 $0x1C80;
	s16 =	simm.s32 $0x6800  }
0x6d: {  	[tilespmem:s16], [sflag:$0x1] =	stream.indirect.gather [hbm4b:s3+s20], $0x8, s4, s20, $0xb8;
	[tilespmem:$0xC400] =	vst v63  }
0x6e: {  	s18 =	simm.s32 $0x1D00;
	s19 =	simm.s32 $0x6C00  }
0x6f: {  	[tilespmem:s19], [sflag:$0x1] =	stream.indirect.gather [hbm4b:s3+s20], $0x8, s18, s20, $0xb8;
	[tilespmem:$0xC400] =	vst v63  }
0x70: {  	s4 =	simm.s32 $0x1D80;
	s16 =	simm.s32 $0x7000  }
0x71: {  	[tilespmem:s16], [sflag:$0x1] =	stream.indirect.gather [hbm4b:s3+s20], $0x8, s4, s20, $0xb8;
	[tilespmem:$0xC400] =	vst v63  }
0x72: {  	s18 =	simm.s32 $0x1E00;
	s19 =	simm.s32 $0x7400  }
0x73: {  	[tilespmem:s19], [sflag:$0x1] =	stream.indirect.gather [hbm4b:s3+s20], $0x8, s18, s20, $0xb8;
	[tilespmem:$0xC400] =	vst v63  }
0x74: {  	s4 =	simm.s32 $0x1E80;
	s16 =	simm.s32 $0x7800  }
0x75: {  	[tilespmem:s16], [sflag:$0x1] =	stream.indirect.gather [hbm4b:s3+s20], $0x8, s4, s20, $0xb8;
	[tilespmem:$0xC400] =	vst v63  }
0x76: {  	s18 =	simm.s32 $0x1F00;
	s19 =	simm.s32 $0x7C00  }
0x77: {  	[tilespmem:s19], [sflag:$0x1] =	stream.indirect.gather [hbm4b:s3+s20], $0x8, s18, s20, $0xb8;
	[tilespmem:$0xC400] =	vst v63  }
0x78: {  	s16 =	simm.s32 $0x1F80;
	s18 =	simm.s32 $0x8000  }
0x79: {  	[tilespmem:s18], [sflag:$0x1] =	stream.indirect.gather [hbm4b:s3+s20], $0x8, s16, s20, $0xb8;
	[tilespmem:$0xC400] =	vst v63  }
0x7a: {  	s19 =	simm.s32 $0x2000  }
0x7b: {  	[tilespmem:s29], [sflag:$0x1] =	stream.indirect.gather [hbm4b:s3+s20], $0x8, s19, s20, $0xb8;
	[tilespmem:$0xC400] =	vst v63  }
0x7c: {  	s4 =	simm.s32 $0x2080;
	s16 =	simm.s32 $0x8800  }
0x7d: {  	[tilespmem:s16], [sflag:$0x1] =	stream.indirect.gather [hbm4b:s3+s20], $0x8, s4, s20, $0xb8;
	[tilespmem:$0xC400] =	vst v63  }
0x7e: {  	s18 =	simm.s32 $0x2100;
	s19 =	simm.s32 $0x8C00  }
0x7f: {  	[tilespmem:s19], [sflag:$0x1] =	stream.indirect.gather [hbm4b:s3+s20], $0x8, s18, s20, $0xb8;
	[tilespmem:$0xC400] =	vst v63  }
0x80: {  	s4 =	simm.s32 $0x2180;
	s16 =	simm.s32 $0x9000  }
0x81: {  	[tilespmem:s16], [sflag:$0x1] =	stream.indirect.gather [hbm4b:s3+s20], $0x8, s4, s20, $0xb8;
	[tilespmem:$0xC400] =	vst v63  }
0x82: {  	s18 =	simm.s32 $0x2200;
	s19 =	simm.s32 $0x9400  }
0x83: {  	[tilespmem:s19], [sflag:$0x1] =	stream.indirect.gather [hbm4b:s3+s20], $0x8, s18, s20, $0xb8;
	[tilespmem:$0xC400] =	vst v63  }
0x84: {  	s4 =	simm.s32 $0x2280;
	s16 =	simm.s32 $0x9800  }
0x85: {  	[tilespmem:s16], [sflag:$0x1] =	stream.indirect.gather [hbm4b:s3+s20], $0x8, s4, s20, $0xb8;
	[tilespmem:$0xC400] =	vst v63  }
0x86: {  	s18 =	simm.s32 $0x2300;
	s19 =	simm.s32 $0x9C00  }
0x87: {  	[tilespmem:s19], [sflag:$0x1] =	stream.indirect.gather [hbm4b:s3+s20], $0x8, s18, s20, $0xb8;
	[tilespmem:$0xC400] =	vst v63  }
0x88: {  	s16 =	simm.s32 $0x2380;
	s18 =	simm.s32 $0xA000  }
0x89: {  	[tilespmem:s18], [sflag:$0x1] =	stream.indirect.gather [hbm4b:s3+s20], $0x8, s16, s20, $0xb8;
	[tilespmem:$0xC400] =	vst v63  }
0x8a: {  	_ =	swait.ge [sflag:s0], $0x400  }
0x8b: {  	[sflag:s0] =	ssyncset.done $0x0  }
0x8c: {  	[sflag:s0] =	ssyncadd.s32 $0xFFFFFC00  }
0x8d: {  	_ =	swait.ge [sflag:s0], $0x400  }
0x8e: {  	[sflag:s0] =	ssyncset.done $0x0  }
0x8f: {  	[sflag:s0] =	ssyncadd.s32 $0xFFFFFC00  }
0x90: {  	_ =	swait.ge [sflag:s0], $0x400  }
0x91: {  	[sflag:s0] =	ssyncset.done $0x0  }
0x92: {  	[sflag:s0] =	ssyncadd.s32 $0xFFFFFC00  }
0x93: {  	_ =	swait.ge [sflag:s0], $0x400  }
0x94: {  	[sflag:s0] =	ssyncset.done $0x0  }
0x95: {  	[sflag:s0] =	ssyncadd.s32 $0xFFFFFC00  }
0x96: {  	_ =	swait.ge [sflag:s0], $0x400  }
0x97: {  	[sflag:s0] =	ssyncset.done $0x0  }
0x98: {  	[sflag:s0] =	ssyncadd.s32 $0xFFFFFC00  }
0x99: {  	_ =	swait.ge [sflag:s0], $0x400  }
0x9a: {  	[sflag:s0] =	ssyncset.done $0x0  }
0x9b: {  	[sflag:s0] =	ssyncadd.s32 $0xFFFFFC00  }
0x9c: {  	_ =	swait.ge [sflag:s0], $0x400  }
0x9d: {  	[sflag:s0] =	ssyncset.done $0x0  }
0x9e: {  	[sflag:s0] =	ssyncadd.s32 $0xFFFFFC00  }
0x9f: {  	_ =	swait.ge [sflag:s0], $0x400  }
0xa0: {  	[sflag:s0] =	ssyncset.done $0x0  }
0xa1: {  	[sflag:s0] =	ssyncadd.s32 $0xFFFFFC00  }
0xa2: {  	_ =	swait.ge [sflag:s0], $0x400  }
0xa3: {  	[sflag:s0] =	ssyncset.done $0x0  }
0xa4: {  	[sflag:s0] =	ssyncadd.s32 $0xFFFFFC00  }
0xa5: {  	_ =	swait.ge [sflag:s0], $0x400  }
0xa6: {  	[sflag:s0] =	ssyncset.done $0x0  }
0xa7: {  	[sflag:s0] =	ssyncadd.s32 $0xFFFFFC00  }
0xa8: {  	_ =	swait.ge [sflag:s0], $0x400  }
0xa9: {  	[sflag:s0] =	ssyncset.done $0x0  }
0xaa: {  	[sflag:s0] =	ssyncadd.s32 $0xFFFFFC00  }
0xab: {  	_ =	swait.ge [sflag:s0], $0x400  }
0xac: {  	[sflag:s0] =	ssyncset.done $0x0  }
0xad: {  	[sflag:s0] =	ssyncadd.s32 $0xFFFFFC00  }
0xae: {  	_ =	swait.ge [sflag:s0], $0x400  }
0xaf: {  	[sflag:s0] =	ssyncset.done $0x0  }
0xb0: {  	[sflag:s0] =	ssyncadd.s32 $0xFFFFFC00  }
0xb1: {  	_ =	swait.ge [sflag:s0], $0x400  }
0xb2: {  	[sflag:s0] =	ssyncset.done $0x0  }
0xb3: {  	[sflag:s0] =	ssyncadd.s32 $0xFFFFFC00  }
0xb4: {  	_ =	swait.ge [sflag:s0], $0x400  }
0xb5: {  	[sflag:s0] =	ssyncset.done $0x0  }
0xb6: {  	[sflag:s0] =	ssyncadd.s32 $0xFFFFFC00  }
0xb7: {  	_ =	swait.ge [sflag:s0], $0x400  }
0xb8: {  	[sflag:s0] =	ssyncset.done $0x0  }
0xb9: {  	[sflag:s0] =	ssyncadd.s32 $0xFFFFFC00  }
0xba: {  	_ =	swait.ge [sflag:s0], $0x400  }
0xbb: {  	[sflag:s0] =	ssyncset.done $0x0  }
0xbc: {  	[sflag:s0] =	ssyncadd.s32 $0xFFFFFC00  }
0xbd: {  	_ =	swait.ge [sflag:s0], $0x400  }
0xbe: {  	[sflag:s0] =	ssyncset.done $0x0  }
0xbf: {  	[sflag:s0] =	ssyncadd.s32 $0xFFFFFC00  }
0xc0: {  	_ =	swait.ge [sflag:s0], $0x400  }
0xc1: {  	[sflag:s0] =	ssyncset.done $0x0  }
0xc2: {  	[sflag:s0] =	ssyncadd.s32 $0xFFFFFC00  }
0xc3: {  	_ =	swait.ge [sflag:s0], $0x400  }
0xc4: {  	[sflag:s0] =	ssyncset.done $0x0  }
0xc5: {  	[sflag:s0] =	ssyncadd.s32 $0xFFFFFC00  }
0xc6: {  	_ =	swait.ge [sflag:s0], $0x400  }
0xc7: {  	[sflag:s0] =	ssyncset.done $0x0  }
0xc8: {  	[sflag:s0] =	ssyncadd.s32 $0xFFFFFC00  }
0xc9: {  	_ =	swait.ge [sflag:s0], $0x400  }
0xca: {  	[sflag:s0] =	ssyncset.done $0x0  }
0xcb: {  	[sflag:s0] =	ssyncadd.s32 $0xFFFFFC00  }
0xcc: {  	_ =	swait.ge [sflag:s0], $0x400  }
0xcd: {  	[sflag:s0] =	ssyncset.done $0x0  }
0xce: {  	[sflag:s0] =	ssyncadd.s32 $0xFFFFFC00  }
0xcf: {  	_ =	swait.ge [sflag:s0], $0x400  }
0xd0: {  	[sflag:s0] =	ssyncset.done $0x0  }
0xd1: {  	[sflag:s0] =	ssyncadd.s32 $0xFFFFFC00  }
0xd2: {  	_ =	swait.ge [sflag:s0], $0x400  }
0xd3: {  	[sflag:s0] =	ssyncset.done $0x0  }
0xd4: {  	[sflag:s0] =	ssyncadd.s32 $0xFFFFFC00  }
0xd5: {  	_ =	swait.ge [sflag:s0], $0x400  }
0xd6: {  	[sflag:s0] =	ssyncset.done $0x0  }
0xd7: {  	[sflag:s0] =	ssyncadd.s32 $0xFFFFFC00  }
0xd8: {  	_ =	swait.ge [sflag:s0], $0x400  }
0xd9: {  	[sflag:s0] =	ssyncset.done $0x0  }
0xda: {  	[sflag:s0] =	ssyncadd.s32 $0xFFFFFC00  }
0xdb: {  	_ =	swait.ge [sflag:s0], $0x400  }
0xdc: {  	[sflag:s0] =	ssyncset.done $0x0  }
0xdd: {  	[sflag:s0] =	ssyncadd.s32 $0xFFFFFC00  }
0xde: {  	_ =	swait.ge [sflag:s0], $0x400  }
0xdf: {  	[sflag:s0] =	ssyncset.done $0x0  }
0xe0: {  	[sflag:s0] =	ssyncadd.s32 $0xFFFFFC00  }
0xe1: {  	_ =	swait.ge [sflag:s0], $0x400  }
0xe2: {  	s19 =	simm.s32 $0x0;
	[sflag:s0] =	ssyncset.done $0x0  }
0xe3: {  	v1 =	vmov s19;
	[sflag:s0] =	ssyncadd.s32 $0xFFFFFC00  }
0xe4: {  	v1 =	vshll.u32 v1, $0x3;
	_ =	swait.ge [sflag:s0], $0x400  }
0xe5: {  	v3 =	vor.u32 v0, v1;
	[sflag:s0] =	ssyncset.done $0x0  }
0xe6: {  	[sflag:s0] =	ssyncadd.s32 $0xFFFFFC00  }
0xe7: {  	_ =	swait.ge [sflag:s0], $0x400  }
0xe8: {  	[sflag:s0] =	ssyncset.done $0x0  }
0xe9: {  	[sflag:s0] =	ssyncadd.s32 $0xFFFFFC00  }
0xea: {  	v2 =	vld.idx.msk [tilespmem:v3+s29+$0x0], $0xffff  }
0xeb: {  	v4 =	vld.idx.msk [tilespmem:v3+s22+$0x0], $0xffff  }
0xec: {  	v5 =	vld.idx.msk [tilespmem:v3+s25+$0x0], $0xffff  }
0xed: {  	v6 =	vld.idx.msk [tilespmem:v3+s23+$0x0], $0xffff  }
0xee: {  	s31 =	simm.s32 $0xC00  }
0xef: {  	v1 =	vld [tilespmem:s31+$0x0];
	_ =	sdelay $0x2  }
0xf0: {  	v2 =	vsub.f32 v2, v5;
	v6 =	vsub.f32 v6, v4;
	_ =	sdelay $0x1  }
0xf1: {  	s4 =	simm.s32 $0x1000;
	v7 =	vmul.f32 v2, v1;
	v6 =	vmul.f32 v6, v1  }
0xf2: {  	v2 =	vld [tilespmem:s4+$0x0]  }
0xf3: {  	v5 =	vadd.f32 v7, v5;
	v4 =	vadd.f32 v6, v4;
	_ =	sdelay $0x1  }
0xf4: {  	v5 =	vsub.f32 v5, v4;
	_ =	sdelay $0x1  }
0xf5: {  	v6 =	vor.u32 $0x1, v3;
	v5 =	vmul.f32 v5, v2;
	_ =	sdelay $0x1  }
0xf6: {  	v4 =	vadd.f32 v5, v4  }
0xf7: {  	s16 =	simm.s32 $0xB400  }
0xf8: {  	[tilespmem:s16+$0xFFFFF000] =	vst v4  }
0xf9: {  	v4 =	vld.idx.msk [tilespmem:v6+s25+$0x0], $0xffff  }
0xfa: {  	v5 =	vld.idx.msk [tilespmem:v6+s23+$0x0], $0xffff  }
0xfb: {  	v7 =	vld.idx.msk [tilespmem:v6+s22+$0x0], $0xffff  }
0xfc: {  	v6 =	vld.idx.msk [tilespmem:v6+s29+$0x0], $0xffff;
	_ =	sdelay $0x4  }
0xfd: {  	v5 =	vsub.f32 v5, v7;
	v6 =	vsub.f32 v6, v4;
	_ =	sdelay $0x1  }
0xfe: {  	v5 =	vmul.f32 v5, v1;
	v6 =	vmul.f32 v6, v1;
	_ =	sdelay $0x1  }
0xff: {  	v5 =	vadd.f32 v5, v7;
	v4 =	vadd.f32 v6, v4;
	_ =	sdelay $0x1  }
0x100: {  	v4 =	vsub.f32 v4, v5;
	_ =	sdelay $0x1  }
0x101: {  	v6 =	vor.u32 $0x2, v3;
	v4 =	vmul.f32 v4, v2;
	_ =	sdelay $0x1  }
0x102: {  	v4 =	vadd.f32 v4, v5;
	_ =	sdelay $0x1  }
0x103: {  	[tilespmem:s16+$0xFFFFF400] =	vst v4  }
0x104: {  	v4 =	vld.idx.msk [tilespmem:v6+s25+$0x0], $0xffff  }
0x105: {  	v5 =	vld.idx.msk [tilespmem:v6+s23+$0x0], $0xffff  }
0x106: {  	v7 =	vld.idx.msk [tilespmem:v6+s22+$0x0], $0xffff  }
0x107: {  	v6 =	vld.idx.msk [tilespmem:v6+s29+$0x0], $0xffff;
	_ =	sdelay $0x4  }
0x108: {  	v5 =	vsub.f32 v5, v7;
	v6 =	vsub.f32 v6, v4;
	_ =	sdelay $0x1  }
0x109: {  	v5 =	vmul.f32 v5, v1;
	v6 =	vmul.f32 v6, v1;
	_ =	sdelay $0x1  }
0x10a: {  	v5 =	vadd.f32 v5, v7;
	v4 =	vadd.f32 v6, v4;
	_ =	sdelay $0x1  }
0x10b: {  	v4 =	vsub.f32 v4, v5;
	_ =	sdelay $0x1  }
0x10c: {  	v6 =	vor.u32 $0x3, v3;
	v4 =	vmul.f32 v4, v2;
	_ =	sdelay $0x1  }
0x10d: {  	v4 =	vadd.f32 v4, v5;
	_ =	sdelay $0x1  }
0x10e: {  	[tilespmem:s16+$0xFFFFF800] =	vst v4  }
0x10f: {  	v4 =	vld.idx.msk [tilespmem:v6+s29+$0x0], $0xffff  }
0x110: {  	v5 =	vld.idx.msk [tilespmem:v6+s22+$0x0], $0xffff  }
0x111: {  	v7 =	vld.idx.msk [tilespmem:v6+s25+$0x0], $0xffff  }
0x112: {  	v6 =	vld.idx.msk [tilespmem:v6+s23+$0x0], $0xffff;
	_ =	sdelay $0x4  }
0x113: {  	v4 =	vsub.f32 v4, v7;
	v6 =	vsub.f32 v6, v5;
	_ =	sdelay $0x1  }
0x114: {  	v4 =	vmul.f32 v4, v1;
	v6 =	vmul.f32 v6, v1;
	_ =	sdelay $0x1  }
0x115: {  	v4 =	vadd.f32 v4, v7;
	v5 =	vadd.f32 v6, v5;
	_ =	sdelay $0x1  }
0x116: {  	v4 =	vsub.f32 v4, v5;
	_ =	sdelay $0x1  }
0x117: {  	v6 =	vor.u32 $0x4, v3;
	v4 =	vmul.f32 v4, v2;
	_ =	sdelay $0x1  }
0x118: {  	v4 =	vadd.f32 v4, v5;
	_ =	sdelay $0x1  }
0x119: {  	[tilespmem:s16+$0xFFFFFC00] =	vst v4  }
0x11a: {  	v4 =	vld.idx.msk [tilespmem:v6+s29+$0x0], $0xffff  }
0x11b: {  	v5 =	vld.idx.msk [tilespmem:v6+s23+$0x0], $0xffff  }
0x11c: {  	v7 =	vld.idx.msk [tilespmem:v6+s22+$0x0], $0xffff  }
0x11d: {  	v6 =	vld.idx.msk [tilespmem:v6+s25+$0x0], $0xffff;
	_ =	sdelay $0x4  }
0x11e: {  	v5 =	vsub.f32 v5, v7;
	v4 =	vsub.f32 v4, v6;
	_ =	sdelay $0x1  }
0x11f: {  	v5 =	vmul.f32 v5, v1;
	v4 =	vmul.f32 v4, v1;
	_ =	sdelay $0x1  }
0x120: {  	v5 =	vadd.f32 v5, v7;
	v4 =	vadd.f32 v4, v6;
	_ =	sdelay $0x1  }
0x121: {  	v4 =	vsub.f32 v4, v5;
	_ =	sdelay $0x1  }
0x122: {  	v6 =	vor.u32 $0x5, v3;
	v4 =	vmul.f32 v4, v2;
	_ =	sdelay $0x1  }
0x123: {  	v4 =	vadd.f32 v4, v5;
	_ =	sdelay $0x1  }
0x124: {  	[tilespmem:s16+$0x0] =	vst v4  }
0x125: {  	v4 =	vld.idx.msk [tilespmem:v6+s25+$0x0], $0xffff  }
0x126: {  	v5 =	vld.idx.msk [tilespmem:v6+s23+$0x0], $0xffff  }
0x127: {  	v7 =	vld.idx.msk [tilespmem:v6+s22+$0x0], $0xffff  }
0x128: {  	v6 =	vld.idx.msk [tilespmem:v6+s29+$0x0], $0xffff;
	_ =	sdelay $0x4  }
0x129: {  	v5 =	vsub.f32 v5, v7;
	v6 =	vsub.f32 v6, v4;
	_ =	sdelay $0x1  }
0x12a: {  	v5 =	vmul.f32 v5, v1;
	v6 =	vmul.f32 v6, v1;
	_ =	sdelay $0x1  }
0x12b: {  	v5 =	vadd.f32 v5, v7;
	v4 =	vadd.f32 v6, v4;
	_ =	sdelay $0x1  }
0x12c: {  	v4 =	vsub.f32 v4, v5;
	_ =	sdelay $0x1  }
0x12d: {  	v6 =	vor.u32 $0x6, v3;
	v4 =	vmul.f32 v4, v2;
	_ =	sdelay $0x1  }
0x12e: {  	v4 =	vadd.f32 v4, v5;
	_ =	sdelay $0x1  }
0x12f: {  	[tilespmem:s16+$0x400] =	vst v4  }
0x130: {  	v5 =	vld.idx.msk [tilespmem:v6+s25+$0x0], $0xffff  }
0x131: {  	v4 =	vld.idx.msk [tilespmem:v6+s22+$0x0], $0xffff  }
0x132: {  	v7 =	vld.idx.msk [tilespmem:v6+s23+$0x0], $0xffff  }
0x133: {  	v6 =	vld.idx.msk [tilespmem:v6+s29+$0x0], $0xffff;
	_ =	sdelay $0x4  }
0x134: {  	v7 =	vsub.f32 v7, v4;
	v6 =	vsub.f32 v6, v5;
	_ =	sdelay $0x1  }
0x135: {  	v7 =	vmul.f32 v7, v1;
	v6 =	vmul.f32 v6, v1;
	_ =	sdelay $0x1  }
0x136: {  	v4 =	vadd.f32 v7, v4;
	v5 =	vadd.f32 v6, v5;
	_ =	sdelay $0x1  }
0x137: {  	v5 =	vsub.f32 v5, v4;
	_ =	sdelay $0x1  }
0x138: {  	s1 =	simm.s32 $0xB400;
	s18 =	simm.s32 $0x10;
	v3 =	vor.u32 $0x7, v3;
	v5 =	vmul.f32 v5, v2  }
.LBB2_5:
0x139: {  	s31 =	sadd.s32 $0x10, s31;
	s4 =	sadd.s32 $0x10, s4;
	s16 =	sadd.s32 $0x10, s16  }
0x13a: {  	p0 =	sne.s32 s18, $0x3F0;
	v4 =	vadd.f32 v5, v4;
	s19 =	smov.u32 s18;
	s18 =	sadd.s32 $0x10, s18  }
0x13b: {  	_ = 	snop  }
0x13c: {  	[tilespmem:s1+$0x800] =	vst v4  }
0x13d: {  	v4 =	vld.idx.msk [tilespmem:v3+s22+$0x0], $0xffff  }
0x13e: {  	v5 =	vld.idx.msk [tilespmem:v3+s29+$0x0], $0xffff  }
0x13f: {  	v6 =	vld.idx.msk [tilespmem:v3+s25+$0x0], $0xffff  }
0x140: {  	v3 =	vld.idx.msk [tilespmem:v3+s23+$0x0], $0xffff;
	_ =	sdelay $0x4  }
0x141: {  	v5 =	vsub.f32 v5, v6  }
0x142: {  	v3 =	vsub.f32 v3, v4  }
0x143: {  	v5 =	vmul.f32 v5, v1  }
0x144: {  	v1 =	vmul.f32 v3, v1  }
0x145: {  	v3 =	vadd.f32 v5, v6  }
0x146: {  	v1 =	vadd.f32 v1, v4;
	_ =	sdelay $0x1  }
0x147: {  	v4 =	vmov s19;
	v5 =	vsub.f32 v3, v1  }
0x148: {  	v3 =	vshll.u32 v4, $0x3  }
0x149: {  	v3 =	vor.u32 v0, v3;
	v2 =	vmul.f32 v5, v2;
	_ =	sdelay $0x1  }
0x14a: {  	v1 =	vadd.f32 v2, v1;
	_ =	sdelay $0x1  }
0x14b: {  	[tilespmem:s1+$0xC00] =	vst v1;
	s1 =	smov.u32 s16  }
0x14c: {  	v2 =	vld.idx.msk [tilespmem:v3+s29+$0x0], $0xffff  }
0x14d: {  	v4 =	vld.idx.msk [tilespmem:v3+s22+$0x0], $0xffff  }
0x14e: {  	v5 =	vld.idx.msk [tilespmem:v3+s25+$0x0], $0xffff  }
0x14f: {  	v6 =	vld.idx.msk [tilespmem:v3+s23+$0x0], $0xffff;
	_ =	sdelay $0x1  }
0x150: {  	v1 =	vld [tilespmem:s31+$0x0];
	_ =	sdelay $0x2  }
0x151: {  	v2 =	vsub.f32 v2, v5  }
0x152: {  	v6 =	vsub.f32 v6, v4  }
0x153: {  	v7 =	vmul.f32 v2, v1  }
0x154: {  	v6 =	vmul.f32 v6, v1  }
0x155: {  	v2 =	vld [tilespmem:s4+$0x0];
	v5 =	vadd.f32 v7, v5  }
0x156: {  	v4 =	vadd.f32 v6, v4;
	_ =	sdelay $0x1  }
0x157: {  	v5 =	vsub.f32 v5, v4;
	_ =	sdelay $0x1  }
0x158: {  	v6 =	vor.u32 $0x1, v3;
	v5 =	vmul.f32 v5, v2;
	_ =	sdelay $0x1  }
0x159: {  	v4 =	vadd.f32 v5, v4;
	_ =	sdelay $0x1  }
0x15a: {  	[tilespmem:s16+$0xFFFFF000] =	vst v4  }
0x15b: {  	v4 =	vld.idx.msk [tilespmem:v6+s25+$0x0], $0xffff  }
0x15c: {  	v5 =	vld.idx.msk [tilespmem:v6+s23+$0x0], $0xffff  }
0x15d: {  	v7 =	vld.idx.msk [tilespmem:v6+s22+$0x0], $0xffff  }
0x15e: {  	v6 =	vld.idx.msk [tilespmem:v6+s29+$0x0], $0xffff;
	_ =	sdelay $0x4  }
0x15f: {  	v5 =	vsub.f32 v5, v7  }
0x160: {  	v6 =	vsub.f32 v6, v4  }
0x161: {  	v5 =	vmul.f32 v5, v1  }
0x162: {  	v6 =	vmul.f32 v6, v1;
	_ =	sdelay $0x1  }
0x163: {  	v5 =	vadd.f32 v5, v7;
	v4 =	vadd.f32 v6, v4;
	_ =	sdelay $0x1  }
0x164: {  	v4 =	vsub.f32 v4, v5;
	_ =	sdelay $0x1  }
0x165: {  	v6 =	vor.u32 $0x2, v3;
	v4 =	vmul.f32 v4, v2;
	_ =	sdelay $0x1  }
0x166: {  	v4 =	vadd.f32 v4, v5;
	_ =	sdelay $0x1  }
0x167: {  	[tilespmem:s16+$0xFFFFF400] =	vst v4  }
0x168: {  	v4 =	vld.idx.msk [tilespmem:v6+s25+$0x0], $0xffff  }
0x169: {  	v5 =	vld.idx.msk [tilespmem:v6+s23+$0x0], $0xffff  }
0x16a: {  	v7 =	vld.idx.msk [tilespmem:v6+s22+$0x0], $0xffff  }
0x16b: {  	v6 =	vld.idx.msk [tilespmem:v6+s29+$0x0], $0xffff;
	_ =	sdelay $0x4  }
0x16c: {  	v5 =	vsub.f32 v5, v7  }
0x16d: {  	v6 =	vsub.f32 v6, v4  }
0x16e: {  	v5 =	vmul.f32 v5, v1  }
0x16f: {  	v6 =	vmul.f32 v6, v1;
	_ =	sdelay $0x1  }
0x170: {  	v5 =	vadd.f32 v5, v7;
	v4 =	vadd.f32 v6, v4;
	_ =	sdelay $0x1  }
0x171: {  	v4 =	vsub.f32 v4, v5;
	_ =	sdelay $0x1  }
0x172: {  	v6 =	vor.u32 $0x3, v3;
	v4 =	vmul.f32 v4, v2;
	_ =	sdelay $0x1  }
0x173: {  	v4 =	vadd.f32 v4, v5;
	_ =	sdelay $0x1  }
0x174: {  	[tilespmem:s16+$0xFFFFF800] =	vst v4  }
0x175: {  	v4 =	vld.idx.msk [tilespmem:v6+s29+$0x0], $0xffff  }
0x176: {  	v5 =	vld.idx.msk [tilespmem:v6+s22+$0x0], $0xffff  }
0x177: {  	v7 =	vld.idx.msk [tilespmem:v6+s25+$0x0], $0xffff  }
0x178: {  	v6 =	vld.idx.msk [tilespmem:v6+s23+$0x0], $0xffff;
	_ =	sdelay $0x4  }
0x179: {  	v4 =	vsub.f32 v4, v7  }
0x17a: {  	v6 =	vsub.f32 v6, v5  }
0x17b: {  	v4 =	vmul.f32 v4, v1  }
0x17c: {  	v6 =	vmul.f32 v6, v1  }
0x17d: {  	v4 =	vadd.f32 v4, v7  }
0x17e: {  	v5 =	vadd.f32 v6, v5;
	_ =	sdelay $0x1  }
0x17f: {  	v4 =	vsub.f32 v4, v5;
	_ =	sdelay $0x1  }
0x180: {  	v6 =	vor.u32 $0x4, v3;
	v4 =	vmul.f32 v4, v2;
	_ =	sdelay $0x1  }
0x181: {  	v4 =	vadd.f32 v4, v5;
	_ =	sdelay $0x1  }
0x182: {  	[tilespmem:s16+$0xFFFFFC00] =	vst v4  }
0x183: {  	v4 =	vld.idx.msk [tilespmem:v6+s29+$0x0], $0xffff  }
0x184: {  	v5 =	vld.idx.msk [tilespmem:v6+s23+$0x0], $0xffff  }
0x185: {  	v7 =	vld.idx.msk [tilespmem:v6+s22+$0x0], $0xffff  }
0x186: {  	v6 =	vld.idx.msk [tilespmem:v6+s25+$0x0], $0xffff;
	_ =	sdelay $0x4  }
0x187: {  	v5 =	vsub.f32 v5, v7  }
0x188: {  	v4 =	vsub.f32 v4, v6;
	_ =	sdelay $0x1  }
0x189: {  	v5 =	vmul.f32 v5, v1;
	v4 =	vmul.f32 v4, v1;
	_ =	sdelay $0x1  }
0x18a: {  	v5 =	vadd.f32 v5, v7;
	v4 =	vadd.f32 v4, v6;
	_ =	sdelay $0x1  }
0x18b: {  	v4 =	vsub.f32 v4, v5;
	_ =	sdelay $0x1  }
0x18c: {  	v6 =	vor.u32 $0x5, v3;
	v4 =	vmul.f32 v4, v2;
	_ =	sdelay $0x1  }
0x18d: {  	v4 =	vadd.f32 v4, v5;
	_ =	sdelay $0x1  }
0x18e: {  	[tilespmem:s16+$0x0] =	vst v4  }
0x18f: {  	v4 =	vld.idx.msk [tilespmem:v6+s25+$0x0], $0xffff  }
0x190: {  	v5 =	vld.idx.msk [tilespmem:v6+s23+$0x0], $0xffff  }
0x191: {  	v7 =	vld.idx.msk [tilespmem:v6+s22+$0x0], $0xffff  }
0x192: {  	v6 =	vld.idx.msk [tilespmem:v6+s29+$0x0], $0xffff;
	_ =	sdelay $0x4  }
0x193: {  	v5 =	vsub.f32 v5, v7  }
0x194: {  	v6 =	vsub.f32 v6, v4  }
0x195: {  	v5 =	vmul.f32 v5, v1  }
0x196: {  	v6 =	vmul.f32 v6, v1;
	_ =	sdelay $0x1  }
0x197: {  	v5 =	vadd.f32 v5, v7;
	v4 =	vadd.f32 v6, v4;
	_ =	sdelay $0x1  }
0x198: {  	v4 =	vsub.f32 v4, v5;
	_ =	sdelay $0x1  }
0x199: {  	v6 =	vor.u32 $0x6, v3;
	v4 =	vmul.f32 v4, v2;
	_ =	sdelay $0x1  }
0x19a: {  	v4 =	vadd.f32 v4, v5;
	_ =	sdelay $0x1  }
0x19b: {  	[tilespmem:s16+$0x400] =	vst v4  }
0x19c: {  	v5 =	vld.idx.msk [tilespmem:v6+s25+$0x0], $0xffff  }
0x19d: {  	v4 =	vld.idx.msk [tilespmem:v6+s22+$0x0], $0xffff  }
0x19e: {  	v7 =	vld.idx.msk [tilespmem:v6+s23+$0x0], $0xffff  }
0x19f: {  	v6 =	vld.idx.msk [tilespmem:v6+s29+$0x0], $0xffff;
	_ =	sdelay $0x4  }
0x1a0: {  	v7 =	vsub.f32 v7, v4  }
0x1a1: {  	v6 =	vsub.f32 v6, v5  }
0x1a2: {  	v7 =	vmul.f32 v7, v1  }
0x1a3: {  	v6 =	vmul.f32 v6, v1;
	_ =	sdelay $0x1  }
0x1a4: {  	v4 =	vadd.f32 v7, v4;
	v5 =	vadd.f32 v6, v5  }
.Ltmp1:
0x1a5: {  	(pc) =	sbr.rel @p0 .LBB2_5-.Ltmp1, $3  }
0x1a6: {  	v5 =	vsub.f32 v5, v4;
	_ =	sdelay $0x1  }
0x1a7: {  	v5 =	vmul.f32 v5, v2  }
0x1a8: {  	v3 =	vor.u32 $0x7, v3  }
0x1a9: {  	_ = 	snop  }
0x1aa: {  	v4 =	vadd.f32 v5, v4;
	_ =	sdelay $0x1  }
0x1ab: {  	[tilespmem:s1+$0x800] =	vst v4  }
0x1ac: {  	v4 =	vld.idx.msk [tilespmem:v3+s22+$0x0], $0xffff  }
0x1ad: {  	v63 =	vld.idx.msk [tilespmem:v3+s29+$0x0], $0xffff  }
0x1ae: {  	v6 =	vld.idx.msk [tilespmem:v3+s25+$0x0], $0xffff  }
0x1af: {  	v3 =	vld.idx.msk [tilespmem:v3+s23+$0x0], $0xffff;
	_ =	sdelay $0x4  }
0x1b0: {  	v5 =	vsub.f32 v63, v6;
	v3 =	vsub.f32 v3, v4;
	_ =	sdelay $0x1  }
0x1b1: {  	v5 =	vmul.f32 v5, v1;
	v1 =	vmul.f32 v3, v1;
	_ =	sdelay $0x1  }
0x1b2: {  	v3 =	vadd.f32 v5, v6;
	v1 =	vadd.f32 v1, v4;
	_ =	sdelay $0x1  }
0x1b3: {  	v3 =	vsub.f32 v3, v1;
	_ =	sdelay $0x1  }
0x1b4: {  	v2 =	vmul.f32 v3, v2;
	_ =	sdelay $0x1  }
0x1b5: {  	v1 =	vadd.f32 v2, v1;
	_ =	sdelay $0x1  }
0x1b6: {  	s18 =	sadd.s32 s7, s30;
	s4 =	simm.s32 $0xA400;
	[tilespmem:s1+$0xC00] =	vst v1  }
0x1b7: {  	[hbm4b:s18+s2] =	stream.linear.scatter [tilespmem:s4], [sflag:$0x2], $0x400, $0x38;
	[tilespmem:$0xC400] =	vst v63  }
0x1b8: {  	_ =	swait.ge [sflag:s17], $0x400  }
0x1b9: {  	[sflag:s17] =	ssyncset.done $0x0  }
0x1ba: {  	s19 =	sadd.s32 s30, s9;
	s31 =	simm.s32 $0xA800;
	[sflag:s17] =	ssyncadd.s32 $0xFFFFFC00  }
0x1bb: {  	[hbm4b:s19+s2] =	stream.linear.scatter [tilespmem:s31], [sflag:$0x2], $0x400, $0x38;
	[tilespmem:$0xC400] =	vst v63  }
0x1bc: {  	_ =	swait.ge [sflag:s17], $0x400  }
0x1bd: {  	[sflag:s17] =	ssyncset.done $0x0  }
0x1be: {  	s16 =	sadd.s32 s30, s10;
	s18 =	simm.s32 $0xAC00;
	[sflag:s17] =	ssyncadd.s32 $0xFFFFFC00  }
0x1bf: {  	[hbm4b:s16+s2] =	stream.linear.scatter [tilespmem:s18], [sflag:$0x2], $0x400, $0x38;
	[tilespmem:$0xC400] =	vst v63  }
0x1c0: {  	_ =	swait.ge [sflag:s17], $0x400  }
0x1c1: {  	[sflag:s17] =	ssyncset.done $0x0  }
0x1c2: {  	s19 =	sadd.s32 s30, s11;
	s31 =	simm.s32 $0xB000;
	[sflag:s17] =	ssyncadd.s32 $0xFFFFFC00  }
0x1c3: {  	[hbm4b:s19+s2] =	stream.linear.scatter [tilespmem:s31], [sflag:$0x2], $0x400, $0x38;
	[tilespmem:$0xC400] =	vst v63  }
0x1c4: {  	_ =	swait.ge [sflag:s17], $0x400  }
0x1c5: {  	[sflag:s17] =	ssyncset.done $0x0  }
0x1c6: {  	s4 =	sadd.s32 s30, s12;
	s16 =	simm.s32 $0xB400;
	[sflag:s17] =	ssyncadd.s32 $0xFFFFFC00  }
0x1c7: {  	[hbm4b:s4+s2] =	stream.linear.scatter [tilespmem:s16], [sflag:$0x2], $0x400, $0x38;
	[tilespmem:$0xC400] =	vst v63  }
0x1c8: {  	_ =	swait.ge [sflag:s17], $0x400  }
0x1c9: {  	[sflag:s17] =	ssyncset.done $0x0  }
0x1ca: {  	s18 =	sadd.s32 s30, s13;
	[sflag:s17] =	ssyncadd.s32 $0xFFFFFC00  }
0x1cb: {  	[hbm4b:s18+s2] =	stream.linear.scatter [tilespmem:s21], [sflag:$0x2], $0x400, $0x38;
	[tilespmem:$0xC400] =	vst v63  }
0x1cc: {  	_ =	swait.ge [sflag:s17], $0x400  }
0x1cd: {  	[sflag:s17] =	ssyncset.done $0x0  }
0x1ce: {  	s19 =	sadd.s32 s30, s14;
	[sflag:s17] =	ssyncadd.s32 $0xFFFFFC00  }
0x1cf: {  	[hbm4b:s19+s2] =	stream.linear.scatter [tilespmem:s24], [sflag:$0x2], $0x400, $0x38;
	[tilespmem:$0xC400] =	vst v63  }
0x1d0: {  	s28 =	sadd.s32 $0x1, s28;
	_ =	swait.ge [sflag:s17], $0x400  }
0x1d1: {  	p0 =	sne.s32 s28, $0x20;
	[sflag:s17] =	ssyncset.done $0x0  }
.Ltmp2:
0x1d2: {  	s31 =	sadd.s32 s30, s15;
	[sflag:s17] =	ssyncadd.s32 $0xFFFFFC00;
	(pc) =	sbr.rel @p0 .LBB2_2-.Ltmp2, $4  }
0x1d3: {  	[hbm4b:s31+s2] =	stream.linear.scatter [tilespmem:s26], [sflag:$0x2], $0x400, $0x38;
	[tilespmem:$0xC400] =	vst v63  }
0x1d4: {  	_ =	swait.ge [sflag:s17], $0x400  }
0x1d5: {  	[sflag:s17] =	ssyncset.done $0x0  }
0x1d6: {  	[sflag:s17] =	ssyncadd.s32 $0xFFFFFC00  }
0x1d7: {  	s4 =	rddreg [dreg:$0x4]  }
0x1d8: {  	s1 =	rddreg [dreg:$0x3];
	s4 =	sadd.s32 $0x1, s4  }
0x1d9: {  	p0 =	sne.s32 s4, s1  }
.Ltmp3:
0x1da: {  	_ = 	snop;
	(pc) =	sbr.rel @p0 .LBB2_1-.Ltmp3, $1  }
0x1db: {  	_ =	sdelay $0x3  }
0x1dc: {  	_ =	sfence.sel $0x180000  }
0x1dd: {  	[bflag:$0x0] =	sbarrier.arrive $0xFFFF  }
0x1de: {  	_ =	strace $0x9000004A  }
0x1df: {  	s0 =	stileid.u32;
	[bflag:$0x2] =	sbarrier.arrive $0xFFFF  }
0x1e0: {  	p0 =	sne.s32 s0, $0x0;
	s0 =	rddreg [dreg:$0x2]  }
0x1e1: {  	s0 =	sadd.s32 @!p0 $0x100000, s0  }
0x1e2: {  	[sflag:s0] =	ssyncadd.tile.s32 @!p0 $0x1;
	_ =	shalt  }
.Lfunc_end2:
_tile_overlayer_lowered:
.L_overlay_start_2:
0x1e3: {  	(tag) =	ssettag $0x2  }
0x1e4: {  	s0 =	rddreg [dreg:$0x0];
	s2 =	stileid.u32  }
0x1e5: {  	s1 =	rddreg [dreg:$0x1];
	p0 =	sne.s32 s2, $0x0  }
0x1e6: {  	s3 =	rddreg [dreg:$0x2];
	[bflag:$0x3] =	sbarrier.arrive $0xFFFF;
	s2 =	simm.s32 @!p0 $0x1C02  }
0x1e7: {  	[timem:s3], [sflag:s2] =	dma.local @!p0 [hbm:s0], s1  }
0x1e8: {  	s0 =	simm.s32 @!p0 $0x2  }
0x1e9: {  	_ =	swait.ge @!p0 [sflag:s0], s1  }
0x1ea: {  	s1 =	ssub.s32 @!p0 $0x0, s1;
	[sflag:s0] =	ssyncset.done @!p0 $0x0  }
0x1eb: {  	[sflag:s0] =	ssyncadd.s32 @!p0 s1  }
0x1ec: {  	[bflag:$0x3] =	sbarrier.arrive $0xFFFF  }
0x1ed: {  	_ =	shalt  }

// kernel: sparse-core-data-format-call.cloned.1.call-start
scs
called_computation_lowered:
.L_overlay_start_0:
0x0: {  	s2 =	sld [smem:$0x3FD9]  }
0x1: {  	s3 =	sld [smem:$0x3FFE];
	_ =	sdelay $0x1  }
0x2: {  	s1 =	srdreg.scid  }
0x3: {  	s0 =	sand.u32 $0x1, s1  }
0x4: {  	s18 =	sshll.u32 s0, $0xA;
	s2 =	sadd.s32 s3, s2  }
0x5: {  	s2 =	sadd.s32 s2, s18  }
0x6: {  	[smem:$0x3FC5] =	sst s2  }
0x7: {  	_ = 	snop  }
0x8: {  	s2 =	sld [smem:$0x3FC9];
	(tm) =	ssettm $0x1  }
0x9: {  	s19 =	sld [smem:$0x3FFB];
	_ =	sdelay $0x3  }
0xa: {  	_ =	strace s19  }
0xb: {  	s3 =	sld [smem:$0x3FFC];
	_ =	sdelay $0x3  }
0xc: {  	_ =	strace s3  }
0xd: {  	s3 =	sld [smem:$0x3FFD];
	_ =	sdelay $0x3  }
0xe: {  	_ =	strace s3  }
0xf: {  	_ =	strace $0x8FFFFFFF  }
0x10: {  	s20 =	sld [smem:$0x3FDB];
	_ =	sdelay $0x1  }
0x11: {  	s4 =	simm.s32 $_scs_section_size  }
0x12: {  	s5 =	simm.s32 $_size__tile_overlayer_lowered;
	s6 =	simm.s32 $_tile_overlayer_lowered  }
0x13: {  	s23 =	simm.s32 $0x1BFF;
	s22 =	sshll.u32 s6, $0x1;
	s3 =	sadd.s32 s4, s20  }
0x14: {  	s7 =	simm.s32 $0x0;
	s21 =	sshll.u32 s5, $0x1;
	s5 =	sadd.s32 s22, s3  }
0x15: {  	[timem:s7], [sflag:s23] =	dma.local [hbm:s5], s21  }
0x16: {  	_ =	swait.ge [sflag:s23], s21  }
0x17: {  	s4 =	ssub.s32 $0x0, s21;
	[sflag:s23] =	ssyncset.done $0x0  }
0x18: {  	[sflag:s23] =	ssyncadd.s32 s4;
	_ =	sdelay $0x1  }
0x19: {  	s24 =	simm.s32 $0x1B8B  }
0x1a: {  	_ =	swait.ge [sflag:s24], $0x1  }
0x1b: {  	[sflag:s24] =	ssyncset.done $0x0  }
0x1c: {  	s26 =	simm.s32 $0x1B8E;
	s25 =	sld [smem:$0x3FFE];
	[sflag:s24] =	ssyncadd.s32 $0xFFFFFFFF  }
0x1d: {  	s27 =	simm.s32 $execute0_lowered;
	[smem:$0x3FD2] =	sst s26  }
0x1e: {  	s5 =	sshll.u32 s27, $0x1;
	_ =	strace $0x80000046;
	[dreg:$0x1] =	wrdreg $0xFFFFFFFF  }
0x1f: {  	s28 =	simm.s32 $_size_execute0_lowered;
	s3 =	sadd.s32 s3, s5;
	[dreg:$0x0] =	wrdreg $0x0  }
0x20: {  	s5 =	sshll.u32 s28, $0x1;
	[dreg:$0x2] =	wrdreg s3  }
0x21: {  	[dreg:$0x3] =	wrdreg s5  }
0x22: {  	[dreg:$0x4] =	wrdreg $0xC0  }
0x23: {  	_ =	task [dreg:s7], $0x5FFFF  }
0x24: {  	[dreg:$0x1] =	wrdreg $0xFFFFFFFF  }
0x25: {  	[dreg:$0x0] =	wrdreg $0x60  }
0x26: {  	[dreg:$0x2] =	wrdreg s2  }
0x27: {  	[dreg:$0x3] =	wrdreg s25  }
0x28: {  	[dreg:$0x4] =	wrdreg $0x9  }
0x29: {  	_ =	task.clear_ibuf [dreg:s7], $0x5FFFF;
	_ =	strace $0x90000046  }
0x2a: {  	s29 =	simm.s32 $0x9;
	_ =	strace $0x80000048  }
0x2b: {  	_ =	swait.ge [sflag:s29], $0x1  }
0x2c: {  	[sflag:s29] =	ssyncadd.s32 $0xFFFFFFFF  }
0x2d: {  	_ =	strace $0x90000048  }
0x2e: {  	_ =	sfence  }
0x2f: {  	s30 =	sld [smem:$0x0];
	_ =	sdelay $0x2  }
0x30: {  	s31 =	sshll.u32 s1, $0xD;
	s1 =	sshrl.u32 s1, $0x2  }
0x31: {  	s3 =	sand.u32 $0x4000, s31;
	s1 =	sadd.s32 s1, s30  }
0x32: {  	s0 =	sor.u32 s3, s0;
	s1 =	sshll.u32 s1, $0x11  }
0x33: {  	s0 =	sor.u32 s1, s0  }
0x34: {  	s0 =	sadd.s32 $0x8F2B, s0  }
0x35: {  	[sflag:s0] =	ssyncadd.remote.s32 $0x1  }
0x36: {  	_ =	sfence.sel $0xFFFF  }
0x37: {  	[dreg:$0x0] =	wrdreg $0xFFFFFFFF;
	(pc) =	sbr.abs _section_cstart, $3  }
0x38: {  	[dreg:$0x1] =	wrdreg $0xFFFFFFFF  }
0x39: {  	_ =	task.clear_ibuf [dreg:s7], $0x2FFFF;
	_ =	strace $0x9FFFFFFF  }
0x3a: {  	(tm) =	ssettm $0x7FFFFFFF  }
0x3b: {  	_ =	shalt  }
tec
execute0_lowered:
.L_overlay_start_1:
0x0: {  	(tag) =	ssettag $0x1  }
0x1: {  	s2 =	rddreg [dreg:$0x0]  }
0x2: {  	s1 =	rddreg [dreg:$0x1]  }
0x3: {  	s0 =	rddreg [dreg:$0x2]  }
0x4: {  	s4 =	srdreg.scid;
	_ =	strace $0x80000047;
	s6 =	simm.s32 $0x2  }
0x5: {  	s11 =	simm.s32 $0x0;
	p0 =	por $0x0, $0x0;
	s13 =	simm.s32 $0x0  }
.Ltmp0:
0x6: {  	s12 =	simm.s32 $0x0;
	s8 =	simm.s32 $0x0;
	(pc) =	sbr.rel .LBB1_1-.Ltmp0, $4  }
0x7: {  	s10 =	simm.s32 $0x0;
	s3 =	sadd.s32 $0xE00, s1;
	s4 =	sshll.u32 s4, $0x4  }
0x8: {  	s1 =	stileid.u32;
	s5 =	sand.u32 $0x10, s4;
	s4 =	simm.s32 $0x1  }
0x9: {  	s7 =	simm.s32 $0x0;
	s5 =	sor.u32 s1, s5;
	[sflag:s4] =	ssyncpa.u1 $0x0  }
0xa: {  	[sflag:s6] =	ssyncpa.u1 $0x0;
	s6 =	simm.s32 $0x80;
	s9 =	smov.u32 s5  }
.LBB1_7:
0xb: {  	s14 =	sadd.s32 $0x8, s8  }
0xc: {  	s11 =	sadd.s32 $0x20, s9;
	s15 =	smov.u32 s9;
	p2 =	sgt.s32 s14, $0xFF  }
0xd: {  	s15 =	smov.u32 @p2 s11  }
0xe: {  	s17 =	smov.u32 s10;
	s11 =	sadd.s32 $0x8, s10;
	p3 =	sgt.s32 s15, $0x3F  }
0xf: {  	p1 =	slt.u32 s7, $0x2;
	s17 =	smov.u32 @p3 s11  }
0x10: {  	s7 =	sadd.s32 $0x1, s7;
	s14 =	simm.s32 @p2 $0x0;
	p2 =	sgt.s32 s17, $0x7  }
0x11: {  	s17 =	simm.s32 @p2 $0x0;
	p2 =	sne.s32 s7, $0x42  }
.Ltmp1:
0x12: {  	s16 =	simm.s32 @!p1 $0x2;
	(pc) =	sbr.rel @!p2 .LBB1_8-.Ltmp1, $4  }
0x13: {  	s13 =	smov.u32 s9;
	_ =	swait.ge @!p1 [sflag:s16], $0x4000  }
0x14: {  	s12 =	smov.u32 s10;
	p0 =	por !p0, !p0;
	[sflag:s16] =	ssyncset.done @!p1 $0x0  }
0x15: {  	s15 =	smov.u32 @p3 s5;
	s11 =	smov.u32 s8;
	[sflag:s16] =	ssyncadd.s32 @!p1 $0xFFFFC000  }
0x16: {  	s8 =	smov.u32 s14;
	s9 =	smov.u32 s15;
	s10 =	smov.u32 s17  }
.LBB1_1:
0x17: {  	p1 =	sgt.u32 s7, $0x3F  }
0x18: {  	s14 =	sxor.u32 @!p1 $0xFFFFFFFF, s7  }
0x19: {  	s15 =	sshll.u32 @!p1 s8, $0x8;
	s16 =	sshll.u32 @!p1 s8, $0x7;
	s17 =	sshll.u32 @!p1 s10, $0x13  }
0x1a: {  	s18 =	sshll.u32 @!p1 s9, $0xD;
	s15 =	sand.u32 @!p1 $0xF800, s15;
	s16 =	sand.u32 @!p1 $0x380, s16  }
0x1b: {  	s14 =	sshll.u32 @!p1 s14, $0xE;
	s15 =	sor.u32 @!p1 s16, s15;
	s16 =	sadd.s32 @!p1 s2, s17  }
0x1c: {  	s14 =	sand.u32 @!p1 $0x4000, s14;
	s15 =	sshrl.u32 @!p1 s15, $0x3;
	s16 =	sadd.s32 @!p1 s18, s16  }
0x1d: {  	s17 =	simm.s32 @!p1 $0x400000;
	s15 =	sadd.s32 @!p1 s15, s16;
	s16 =	simm.s32 @!p1 $0x800  }
0x1e: {  	[tilespmem:s14], [sflag:$0x1] =	stream.strided.gather @!p1 [hbm4b:s15+s16], $0x4000, s17, s16, $0x38;
	[tilespmem:$0x11000] =	vst v63  }
0x1f: {  	p1 =	seq.s32 s7, $0x0  }
0x20: {  	p2 =	seq.s32 @!p1 s7, $0x41  }
0x21: {  	p1 =	por p1, p2  }
.Ltmp2:
0x22: {  	_ = 	snop;
	(pc) =	sbr.rel @p1 .LBB1_7-.Ltmp2, $1  }
0x23: {  	_ =	sdelay $0x3  }
0x24: {  	s14 =	simm.s32 $0x1;
	s17 =	sand.u32 $0x1, s7  }
0x25: {  	_ =	swait.ge [sflag:s4], $0x4000;
	s14 =	simm.s32 @!p0 $0x0;
	s18 =	smul.u32 $0x12000, s17  }
0x26: {  	s19 =	simm.s32 $0x0;
	[sflag:s4] =	ssyncset.done $0x0;
	s15 =	smul.u32 $0x12000, s14  }
0x27: {  	s17 =	sshll.u32 s17, $0xE;
	s14 =	sshll.u32 s14, $0xE;
	[sflag:s4] =	ssyncadd.s32 $0xFFFFC000  }
0x28: {  	s16 =	sor.u32 $0x410, s14;
	s31 =	sshrl.u32 s18, $0x2;
	s15 =	sshrl.u32 s15, $0x2  }
0x29: {  	s18 =	simm.s32 $0x0;
	s14 =	sor.u32 $0x8000, s31;
	s15 =	sor.u32 $0x8000, s15  }
.LBB1_3:
0x2a: {  	s20 =	sshll.u32 s19, $0xB  }
0x2b: {  	v2 =	vld [tilespmem:s16+$0xFFFFFBF0];
	v0 =	vmov s20  }
0x2c: {  	v3 =	vld [tilespmem:s16+$0xFFFFFC00]  }
0x2d: {  	s31 =	sand.u32 $0x300, s18;
	v4 =	vld [tilespmem:s16+$0xFFFFFC10]  }
0x2e: {  	s21 =	sand.u32 $0x80, s18;
	v6 =	vld [tilespmem:s16+$0xFFFFFC20];
	s20 =	sadd.s32 s31, s17  }
0x2f: {  	v7 =	vld [tilespmem:s16+$0xFFFFFC30];
	s20 =	sadd.s32 s21, s20  }
0x30: {  	v1 =	vld.idx.msk [tilespmem:v0+s20+$0x400 ss:$0x1], $0xffff;
	s20 =	sadd.s32 $0x0, s15  }
0x31: {  	v8 =	vld [tilespmem:s16+$0xFFFFFC40];
	[tilespmem:s20+$0x0 ss:$0x9] =	vst.msk $0xffff, v2  }
0x32: {  	v9 =	vld [tilespmem:s16+$0xFFFFFC50];
	[tilespmem:s20+$0x90 ss:$0x9] =	vst.msk $0xffff, v3  }
0x33: {  	v5 =	vld [tilespmem:s16+$0xFFFFFC60];
	[tilespmem:s20+$0x120 ss:$0x9] =	vst.msk $0xffff, v4  }
0x34: {  	v4 =	vld [tilespmem:s16+$0x0];
	[tilespmem:s20+$0x1B0 ss:$0x9] =	vst.msk $0xffff, v6  }
0x35: {  	v3 =	vld [tilespmem:s16+$0x10];
	[tilespmem:s20+$0x240 ss:$0x9] =	vst.msk $0xffff, v7  }
0x36: {  	[tilespmem:s20+$0x2D0 ss:$0x9] =	vst.msk $0xffff, v8;
	v2 =	vld [tilespmem:s16+$0x30]  }
0x37: {  	s23 =	simm.s32 $0x80;
	s24 =	simm.s32 $0x4800;
	[tilespmem:s20+$0x480 ss:$0x9] =	vst.msk $0xffff, v1;
	v1 =	vld [tilespmem:s16+$0x20]  }
0x38: {  	s22 =	smov.u32 s16;
	s25 =	sand.u32 $0x300, s23;
	s21 =	simm.s32 $0x2400;
	[tilespmem:s20+$0x360 ss:$0x9] =	vst.msk $0xffff, v9;
	v6 =	vld [tilespmem:s16+$0x40]  }
.LBB1_4:
0x39: {  	p1 =	sne.s32 s24, $0xFC00;
	s26 =	sand.u32 $0x80, s23;
	s25 =	sadd.s32 s25, s17;
	[tilespmem:s20+$0x3F0 ss:$0x9] =	vst.msk $0xffff, v5;
	v5 =	vld [tilespmem:s22+$0x50]  }
0x3a: {  	s25 =	sadd.s32 s26, s25;
	[tilespmem:s20+$0x510 ss:$0x9] =	vst.msk $0xffff, v4;
	v4 =	vld [tilespmem:s22+$0x60]  }
0x3b: {  	s22 =	sadd.s32 $0x80, s22;
	v7 =	vld.idx.msk [tilespmem:v0+s25+$0x400 ss:$0x1], $0xffff;
	[tilespmem:s20+$0x5A0 ss:$0x9] =	vst.msk $0xffff, v3  }
0x3c: {  	v3 =	vld [tilespmem:s22+$0xFFFFFBF0];
	[tilespmem:s20+$0x630 ss:$0x9] =	vst.msk $0xffff, v1  }
0x3d: {  	v1 =	vld [tilespmem:s22+$0xFFFFFC00];
	[tilespmem:s20+$0x6C0 ss:$0x9] =	vst.msk $0xffff, v2  }
0x3e: {  	v2 =	vld [tilespmem:s22+$0xFFFFFC10];
	[tilespmem:s20+$0x750 ss:$0x9] =	vst.msk $0xffff, v6  }
0x3f: {  	s25 =	sshra.s32 s21, $0x2;
	s21 =	smov.u32 s24;
	v6 =	vld [tilespmem:s22+$0xFFFFFC20];
	[tilespmem:s20+$0x7E0 ss:$0x9] =	vst.msk $0xffff, v5  }
0x40: {  	v8 =	vld [tilespmem:s22+$0xFFFFFC30];
	[tilespmem:s20+$0x870 ss:$0x9] =	vst.msk $0xffff, v4;
	s20 =	sadd.s32 s25, s15  }
0x41: {  	v9 =	vld [tilespmem:s22+$0xFFFFFC40];
	[tilespmem:s20+$0x480 ss:$0x9] =	vst.msk $0xffff, v7  }
0x42: {  	[tilespmem:s20+$0x0 ss:$0x9] =	vst.msk $0xffff, v3;
	v7 =	vld [tilespmem:s22+$0xFFFFFC50]  }
0x43: {  	[tilespmem:s20+$0x90 ss:$0x9] =	vst.msk $0xffff, v1;
	v5 =	vld [tilespmem:s22+$0xFFFFFC60]  }
.Ltmp3:
0x44: {  	[tilespmem:s20+$0x120 ss:$0x9] =	vst.msk $0xffff, v2;
	v4 =	vld [tilespmem:s22+$0x0];
	(pc) =	sbr.rel @p1 .LBB1_4-.Ltmp3, $4  }
0x45: {  	[tilespmem:s20+$0x1B0 ss:$0x9] =	vst.msk $0xffff, v6;
	v3 =	vld [tilespmem:s22+$0x10]  }
0x46: {  	[tilespmem:s20+$0x240 ss:$0x9] =	vst.msk $0xffff, v8;
	v1 =	vld [tilespmem:s22+$0x20]  }
0x47: {  	s23 =	sadd.s32 $0x80, s23;
	[tilespmem:s20+$0x2D0 ss:$0x9] =	vst.msk $0xffff, v9;
	v2 =	vld [tilespmem:s22+$0x30]  }
0x48: {  	s24 =	sadd.s32 $0x2400, s24;
	s25 =	sand.u32 $0x300, s23;
	[tilespmem:s20+$0x360 ss:$0x9] =	vst.msk $0xffff, v7;
	v6 =	vld [tilespmem:s22+$0x40]  }
0x49: {  	[tilespmem:s20+$0x3F0 ss:$0x9] =	vst.msk $0xffff, v5  }
0x4a: {  	v47 =	vld [tilespmem:s22+$0x50];
	[tilespmem:s20+$0x510 ss:$0x9] =	vst.msk $0xffff, v4  }
0x4b: {  	v48 =	vld [tilespmem:s22+$0x60];
	s31 =	sadd.s32 $0x80, s22;
	[tilespmem:s20+$0x5A0 ss:$0x9] =	vst.msk $0xffff, v3  }
0x4c: {  	v49 =	vld [tilespmem:s31+$0xFFFFFBF0];
	[tilespmem:s20+$0x630 ss:$0x9] =	vst.msk $0xffff, v1  }
0x4d: {  	v50 =	vld [tilespmem:s31+$0xFFFFFC00];
	[tilespmem:s20+$0x6C0 ss:$0x9] =	vst.msk $0xffff, v2  }
0x4e: {  	v51 =	vld [tilespmem:s31+$0xFFFFFC10];
	[tilespmem:s20+$0x750 ss:$0x9] =	vst.msk $0xffff, v6  }
0x4f: {  	s21 =	sshra.s32 s21, $0x2;
	v52 =	vld [tilespmem:s31+$0xFFFFFC20];
	[tilespmem:s20+$0x7E0 ss:$0x9] =	vst.msk $0xffff, v47  }
0x50: {  	s21 =	sadd.s32 s21, s15;
	v53 =	vld [tilespmem:s31+$0xFFFFFC30];
	[tilespmem:s20+$0x870 ss:$0x9] =	vst.msk $0xffff, v48  }
0x51: {  	v54 =	vld [tilespmem:s31+$0xFFFFFC40];
	[tilespmem:s21+$0x0 ss:$0x9] =	vst.msk $0xffff, v49  }
0x52: {  	v55 =	vld [tilespmem:s31+$0xFFFFFC50];
	[tilespmem:s21+$0x90 ss:$0x9] =	vst.msk $0xffff, v50  }
0x53: {  	v56 =	vld [tilespmem:s31+$0xFFFFFC60];
	[tilespmem:s21+$0x120 ss:$0x9] =	vst.msk $0xffff, v51  }
0x54: {  	v57 =	vld [tilespmem:s31+$0x0];
	[tilespmem:s21+$0x1B0 ss:$0x9] =	vst.msk $0xffff, v52  }
0x55: {  	v58 =	vld [tilespmem:s31+$0x10];
	[tilespmem:s21+$0x240 ss:$0x9] =	vst.msk $0xffff, v53  }
0x56: {  	v59 =	vld [tilespmem:s31+$0x20];
	[tilespmem:s21+$0x2D0 ss:$0x9] =	vst.msk $0xffff, v54  }
0x57: {  	v60 =	vld [tilespmem:s31+$0x30];
	[tilespmem:s21+$0x360 ss:$0x9] =	vst.msk $0xffff, v55  }
0x58: {  	v61 =	vld [tilespmem:s31+$0x40];
	[tilespmem:s21+$0x3F0 ss:$0x9] =	vst.msk $0xffff, v56  }
0x59: {  	s23 =	sand.u32 $0x80, s23;
	s24 =	sadd.s32 s25, s17;
	v62 =	vld [tilespmem:s31+$0x50];
	[tilespmem:s21+$0x510 ss:$0x9] =	vst.msk $0xffff, v57  }
0x5a: {  	s19 =	sadd.s32 $0x1, s19;
	s23 =	sadd.s32 s23, s24;
	v63 =	vld [tilespmem:s31+$0x60];
	[tilespmem:s21+$0x5A0 ss:$0x9] =	vst.msk $0xffff, v58  }
0x5b: {  	p1 =	sne.s32 s19, $0x8;
	v0 =	vld.idx.msk [tilespmem:v0+s23+$0x400 ss:$0x1], $0xffff;
	[tilespmem:s21+$0x630 ss:$0x9] =	vst.msk $0xffff, v59  }
.Ltmp4:
0x5c: {  	[tilespmem:s21+$0x6C0 ss:$0x9] =	vst.msk $0xffff, v60;
	(pc) =	sbr.rel @p1 .LBB1_3-.Ltmp4, $4  }
0x5d: {  	[tilespmem:s21+$0x750 ss:$0x9] =	vst.msk $0xffff, v61  }
0x5e: {  	[tilespmem:s21+$0x7E0 ss:$0x9] =	vst.msk $0xffff, v62  }
0x5f: {  	[tilespmem:s21+$0x870 ss:$0x9] =	vst.msk $0xffff, v63  }
0x60: {  	s16 =	sadd.s32 $0x800, s16;
	s15 =	sadd.s32 $0x1, s15;
	[tilespmem:s21+$0x480 ss:$0x9] =	vst.msk $0xffff, v0  }
0x61: {  	s15 =	sand.u32 $0xF80, s12;
	s13 =	sshll.u32 s13, $0x14  }
.Ltmp5:
0x62: {  	s16 =	sshrl.u32 s12, $0x3;
	s15 =	sadd.s32 s3, s15;
	(pc) =	sbr.rel .LBB1_7-.Ltmp5, $4  }
0x63: {  	s31 =	sand.u32 $0x7, s12;
	s16 =	sand.u32 $0xF, s16;
	s13 =	sadd.s32 s13, s15  }
0x64: {  	s11 =	sshll.u32 s11, $0xC;
	s12 =	sshll.u32 s31, $0x12;
	s13 =	sadd.s32 s16, s13  }
0x65: {  	s12 =	sor.u32 $0x8, s12;
	s11 =	sadd.s32 s11, s13  }
0x66: {  	[hbm4b:s11+s12] =	stream.strided.scatter [tilespmem:s14], [sflag:$0x2], $0x4000, s6, s12, $0x0;
	[tilespmem:$0x11000] =	vst v63  }
.LBB1_8:
0x67: {  	_ =	sfence.sel $0x180000  }
0x68: {  	s2 =	simm.s32 $0x1;
	[bflag:$0x0] =	sbarrier.arrive $0xFFFF  }
0x69: {  	s31 =	simm.s32 $0x2;
	[sflag:s2] =	ssyncpa.u1 $0x1  }
0x6a: {  	[sflag:s31] =	ssyncpa.u1 $0x1  }
0x6b: {  	p0 =	sne.s32 s1, $0x0;
	_ =	strace $0x90000047  }
0x6c: {  	s0 =	sadd.s32 @!p0 $0x100000, s0;
	[bflag:$0x2] =	sbarrier.arrive $0xFFFF  }
0x6d: {  	[sflag:s0] =	ssyncadd.tile.s32 @!p0 $0x1;
	_ =	shalt  }
.Lfunc_end1:
_tile_overlayer_lowered:
.L_overlay_start_2:
0x6e: {  	(tag) =	ssettag $0x2  }
0x6f: {  	s0 =	rddreg [dreg:$0x0];
	s2 =	stileid.u32  }
0x70: {  	s1 =	rddreg [dreg:$0x1];
	p0 =	sne.s32 s2, $0x0  }
0x71: {  	s3 =	rddreg [dreg:$0x2];
	[bflag:$0x3] =	sbarrier.arrive $0xFFFF;
	s2 =	simm.s32 @!p0 $0x1C01  }
0x72: {  	[timem:s3], [sflag:s2] =	dma.local @!p0 [hbm:s0], s1  }
0x73: {  	s0 =	simm.s32 @!p0 $0x1  }
0x74: {  	_ =	swait.ge @!p0 [sflag:s0], s1  }
0x75: {  	s1 =	ssub.s32 @!p0 $0x0, s1;
	[sflag:s0] =	ssyncset.done @!p0 $0x0  }
0x76: {  	[sflag:s0] =	ssyncadd.s32 @!p0 s1  }
0x77: {  	[bflag:$0x3] =	sbarrier.arrive $0xFFFF  }
0x78: {  	_ =	shalt  }

</sc_bundles>
